<compile_context>
chip_gen: v7x
topology: tpu7x:2x2x1
jax: 0.10.2.dev20260603
libtpu: 0.0.44.dev20260713+nightly
codegen_flags: <defaults>
</compile_context>

<pallas_src>
import functools

import jax
import jax.numpy as jnp
import numpy as np
from jax import lax
from jax.experimental import pallas as pl
from jax.experimental.pallas import tpu as pltpu
from jax.experimental.pallas import tpu_sc as plsc

N = 10000
E = 320000
D = 128
R = 8

NC = 2
NS = 16
NW = NC * NS
CHUNK = 64
NCHUNK = 160
SB = 1
SBC = NCHUNK // SB
EPT = NCHUNK * CHUNK
EPAD = NW * EPT
TROWS = 640
NACC = NS * TROWS

_PERM = np.zeros((D,), np.int32)
for _q in range(D // 32):
    for _i in range(16):
        _PERM[_q * 32 + _i] = _q * 16 + _i
        _PERM[_q * 32 + 16 + _i] = _q * 16 + _i + 64


def _sc_scatter_body(xt_hbm, src_hbm, rel_hbm, dst_hbm, zeros_hbm, out_hbm,
                     gidx_v, dst_v, praw, rowsf, acc_sh, gsems, ssems):
    c = lax.axis_index("c")
    s = lax.axis_index("s")
    wid = s * NC + c

    pltpu.sync_copy(zeros_hbm, acc_sh.at[pl.ds(s * TROWS, TROWS)])
    plsc.subcore_barrier()

    gdummy = xt_hbm.at[pl.ds(0, CHUNK)]
    sdummy = zeros_hbm.at[pl.ds(0, CHUNK)]

    def wait_g(k):
        pltpu.make_async_copy(gdummy, praw[k], gsems[k]).wait()

    def wait_s(k):
        pltpu.make_async_copy(sdummy, rowsf[k], ssems[k]).wait()

    def fire_g(j, k):
        pltpu.async_copy(xt_hbm.at[gidx_v.at[j]], praw[k], gsems[k])

    def fire_s(j, k):
        pltpu.async_copy(rowsf[k], acc_sh.at[dst_v.at[j]], ssems[k], add=True)

    def convert(k):
        def _cv(e, carry):
            for q in range(D // 32):
                v = praw[k][e, pl.ds(q * 16, 16)]
                ab = plsc.bitcast(v, jnp.bfloat16)
                a, b = plsc.unpack(ab, format=plsc.PackFormat.INTERLEAVED)
                rowsf[k][e, pl.ds(q * 32, 16)] = a
                rowsf[k][e, pl.ds(q * 32 + 16, 16)] = b
            return carry

        lax.fori_loop(0, CHUNK, _cv, 0)

    for b in range(SB):
        pltpu.sync_copy(src_hbm.at[wid, b], gidx_v)
        pltpu.sync_copy(rel_hbm.at[wid, b], dst_v)

        def _gidx_chunk(j, carry):
            for k in range(CHUNK // 16):
                sl = pl.ds(k * 16, 16)
                gidx_v[j, sl] = dst_v[j, sl] * N + gidx_v[j, sl]
            return carry

        lax.fori_loop(0, SBC, _gidx_chunk, 0)
        pltpu.sync_copy(dst_hbm.at[wid, b], dst_v)

        fire_g(0, 0)
        fire_g(1, 1)
        wait_g(0); convert(0); fire_s(0, 0); fire_g(2, 0)
        wait_g(1); convert(1); fire_s(1, 1); fire_g(3, 1)

        def _step(i, carry):
            j = 2 * i + 2
            wait_g(0); wait_s(0); convert(0); fire_s(j, 0); fire_g(j + 2, 0)
            wait_g(1); wait_s(1); convert(1); fire_s(j + 1, 1); fire_g(j + 3, 1)
            return carry

        lax.fori_loop(0, (SBC - 4) // 2, _step, 0)

        wait_g(0); wait_s(0); convert(0); fire_s(SBC - 2, 0)
        wait_g(1); wait_s(1); convert(1); fire_s(SBC - 1, 1)
        wait_s(0); wait_s(1)

    plsc.subcore_barrier()

    @pl.when(c == 0)
    def _():
        pltpu.sync_copy(acc_sh.at[pl.ds(s * TROWS, TROWS)],
                        out_hbm[0].at[pl.ds(s * TROWS, TROWS)])

    @pl.when(c == 1)
    def _():
        pltpu.sync_copy(acc_sh.at[pl.ds(s * TROWS, TROWS)],
                        out_hbm[1].at[pl.ds(s * TROWS, TROWS)])


def _sc_body_wrap(xt_hbm, src_hbm, rel_hbm, dst_hbm, zeros_hbm, out0, out1,
                  gidx_v, dst_v, p0, p1, f0, f1, acc, g0, g1, s0, s1):
    _sc_scatter_body(xt_hbm, src_hbm, rel_hbm, dst_hbm, zeros_hbm,
                     (out0, out1),
                     gidx_v, dst_v, (p0, p1), (f0, f1), acc,
                     (g0, g1), (s0, s1))


_sc_scatter = pl.kernel(
    _sc_body_wrap,
    out_type=(jax.ShapeDtypeStruct((NACC, D), jnp.float32),
              jax.ShapeDtypeStruct((NACC, D), jnp.float32)),
    mesh=plsc.VectorSubcoreMesh(core_axis_name="c", subcore_axis_name="s"),
    compiler_params=pltpu.CompilerParams(use_tc_tiling_on_sc=False,
                                         needs_layout_passes=False),
    scratch_types=[
        pltpu.VMEM((SBC, CHUNK), jnp.int32),
        pltpu.VMEM((SBC, CHUNK), jnp.int32),
        pltpu.VMEM((CHUNK, D // 2), jnp.int32),
        pltpu.VMEM((CHUNK, D // 2), jnp.int32),
        pltpu.VMEM((CHUNK, D), jnp.float32),
        pltpu.VMEM((CHUNK, D), jnp.float32),
        pltpu.VMEM_SHARED((NACC, D), jnp.float32),
        pltpu.SemaphoreType.DMA,
        pltpu.SemaphoreType.DMA,
        pltpu.SemaphoreType.DMA,
        pltpu.SemaphoreType.DMA,
    ],
)


def _rxw_body(h_ref, w_ref, o_ref):
    y = jnp.dot(h_ref[...], w_ref[0],
                preferred_element_type=jnp.float32).astype(jnp.bfloat16)
    lo = lax.bitcast_convert_type(y[:, :D // 2], jnp.uint16)
    hi = lax.bitcast_convert_type(y[:, D // 2:], jnp.uint16)
    packed = lo.astype(jnp.uint32) | (hi.astype(jnp.uint32) << 16)
    o_ref[0] = lax.bitcast_convert_type(packed, jnp.int32)


def _rxw(h, w):
    return pl.pallas_call(
        _rxw_body,
        grid=(R,),
        in_specs=[
            pl.BlockSpec((N, D), lambda r: (0, 0)),
            pl.BlockSpec((1, D, D), lambda r: (r, 0, 0)),
        ],
        out_specs=pl.BlockSpec((1, N, D // 2), lambda r: (r, 0, 0)),
        out_shape=jax.ShapeDtypeStruct((R, N, D // 2), jnp.int32),
    )(h, w)


def _add_relu_body(p0_ref, p1_ref, o_ref):
    o_ref[...] = jnp.maximum(p0_ref[...] + p1_ref[...], 0.0)


def _add_relu(p0, p1):
    return pl.pallas_call(
        _add_relu_body,
        grid=(1,),
        in_specs=[
            pl.BlockSpec((N, D), lambda i: (0, 0)),
            pl.BlockSpec((N, D), lambda i: (0, 0)),
        ],
        out_specs=pl.BlockSpec((N, D), lambda i: (0, 0)),
        out_shape=jax.ShapeDtypeStruct((N, D), jnp.float32),
    )(p0, p1)


def _final_body(p0_ref, p1_ref, perm_ref, aw1_ref, ab1_ref, aw2_ref, ab2_ref,
                h_ref, att_ref):
    h2 = jnp.dot(p0_ref[...] + p1_ref[...], perm_ref[...],
                 preferred_element_type=jnp.float32)
    h_ref[...] = h2
    m = jnp.mean(h2, axis=0, keepdims=True)
    a = jnp.maximum(
        jnp.dot(m, aw1_ref[...], preferred_element_type=jnp.float32)
        + ab1_ref[...], 0.0)
    att_ref[...] = jax.nn.sigmoid(
        jnp.dot(a, aw2_ref[...], preferred_element_type=jnp.float32)
        + ab2_ref[...])


def _final(p0, p1, perm_mat, aw1, ab1, aw2, ab2):
    full = lambda a: pl.BlockSpec(a.shape, lambda i: (0,) * a.ndim)
    ab1r = ab1.reshape(1, -1)
    ab2r = ab2.reshape(1, -1)
    return pl.pallas_call(
        _final_body,
        grid=(1,),
        in_specs=[
            pl.BlockSpec((N, D), lambda i: (0, 0)),
            pl.BlockSpec((N, D), lambda i: (0, 0)),
            full(perm_mat), full(aw1), full(ab1r), full(aw2), full(ab2r),
        ],
        out_specs=(
            pl.BlockSpec((N, D), lambda i: (0, 0)),
            pl.BlockSpec((1, 10), lambda i: (0, 0)),
        ),
        out_shape=(
            jax.ShapeDtypeStruct((N, D), jnp.float32),
            jax.ShapeDtypeStruct((1, 10), jnp.float32),
        ),
    )(p0, p1, perm_mat, aw1, ab1r, aw2, ab2r)


def kernel(x, edge_index, edge_type, w1, w2, aw1, ab1, aw2, ab2):
    src = edge_index[0]
    dst = edge_index[1]

    pad = EPAD - E
    srcb = jnp.concatenate([src, jnp.zeros((pad,), jnp.int32)]) \
        .reshape(NW, SB, SBC, CHUNK)
    relb = jnp.concatenate([edge_type, jnp.zeros((pad,), jnp.int32)]) \
        .reshape(NW, SB, SBC, CHUNK)
    pad_dst = N + jnp.arange(pad, dtype=jnp.int32) % (NACC - N)
    dstb = jnp.concatenate([dst, pad_dst]).reshape(NW, SB, SBC, CHUNK)
    ztile = jnp.zeros((TROWS, D), jnp.float32)

    perm = jnp.asarray(_PERM)
    w2_adj = w2[:, perm, :]
    perm_mat = jax.nn.one_hot(perm, D, dtype=jnp.float32)

    def layer(h, w):
        xtp = _rxw(h, w).reshape(R * N, D // 2)
        return _sc_scatter(xtp, srcb, relb, dstb, ztile)

    p0, p1 = layer(x, w1)
    h1 = _add_relu(p0, p1)
    q0, q1 = layer(h1, w2_adj)
    h2, att = _final(q0, q1, perm_mat, aw1, ab1, aw2, ab2)
    return (h2, att)

# --- scband reference (transcript-rebuilt; emitter-appended) ---
"""Pipeline reference for scband-model-61314953118506 (READ-ONLY COPY).

The authoritative reference and input builder live on the scoring server;
editing this copy changes nothing except your own understanding.
"""

import jax, jax.numpy as jnp
import numpy as np

N = 10000
E = 320000
D = 128
R = 8
H_ATT = 64
OUT_ATT = 10


def setup_inputs(seed: int = 0) -> dict:
    key = jax.random.key(seed)
    ks = jax.random.split(key, 8)
    x = jax.random.normal(ks[0], (N, D), dtype=jnp.float32)
    edge_index = jax.random.randint(ks[1], (2, E), 0, N, dtype=jnp.int32)
    edge_type = jax.random.randint(ks[2], (E,), 0, R, dtype=jnp.int32)
    # RGCN layer weights (num_bases == num_rels, so raw per-relation weights)
    w1 = jax.random.normal(ks[3], (R, D, D), dtype=jnp.float32) * 0.05
    w2 = jax.random.normal(ks[4], (R, D, D), dtype=jnp.float32) * 0.05
    # Attributor MLP: Linear(128,64) + ReLU + Dropout(eval) + Linear(64,10) + Sigmoid
    aw1 = jax.random.normal(ks[5], (D, H_ATT), dtype=jnp.float32) * 0.05
    ab1 = jnp.zeros((H_ATT,), dtype=jnp.float32)
    aw2 = jax.random.normal(ks[6], (H_ATT, OUT_ATT), dtype=jnp.float32) * 0.05
    ab2 = jnp.zeros((OUT_ATT,), dtype=jnp.float32)
    return {"x": x, "edge_index": edge_index, "edge_type": edge_type,
            "w1": w1, "w2": w2, "aw1": aw1, "ab1": ab1, "aw2": aw2, "ab2": ab2}


def reference(x, edge_index, edge_type, w1, w2, aw1, ab1, aw2, ab2):
    src = edge_index[0]
    dst = edge_index[1]

    def rgcn_layer(h, w, activation):
        # msg_e = h[src_e] @ w[rel_e]; computed as (h @ w_r) gathered at (rel_e, src_e)
        # which is mathematically identical to the per-edge bmm in the original.
        xt = jnp.einsum('ni,rio->rno', h, w)      # [R, N, D]
        msg = xt[edge_type, src]                  # gather -> [E, D]
        out = jax.ops.segment_sum(msg, dst, num_segments=N)  # scatter-add (zero init)
        if activation:
            out = jax.nn.relu(out)
        return out

    h = rgcn_layer(x, w1, True)    # hidden RGCN layer with ReLU
    h = rgcn_layer(h, w2, False)   # output RGCN layer (no activation)

    # mean_nodes over the single graph -> [1, D]
    m = jnp.mean(h, axis=0, keepdims=True)
    a = jax.nn.relu(m @ aw1 + ab1)   # Dropout is identity in eval mode
    attributions = jax.nn.sigmoid(a @ aw2 + ab2)
    return (h, attributions)

if __name__ == "__main__":
    import jax
    _d = setup_inputs()
    print(jax.jit(kernel)(*tuple(_d.values())))

</pallas_src>

<mosaic_0001>
#map = affine_map<(d0, d1) -> (0, 0)>
#map1 = affine_map<(d0, d1) -> (0, 0, 0, 0)>
module attributes {stable_mosaic.version = 14 : i64} {
  func.func @_sc_body_wrap(%arg0: i32, %arg1: i32, %arg2: memref<80000x64xi32, #tpu.memory_space<hbm>>, %arg3: memref<32x1x160x64xi32, #tpu.memory_space<hbm>>, %arg4: memref<32x1x160x64xi32, #tpu.memory_space<hbm>>, %arg5: memref<32x1x160x64xi32, #tpu.memory_space<hbm>>, %arg6: memref<640x128xf32, #tpu.memory_space<hbm>>, %arg7: memref<10240x128xf32, #tpu.memory_space<hbm>>, %arg8: memref<10240x128xf32, #tpu.memory_space<hbm>>, %arg9: memref<160x64xi32, #tpu.memory_space<vmem>>, %arg10: memref<160x64xi32, #tpu.memory_space<vmem>>, %arg11: memref<64x64xi32, #tpu.memory_space<vmem>>, %arg12: memref<64x64xi32, #tpu.memory_space<vmem>>, %arg13: memref<64x128xf32, #tpu.memory_space<vmem>>, %arg14: memref<64x128xf32, #tpu.memory_space<vmem>>, %arg15: memref<10240x128xf32, #tpu.memory_space<vmem_shared>>, %arg16: memref<!tpu.dma_semaphore, #tpu.memory_space<semaphore_mem>>, %arg17: memref<!tpu.dma_semaphore, #tpu.memory_space<semaphore_mem>>, %arg18: memref<!tpu.dma_semaphore, #tpu.memory_space<semaphore_mem>>, %arg19: memref<!tpu.dma_semaphore, #tpu.memory_space<semaphore_mem>>) attributes {dimension_semantics = [#tpu.dimension_semantics<core_parallel>, #tpu.dimension_semantics<subcore_parallel>], iteration_bounds = array<i64: 2, 16>, scalar_prefetch = 0 : i64, scratch_operands = 11 : i64, tpu.core_type = #tpu.core_type<sc_vector_subcore>, window_params = [{transform_indices = #map}, {transform_indices = #map1}, {transform_indices = #map1}, {transform_indices = #map1}, {transform_indices = #map}, {transform_indices = #map}, {transform_indices = #map}]} {
    %mul3A = arith.constant 2 : i32
    %mul3A_0 = arith.muli %arg1, %mul3A : i32
    %add3A = arith.addi %mul3A_0, %arg0 : i32
    %mul3A_1 = arith.constant 640 : i32
    %mul3A_2 = arith.muli %arg1, %mul3A_1 : i32
    "tpu.region"() ({
      %run_scoped3A_150 = tpu.sem_alloc : memref<!tpu.dma_semaphore, #tpu.memory_space<semaphore_mem>>
      %dma_start3A_151 = arith.constant 0 : i32
      %dma_start3A_152 = tpu.memref_slice %arg15[%mul3A_2, %dma_start3A_151] : memref<10240x128xf32, #tpu.memory_space<vmem_shared>> -> memref<640x128xf32, #tpu.memory_space<vmem_shared>>
      tpu.enqueue_dma source(%arg6 : memref<640x128xf32, #tpu.memory_space<hbm>>) target(%dma_start3A_152 : memref<640x128xf32, #tpu.memory_space<vmem_shared>>) target_semaphore(%run_scoped3A_150 : memref<!tpu.dma_semaphore, #tpu.memory_space<semaphore_mem>>)
      %dma_wait3A_153 = arith.constant 0 : i32
      %dma_wait3A_154 = tpu.memref_slice %arg15[%mul3A_2, %dma_wait3A_153] : memref<10240x128xf32, #tpu.memory_space<vmem_shared>> -> memref<640x128xf32, #tpu.memory_space<vmem_shared>>
      tpu.wait_dma2 semaphore(%run_scoped3A_150 : memref<!tpu.dma_semaphore, #tpu.memory_space<semaphore_mem>>) src(%arg6 : memref<640x128xf32, #tpu.memory_space<hbm>>) dst(%dma_wait3A_154 : memref<640x128xf32, #tpu.memory_space<vmem_shared>>)
      tpu.yield
    }) : () -> ()
    %barrier3A = arith.constant 0 : index
    tpu.barrier barrier_id(%barrier3A)
    %run_scoped3A = arith.constant 0 : i32
    "tpu.region"() ({
      %run_scoped3A_150 = tpu.sem_alloc : memref<!tpu.dma_semaphore, #tpu.memory_space<semaphore_mem>>
      %dma_start3A_151 = arith.constant 0 : i32
      %dma_start3A_152 = arith.constant 0 : i32
      %dma_start3A_153 = tpu.memref_slice %arg3[%add3A, %run_scoped3A, %dma_start3A_151, %dma_start3A_152] : memref<32x1x160x64xi32, #tpu.memory_space<hbm>> -> memref<1x1x160x64xi32, #tpu.memory_space<hbm>>
      %dma_start3A_154 = tpu.memref_squeeze %dma_start3A_153 : memref<1x1x160x64xi32, #tpu.memory_space<hbm>> -> memref<160x64xi32, #tpu.memory_space<hbm>>
      %dma_start3A_155 = arith.constant 0 : i32
      %dma_start3A_156 = arith.constant 0 : i32
      %dma_start3A_157 = tpu.memref_slice %arg3[%add3A, %run_scoped3A, %dma_start3A_155, %dma_start3A_156] : memref<32x1x160x64xi32, #tpu.memory_space<hbm>> -> memref<1x1x160x64xi32, #tpu.memory_space<hbm>>
      %dma_start3A_158 = tpu.memref_squeeze %dma_start3A_157 : memref<1x1x160x64xi32, #tpu.memory_space<hbm>> -> memref<160x64xi32, #tpu.memory_space<hbm>>
      tpu.enqueue_dma source(%dma_start3A_158 : memref<160x64xi32, #tpu.memory_space<hbm>>) target(%arg9 : memref<160x64xi32, #tpu.memory_space<vmem>>) target_semaphore(%run_scoped3A_150 : memref<!tpu.dma_semaphore, #tpu.memory_space<semaphore_mem>>)
      %dma_wait3A_159 = arith.constant 0 : i32
      %dma_wait3A_160 = arith.constant 0 : i32
      %dma_wait3A_161 = tpu.memref_slice %arg3[%add3A, %run_scoped3A, %dma_wait3A_159, %dma_wait3A_160] : memref<32x1x160x64xi32, #tpu.memory_space<hbm>> -> memref<1x1x160x64xi32, #tpu.memory_space<hbm>>
      %dma_wait3A_162 = tpu.memref_squeeze %dma_wait3A_161 : memref<1x1x160x64xi32, #tpu.memory_space<hbm>> -> memref<160x64xi32, #tpu.memory_space<hbm>>
      %dma_wait3A_163 = arith.constant 0 : i32
      %dma_wait3A_164 = arith.constant 0 : i32
      %dma_wait3A_165 = tpu.memref_slice %arg3[%add3A, %run_scoped3A, %dma_wait3A_163, %dma_wait3A_164] : memref<32x1x160x64xi32, #tpu.memory_space<hbm>> -> memref<1x1x160x64xi32, #tpu.memory_space<hbm>>
      %dma_wait3A_166 = tpu.memref_squeeze %dma_wait3A_165 : memref<1x1x160x64xi32, #tpu.memory_space<hbm>> -> memref<160x64xi32, #tpu.memory_space<hbm>>
      tpu.wait_dma2 semaphore(%run_scoped3A_150 : memref<!tpu.dma_semaphore, #tpu.memory_space<semaphore_mem>>) src(%dma_wait3A_166 : memref<160x64xi32, #tpu.memory_space<hbm>>) dst(%arg9 : memref<160x64xi32, #tpu.memory_space<vmem>>)
      tpu.yield
    }) : () -> ()
    %run_scoped3A_3 = arith.constant 0 : i32
    "tpu.region"() ({
      %run_scoped3A_150 = tpu.sem_alloc : memref<!tpu.dma_semaphore, #tpu.memory_space<semaphore_mem>>
      %dma_start3A_151 = arith.constant 0 : i32
      %dma_start3A_152 = arith.constant 0 : i32
      %dma_start3A_153 = tpu.memref_slice %arg4[%add3A, %run_scoped3A_3, %dma_start3A_151, %dma_start3A_152] : memref<32x1x160x64xi32, #tpu.memory_space<hbm>> -> memref<1x1x160x64xi32, #tpu.memory_space<hbm>>
      %dma_start3A_154 = tpu.memref_squeeze %dma_start3A_153 : memref<1x1x160x64xi32, #tpu.memory_space<hbm>> -> memref<160x64xi32, #tpu.memory_space<hbm>>
      %dma_start3A_155 = arith.constant 0 : i32
      %dma_start3A_156 = arith.constant 0 : i32
      %dma_start3A_157 = tpu.memref_slice %arg4[%add3A, %run_scoped3A_3, %dma_start3A_155, %dma_start3A_156] : memref<32x1x160x64xi32, #tpu.memory_space<hbm>> -> memref<1x1x160x64xi32, #tpu.memory_space<hbm>>
      %dma_start3A_158 = tpu.memref_squeeze %dma_start3A_157 : memref<1x1x160x64xi32, #tpu.memory_space<hbm>> -> memref<160x64xi32, #tpu.memory_space<hbm>>
      tpu.enqueue_dma source(%dma_start3A_158 : memref<160x64xi32, #tpu.memory_space<hbm>>) target(%arg10 : memref<160x64xi32, #tpu.memory_space<vmem>>) target_semaphore(%run_scoped3A_150 : memref<!tpu.dma_semaphore, #tpu.memory_space<semaphore_mem>>)
      %dma_wait3A_159 = arith.constant 0 : i32
      %dma_wait3A_160 = arith.constant 0 : i32
      %dma_wait3A_161 = tpu.memref_slice %arg4[%add3A, %run_scoped3A_3, %dma_wait3A_159, %dma_wait3A_160] : memref<32x1x160x64xi32, #tpu.memory_space<hbm>> -> memref<1x1x160x64xi32, #tpu.memory_space<hbm>>
      %dma_wait3A_162 = tpu.memref_squeeze %dma_wait3A_161 : memref<1x1x160x64xi32, #tpu.memory_space<hbm>> -> memref<160x64xi32, #tpu.memory_space<hbm>>
      %dma_wait3A_163 = arith.constant 0 : i32
      %dma_wait3A_164 = arith.constant 0 : i32
      %dma_wait3A_165 = tpu.memref_slice %arg4[%add3A, %run_scoped3A_3, %dma_wait3A_163, %dma_wait3A_164] : memref<32x1x160x64xi32, #tpu.memory_space<hbm>> -> memref<1x1x160x64xi32, #tpu.memory_space<hbm>>
      %dma_wait3A_166 = tpu.memref_squeeze %dma_wait3A_165 : memref<1x1x160x64xi32, #tpu.memory_space<hbm>> -> memref<160x64xi32, #tpu.memory_space<hbm>>
      tpu.wait_dma2 semaphore(%run_scoped3A_150 : memref<!tpu.dma_semaphore, #tpu.memory_space<semaphore_mem>>) src(%dma_wait3A_166 : memref<160x64xi32, #tpu.memory_space<hbm>>) dst(%arg10 : memref<160x64xi32, #tpu.memory_space<vmem>>)
      tpu.yield
    }) : () -> ()
    %scan3A = arith.constant 0 : i32
    %scan3A_4 = arith.constant 0 : i32
    %scan3A_5 = arith.constant 160 : i32
    %scan3A_6 = arith.addi %scan3A_4, %scan3A_5 : i32
    %scan3A_7 = arith.constant 1 : i32
    scf.for %scan3A_150 = %scan3A_4 to %scan3A_6 step %scan3A_7  : i32 {
      %get3A = arith.index_cast %scan3A_150 : i32 to index
      %get3A_151 = arith.constant 0 : index
      %get3A_152 = tpu.vector_load %arg10[%get3A, %get3A_151] {strides = array<i32>} : memref<160x64xi32, #tpu.memory_space<vmem>>, vector<16xi32>,
      %mul3A_153 = arith.constant 10000 : i32
      %mul3A_154 = vector.broadcast %mul3A_153 : i32 to vector<16xi32>
      %mul3A_155 = arith.muli %get3A_152, %mul3A_154 : vector<16xi32>
      %get3A_156 = arith.index_cast %scan3A_150 : i32 to index
      %get3A_157 = arith.constant 0 : index
      %get3A_158 = tpu.vector_load %arg9[%get3A_156, %get3A_157] {strides = array<i32>} : memref<160x64xi32, #tpu.memory_space<vmem>>, vector<16xi32>,
      %add3A_159 = arith.addi %mul3A_155, %get3A_158 : vector<16xi32>
      %swap3A = arith.index_cast %scan3A_150 : i32 to index
      %swap3A_160 = arith.constant 0 : index
      %swap3A_161 = tpu.vector_load %arg9[%swap3A, %swap3A_160] {strides = array<i32>} : memref<160x64xi32, #tpu.memory_space<vmem>>, vector<16xi32>,
      tpu.vector_store %arg9[%swap3A, %swap3A_160], %add3A_159 {strides = array<i32>} : memref<160x64xi32, #tpu.memory_space<vmem>>, vector<16xi32>,
      %get3A_162 = arith.index_cast %scan3A_150 : i32 to index
      %get3A_163 = arith.constant 16 : index
      %get3A_164 = tpu.vector_load %arg10[%get3A_162, %get3A_163] {strides = array<i32>} : memref<160x64xi32, #tpu.memory_space<vmem>>, vector<16xi32>,
      %mul3A_165 = arith.constant 10000 : i32
      %mul3A_166 = vector.broadcast %mul3A_165 : i32 to vector<16xi32>
      %mul3A_167 = arith.muli %get3A_164, %mul3A_166 : vector<16xi32>
      %get3A_168 = arith.index_cast %scan3A_150 : i32 to index
      %get3A_169 = arith.constant 16 : index
      %get3A_170 = tpu.vector_load %arg9[%get3A_168, %get3A_169] {strides = array<i32>} : memref<160x64xi32, #tpu.memory_space<vmem>>, vector<16xi32>,
      %add3A_171 = arith.addi %mul3A_167, %get3A_170 : vector<16xi32>
      %swap3A_172 = arith.index_cast %scan3A_150 : i32 to index
      %swap3A_173 = arith.constant 16 : index
      %swap3A_174 = tpu.vector_load %arg9[%swap3A_172, %swap3A_173] {strides = array<i32>} : memref<160x64xi32, #tpu.memory_space<vmem>>, vector<16xi32>,
      tpu.vector_store %arg9[%swap3A_172, %swap3A_173], %add3A_171 {strides = array<i32>} : memref<160x64xi32, #tpu.memory_space<vmem>>, vector<16xi32>,
      %get3A_175 = arith.index_cast %scan3A_150 : i32 to index
      %get3A_176 = arith.constant 32 : index
      %get3A_177 = tpu.vector_load %arg10[%get3A_175, %get3A_176] {strides = array<i32>} : memref<160x64xi32, #tpu.memory_space<vmem>>, vector<16xi32>,
      %mul3A_178 = arith.constant 10000 : i32
      %mul3A_179 = vector.broadcast %mul3A_178 : i32 to vector<16xi32>
      %mul3A_180 = arith.muli %get3A_177, %mul3A_179 : vector<16xi32>
      %get3A_181 = arith.index_cast %scan3A_150 : i32 to index
      %get3A_182 = arith.constant 32 : index
      %get3A_183 = tpu.vector_load %arg9[%get3A_181, %get3A_182] {strides = array<i32>} : memref<160x64xi32, #tpu.memory_space<vmem>>, vector<16xi32>,
      %add3A_184 = arith.addi %mul3A_180, %get3A_183 : vector<16xi32>
      %swap3A_185 = arith.index_cast %scan3A_150 : i32 to index
      %swap3A_186 = arith.constant 32 : index
      %swap3A_187 = tpu.vector_load %arg9[%swap3A_185, %swap3A_186] {strides = array<i32>} : memref<160x64xi32, #tpu.memory_space<vmem>>, vector<16xi32>,
      tpu.vector_store %arg9[%swap3A_185, %swap3A_186], %add3A_184 {strides = array<i32>} : memref<160x64xi32, #tpu.memory_space<vmem>>, vector<16xi32>,
      %get3A_188 = arith.index_cast %scan3A_150 : i32 to index
      %get3A_189 = arith.constant 48 : index
      %get3A_190 = tpu.vector_load %arg10[%get3A_188, %get3A_189] {strides = array<i32>} : memref<160x64xi32, #tpu.memory_space<vmem>>, vector<16xi32>,
      %mul3A_191 = arith.constant 10000 : i32
      %mul3A_192 = vector.broadcast %mul3A_191 : i32 to vector<16xi32>
      %mul3A_193 = arith.muli %get3A_190, %mul3A_192 : vector<16xi32>
      %get3A_194 = arith.index_cast %scan3A_150 : i32 to index
      %get3A_195 = arith.constant 48 : index
      %get3A_196 = tpu.vector_load %arg9[%get3A_194, %get3A_195] {strides = array<i32>} : memref<160x64xi32, #tpu.memory_space<vmem>>, vector<16xi32>,
      %add3A_197 = arith.addi %mul3A_193, %get3A_196 : vector<16xi32>
      %swap3A_198 = arith.index_cast %scan3A_150 : i32 to index
      %swap3A_199 = arith.constant 48 : index
      %swap3A_200 = tpu.vector_load %arg9[%swap3A_198, %swap3A_199] {strides = array<i32>} : memref<160x64xi32, #tpu.memory_space<vmem>>, vector<16xi32>,
      tpu.vector_store %arg9[%swap3A_198, %swap3A_199], %add3A_197 {strides = array<i32>} : memref<160x64xi32, #tpu.memory_space<vmem>>, vector<16xi32>,
    }
    %scan3A_8 = arith.constant 160 : i32
    %run_scoped3A_9 = arith.constant 0 : i32
    "tpu.region"() ({
      %run_scoped3A_150 = tpu.sem_alloc : memref<!tpu.dma_semaphore, #tpu.memory_space<semaphore_mem>>
      %dma_start3A_151 = arith.constant 0 : i32
      %dma_start3A_152 = arith.constant 0 : i32
      %dma_start3A_153 = tpu.memref_slice %arg5[%add3A, %run_scoped3A_9, %dma_start3A_151, %dma_start3A_152] : memref<32x1x160x64xi32, #tpu.memory_space<hbm>> -> memref<1x1x160x64xi32, #tpu.memory_space<hbm>>
      %dma_start3A_154 = tpu.memref_squeeze %dma_start3A_153 : memref<1x1x160x64xi32, #tpu.memory_space<hbm>> -> memref<160x64xi32, #tpu.memory_space<hbm>>
      %dma_start3A_155 = arith.constant 0 : i32
      %dma_start3A_156 = arith.constant 0 : i32
      %dma_start3A_157 = tpu.memref_slice %arg5[%add3A, %run_scoped3A_9, %dma_start3A_155, %dma_start3A_156] : memref<32x1x160x64xi32, #tpu.memory_space<hbm>> -> memref<1x1x160x64xi32, #tpu.memory_space<hbm>>
      %dma_start3A_158 = tpu.memref_squeeze %dma_start3A_157 : memref<1x1x160x64xi32, #tpu.memory_space<hbm>> -> memref<160x64xi32, #tpu.memory_space<hbm>>
      tpu.enqueue_dma source(%dma_start3A_158 : memref<160x64xi32, #tpu.memory_space<hbm>>) target(%arg10 : memref<160x64xi32, #tpu.memory_space<vmem>>) target_semaphore(%run_scoped3A_150 : memref<!tpu.dma_semaphore, #tpu.memory_space<semaphore_mem>>)
      %dma_wait3A_159 = arith.constant 0 : i32
      %dma_wait3A_160 = arith.constant 0 : i32
      %dma_wait3A_161 = tpu.memref_slice %arg5[%add3A, %run_scoped3A_9, %dma_wait3A_159, %dma_wait3A_160] : memref<32x1x160x64xi32, #tpu.memory_space<hbm>> -> memref<1x1x160x64xi32, #tpu.memory_space<hbm>>
      %dma_wait3A_162 = tpu.memref_squeeze %dma_wait3A_161 : memref<1x1x160x64xi32, #tpu.memory_space<hbm>> -> memref<160x64xi32, #tpu.memory_space<hbm>>
      %dma_wait3A_163 = arith.constant 0 : i32
      %dma_wait3A_164 = arith.constant 0 : i32
      %dma_wait3A_165 = tpu.memref_slice %arg5[%add3A, %run_scoped3A_9, %dma_wait3A_163, %dma_wait3A_164] : memref<32x1x160x64xi32, #tpu.memory_space<hbm>> -> memref<1x1x160x64xi32, #tpu.memory_space<hbm>>
      %dma_wait3A_166 = tpu.memref_squeeze %dma_wait3A_165 : memref<1x1x160x64xi32, #tpu.memory_space<hbm>> -> memref<160x64xi32, #tpu.memory_space<hbm>>
      tpu.wait_dma2 semaphore(%run_scoped3A_150 : memref<!tpu.dma_semaphore, #tpu.memory_space<semaphore_mem>>) src(%dma_wait3A_166 : memref<160x64xi32, #tpu.memory_space<hbm>>) dst(%arg10 : memref<160x64xi32, #tpu.memory_space<vmem>>)
      tpu.yield
    }) : () -> ()
    %dma_start3A = arith.constant 0 : i32
    %dma_start3A_10 = arith.constant 0 : i32
    %dma_start3A_11 = tpu.memref_slice %arg9[%dma_start3A, %dma_start3A_10] : memref<160x64xi32, #tpu.memory_space<vmem>> -> memref<1x64xi32, #tpu.memory_space<vmem>>
    %dma_start3A_12 = tpu.memref_squeeze %dma_start3A_11 : memref<1x64xi32, #tpu.memory_space<vmem>> -> memref<64xi32, #tpu.memory_space<vmem>>
    %dma_start3A_13 = arith.constant 0 : i32
    %dma_start3A_14 = arith.constant 0 : i32
    %dma_start3A_15 = tpu.memref_slice %arg2[%dma_start3A_13, %dma_start3A_14] : memref<80000x64xi32, #tpu.memory_space<hbm>> -> memref<80000x64xi32, #tpu.memory_space<hbm>>
    tpu.enqueue_indirect_dma source(%dma_start3A_15 : memref<80000x64xi32, #tpu.memory_space<hbm>>) target(%arg11 : memref<64x64xi32, #tpu.memory_space<vmem>>) offsets(%dma_start3A_12 : memref<64xi32, #tpu.memory_space<vmem>>) semaphore(%arg16 : memref<!tpu.dma_semaphore, #tpu.memory_space<semaphore_mem>>)
    %dma_start3A_16 = arith.constant 1 : i32
    %dma_start3A_17 = arith.constant 0 : i32
    %dma_start3A_18 = tpu.memref_slice %arg9[%dma_start3A_16, %dma_start3A_17] : memref<160x64xi32, #tpu.memory_space<vmem>> -> memref<1x64xi32, #tpu.memory_space<vmem>>
    %dma_start3A_19 = tpu.memref_squeeze %dma_start3A_18 : memref<1x64xi32, #tpu.memory_space<vmem>> -> memref<64xi32, #tpu.memory_space<vmem>>
    %dma_start3A_20 = arith.constant 0 : i32
    %dma_start3A_21 = arith.constant 0 : i32
    %dma_start3A_22 = tpu.memref_slice %arg2[%dma_start3A_20, %dma_start3A_21] : memref<80000x64xi32, #tpu.memory_space<hbm>> -> memref<80000x64xi32, #tpu.memory_space<hbm>>
    tpu.enqueue_indirect_dma source(%dma_start3A_22 : memref<80000x64xi32, #tpu.memory_space<hbm>>) target(%arg12 : memref<64x64xi32, #tpu.memory_space<vmem>>) offsets(%dma_start3A_19 : memref<64xi32, #tpu.memory_space<vmem>>) semaphore(%arg17 : memref<!tpu.dma_semaphore, #tpu.memory_space<semaphore_mem>>)
    %dma_wait3A = arith.constant 0 : i32
    %dma_wait3A_23 = arith.constant 0 : i32
    %dma_wait3A_24 = tpu.memref_slice %arg2[%dma_wait3A, %dma_wait3A_23] : memref<80000x64xi32, #tpu.memory_space<hbm>> -> memref<64x64xi32, #tpu.memory_space<hbm>>
    %dma_wait3A_25 = arith.constant 0 : i32
    %dma_wait3A_26 = arith.constant 0 : i32
    %dma_wait3A_27 = tpu.memref_slice %arg2[%dma_wait3A_25, %dma_wait3A_26] : memref<80000x64xi32, #tpu.memory_space<hbm>> -> memref<64x64xi32, #tpu.memory_space<hbm>>
    tpu.wait_dma2 semaphore(%arg16 : memref<!tpu.dma_semaphore, #tpu.memory_space<semaphore_mem>>) src(%dma_wait3A_27 : memref<64x64xi32, #tpu.memory_space<hbm>>) dst(%arg11 : memref<64x64xi32, #tpu.memory_space<vmem>>)
    %scan3A_28 = arith.constant 0 : i32
    %scan3A_29 = arith.constant 0 : i32
    %scan3A_30 = arith.constant 64 : i32
    %scan3A_31 = arith.addi %scan3A_29, %scan3A_30 : i32
    %scan3A_32 = arith.constant 1 : i32
    scf.for %scan3A_150 = %scan3A_29 to %scan3A_31 step %scan3A_32  : i32 {
      %get3A = arith.index_cast %scan3A_150 : i32 to index
      %get3A_151 = arith.constant 0 : index
      %get3A_152 = tpu.vector_load %arg11[%get3A, %get3A_151] {strides = array<i32>} : memref<64x64xi32, #tpu.memory_space<vmem>>, vector<16xi32>,
      %bitcast3A = vector.bitcast %get3A_152 : vector<16xi32> to vector<32xbf16>
      %unpack3A = tpu.unpack_subelements %bitcast3A, 0 {pack_format = #tpu.pack_format<interleaved>} : vector<32xbf16> -> vector<16xf32>
      %unpack3A_153 = tpu.unpack_subelements %bitcast3A, 1 {pack_format = #tpu.pack_format<interleaved>} : vector<32xbf16> -> vector<16xf32>
      %swap3A = arith.index_cast %scan3A_150 : i32 to index
      %swap3A_154 = arith.constant 0 : index
      %swap3A_155 = tpu.vector_load %arg13[%swap3A, %swap3A_154] {strides = array<i32>} : memref<64x128xf32, #tpu.memory_space<vmem>>, vector<16xf32>,
      tpu.vector_store %arg13[%swap3A, %swap3A_154], %unpack3A {strides = array<i32>} : memref<64x128xf32, #tpu.memory_space<vmem>>, vector<16xf32>,
      %swap3A_156 = arith.index_cast %scan3A_150 : i32 to index
      %swap3A_157 = arith.constant 16 : index
      %swap3A_158 = tpu.vector_load %arg13[%swap3A_156, %swap3A_157] {strides = array<i32>} : memref<64x128xf32, #tpu.memory_space<vmem>>, vector<16xf32>,
      tpu.vector_store %arg13[%swap3A_156, %swap3A_157], %unpack3A_153 {strides = array<i32>} : memref<64x128xf32, #tpu.memory_space<vmem>>, vector<16xf32>,
      %get3A_159 = arith.index_cast %scan3A_150 : i32 to index
      %get3A_160 = arith.constant 16 : index
      %get3A_161 = tpu.vector_load %arg11[%get3A_159, %get3A_160] {strides = array<i32>} : memref<64x64xi32, #tpu.memory_space<vmem>>, vector<16xi32>,
      %bitcast3A_162 = vector.bitcast %get3A_161 : vector<16xi32> to vector<32xbf16>
      %unpack3A_163 = tpu.unpack_subelements %bitcast3A_162, 0 {pack_format = #tpu.pack_format<interleaved>} : vector<32xbf16> -> vector<16xf32>
      %unpack3A_164 = tpu.unpack_subelements %bitcast3A_162, 1 {pack_format = #tpu.pack_format<interleaved>} : vector<32xbf16> -> vector<16xf32>
      %swap3A_165 = arith.index_cast %scan3A_150 : i32 to index
      %swap3A_166 = arith.constant 32 : index
      %swap3A_167 = tpu.vector_load %arg13[%swap3A_165, %swap3A_166] {strides = array<i32>} : memref<64x128xf32, #tpu.memory_space<vmem>>, vector<16xf32>,
      tpu.vector_store %arg13[%swap3A_165, %swap3A_166], %unpack3A_163 {strides = array<i32>} : memref<64x128xf32, #tpu.memory_space<vmem>>, vector<16xf32>,
      %swap3A_168 = arith.index_cast %scan3A_150 : i32 to index
      %swap3A_169 = arith.constant 48 : index
      %swap3A_170 = tpu.vector_load %arg13[%swap3A_168, %swap3A_169] {strides = array<i32>} : memref<64x128xf32, #tpu.memory_space<vmem>>, vector<16xf32>,
      tpu.vector_store %arg13[%swap3A_168, %swap3A_169], %unpack3A_164 {strides = array<i32>} : memref<64x128xf32, #tpu.memory_space<vmem>>, vector<16xf32>,
      %get3A_171 = arith.index_cast %scan3A_150 : i32 to index
      %get3A_172 = arith.constant 32 : index
      %get3A_173 = tpu.vector_load %arg11[%get3A_171, %get3A_172] {strides = array<i32>} : memref<64x64xi32, #tpu.memory_space<vmem>>, vector<16xi32>,
      %bitcast3A_174 = vector.bitcast %get3A_173 : vector<16xi32> to vector<32xbf16>
      %unpack3A_175 = tpu.unpack_subelements %bitcast3A_174, 0 {pack_format = #tpu.pack_format<interleaved>} : vector<32xbf16> -> vector<16xf32>
      %unpack3A_176 = tpu.unpack_subelements %bitcast3A_174, 1 {pack_format = #tpu.pack_format<interleaved>} : vector<32xbf16> -> vector<16xf32>
      %swap3A_177 = arith.index_cast %scan3A_150 : i32 to index
      %swap3A_178 = arith.constant 64 : index
      %swap3A_179 = tpu.vector_load %arg13[%swap3A_177, %swap3A_178] {strides = array<i32>} : memref<64x128xf32, #tpu.memory_space<vmem>>, vector<16xf32>,
      tpu.vector_store %arg13[%swap3A_177, %swap3A_178], %unpack3A_175 {strides = array<i32>} : memref<64x128xf32, #tpu.memory_space<vmem>>, vector<16xf32>,
      %swap3A_180 = arith.index_cast %scan3A_150 : i32 to index
      %swap3A_181 = arith.constant 80 : index
      %swap3A_182 = tpu.vector_load %arg13[%swap3A_180, %swap3A_181] {strides = array<i32>} : memref<64x128xf32, #tpu.memory_space<vmem>>, vector<16xf32>,
      tpu.vector_store %arg13[%swap3A_180, %swap3A_181], %unpack3A_176 {strides = array<i32>} : memref<64x128xf32, #tpu.memory_space<vmem>>, vector<16xf32>,
      %get3A_183 = arith.index_cast %scan3A_150 : i32 to index
      %get3A_184 = arith.constant 48 : index
      %get3A_185 = tpu.vector_load %arg11[%get3A_183, %get3A_184] {strides = array<i32>} : memref<64x64xi32, #tpu.memory_space<vmem>>, vector<16xi32>,
      %bitcast3A_186 = vector.bitcast %get3A_185 : vector<16xi32> to vector<32xbf16>
      %unpack3A_187 = tpu.unpack_subelements %bitcast3A_186, 0 {pack_format = #tpu.pack_format<interleaved>} : vector<32xbf16> -> vector<16xf32>
      %unpack3A_188 = tpu.unpack_subelements %bitcast3A_186, 1 {pack_format = #tpu.pack_format<interleaved>} : vector<32xbf16> -> vector<16xf32>
      %swap3A_189 = arith.index_cast %scan3A_150 : i32 to index
      %swap3A_190 = arith.constant 96 : index
      %swap3A_191 = tpu.vector_load %arg13[%swap3A_189, %swap3A_190] {strides = array<i32>} : memref<64x128xf32, #tpu.memory_space<vmem>>, vector<16xf32>,
      tpu.vector_store %arg13[%swap3A_189, %swap3A_190], %unpack3A_187 {strides = array<i32>} : memref<64x128xf32, #tpu.memory_space<vmem>>, vector<16xf32>,
      %swap3A_192 = arith.index_cast %scan3A_150 : i32 to index
      %swap3A_193 = arith.constant 112 : index
      %swap3A_194 = tpu.vector_load %arg13[%swap3A_192, %swap3A_193] {strides = array<i32>} : memref<64x128xf32, #tpu.memory_space<vmem>>, vector<16xf32>,
      tpu.vector_store %arg13[%swap3A_192, %swap3A_193], %unpack3A_188 {strides = array<i32>} : memref<64x128xf32, #tpu.memory_space<vmem>>, vector<16xf32>,
    }
    %scan3A_33 = arith.constant 64 : i32
    %dma_start3A_34 = arith.constant 0 : i32
    %dma_start3A_35 = arith.constant 0 : i32
    %dma_start3A_36 = tpu.memref_slice %arg10[%dma_start3A_34, %dma_start3A_35] : memref<160x64xi32, #tpu.memory_space<vmem>> -> memref<1x64xi32, #tpu.memory_space<vmem>>
    %dma_start3A_37 = tpu.memref_squeeze %dma_start3A_36 : memref<1x64xi32, #tpu.memory_space<vmem>> -> memref<64xi32, #tpu.memory_space<vmem>>
    %dma_start3A_38 = arith.constant 0 : i32
    %dma_start3A_39 = arith.constant 0 : i32
    %dma_start3A_40 = tpu.memref_slice %arg15[%dma_start3A_38, %dma_start3A_39] : memref<10240x128xf32, #tpu.memory_space<vmem_shared>> -> memref<10240x128xf32, #tpu.memory_space<vmem_shared>>
    tpu.enqueue_indirect_dma source(%arg13 : memref<64x128xf32, #tpu.memory_space<vmem>>) target(%dma_start3A_40 : memref<10240x128xf32, #tpu.memory_space<vmem_shared>>) offsets(%dma_start3A_37 : memref<64xi32, #tpu.memory_space<vmem>>) semaphore(%arg18 : memref<!tpu.dma_semaphore, #tpu.memory_space<semaphore_mem>>) {add = true}
    %dma_start3A_41 = arith.constant 2 : i32
    %dma_start3A_42 = arith.constant 0 : i32
    %dma_start3A_43 = tpu.memref_slice %arg9[%dma_start3A_41, %dma_start3A_42] : memref<160x64xi32, #tpu.memory_space<vmem>> -> memref<1x64xi32, #tpu.memory_space<vmem>>
    %dma_start3A_44 = tpu.memref_squeeze %dma_start3A_43 : memref<1x64xi32, #tpu.memory_space<vmem>> -> memref<64xi32, #tpu.memory_space<vmem>>
    %dma_start3A_45 = arith.constant 0 : i32
    %dma_start3A_46 = arith.constant 0 : i32
    %dma_start3A_47 = tpu.memref_slice %arg2[%dma_start3A_45, %dma_start3A_46] : memref<80000x64xi32, #tpu.memory_space<hbm>> -> memref<80000x64xi32, #tpu.memory_space<hbm>>
    tpu.enqueue_indirect_dma source(%dma_start3A_47 : memref<80000x64xi32, #tpu.memory_space<hbm>>) target(%arg11 : memref<64x64xi32, #tpu.memory_space<vmem>>) offsets(%dma_start3A_44 : memref<64xi32, #tpu.memory_space<vmem>>) semaphore(%arg16 : memref<!tpu.dma_semaphore, #tpu.memory_space<semaphore_mem>>)
    %dma_wait3A_48 = arith.constant 0 : i32
    %dma_wait3A_49 = arith.constant 0 : i32
    %dma_wait3A_50 = tpu.memref_slice %arg2[%dma_wait3A_48, %dma_wait3A_49] : memref<80000x64xi32, #tpu.memory_space<hbm>> -> memref<64x64xi32, #tpu.memory_space<hbm>>
    %dma_wait3A_51 = arith.constant 0 : i32
    %dma_wait3A_52 = arith.constant 0 : i32
    %dma_wait3A_53 = tpu.memref_slice %arg2[%dma_wait3A_51, %dma_wait3A_52] : memref<80000x64xi32, #tpu.memory_space<hbm>> -> memref<64x64xi32, #tpu.memory_space<hbm>>
    tpu.wait_dma2 semaphore(%arg17 : memref<!tpu.dma_semaphore, #tpu.memory_space<semaphore_mem>>) src(%dma_wait3A_53 : memref<64x64xi32, #tpu.memory_space<hbm>>) dst(%arg12 : memref<64x64xi32, #tpu.memory_space<vmem>>)
    %scan3A_54 = arith.constant 0 : i32
    %scan3A_55 = arith.constant 0 : i32
    %scan3A_56 = arith.constant 64 : i32
    %scan3A_57 = arith.addi %scan3A_55, %scan3A_56 : i32
    %scan3A_58 = arith.constant 1 : i32
    scf.for %scan3A_150 = %scan3A_55 to %scan3A_57 step %scan3A_58  : i32 {
      %get3A = arith.index_cast %scan3A_150 : i32 to index
      %get3A_151 = arith.constant 0 : index
      %get3A_152 = tpu.vector_load %arg12[%get3A, %get3A_151] {strides = array<i32>} : memref<64x64xi32, #tpu.memory_space<vmem>>, vector<16xi32>,
      %bitcast3A = vector.bitcast %get3A_152 : vector<16xi32> to vector<32xbf16>
      %unpack3A = tpu.unpack_subelements %bitcast3A, 0 {pack_format = #tpu.pack_format<interleaved>} : vector<32xbf16> -> vector<16xf32>
      %unpack3A_153 = tpu.unpack_subelements %bitcast3A, 1 {pack_format = #tpu.pack_format<interleaved>} : vector<32xbf16> -> vector<16xf32>
      %swap3A = arith.index_cast %scan3A_150 : i32 to index
      %swap3A_154 = arith.constant 0 : index
      %swap3A_155 = tpu.vector_load %arg14[%swap3A, %swap3A_154] {strides = array<i32>} : memref<64x128xf32, #tpu.memory_space<vmem>>, vector<16xf32>,
      tpu.vector_store %arg14[%swap3A, %swap3A_154], %unpack3A {strides = array<i32>} : memref<64x128xf32, #tpu.memory_space<vmem>>, vector<16xf32>,
      %swap3A_156 = arith.index_cast %scan3A_150 : i32 to index
      %swap3A_157 = arith.constant 16 : index
      %swap3A_158 = tpu.vector_load %arg14[%swap3A_156, %swap3A_157] {strides = array<i32>} : memref<64x128xf32, #tpu.memory_space<vmem>>, vector<16xf32>,
      tpu.vector_store %arg14[%swap3A_156, %swap3A_157], %unpack3A_153 {strides = array<i32>} : memref<64x128xf32, #tpu.memory_space<vmem>>, vector<16xf32>,
      %get3A_159 = arith.index_cast %scan3A_150 : i32 to index
      %get3A_160 = arith.constant 16 : index
      %get3A_161 = tpu.vector_load %arg12[%get3A_159, %get3A_160] {strides = array<i32>} : memref<64x64xi32, #tpu.memory_space<vmem>>, vector<16xi32>,
      %bitcast3A_162 = vector.bitcast %get3A_161 : vector<16xi32> to vector<32xbf16>
      %unpack3A_163 = tpu.unpack_subelements %bitcast3A_162, 0 {pack_format = #tpu.pack_format<interleaved>} : vector<32xbf16> -> vector<16xf32>
      %unpack3A_164 = tpu.unpack_subelements %bitcast3A_162, 1 {pack_format = #tpu.pack_format<interleaved>} : vector<32xbf16> -> vector<16xf32>
      %swap3A_165 = arith.index_cast %scan3A_150 : i32 to index
      %swap3A_166 = arith.constant 32 : index
      %swap3A_167 = tpu.vector_load %arg14[%swap3A_165, %swap3A_166] {strides = array<i32>} : memref<64x128xf32, #tpu.memory_space<vmem>>, vector<16xf32>,
      tpu.vector_store %arg14[%swap3A_165, %swap3A_166], %unpack3A_163 {strides = array<i32>} : memref<64x128xf32, #tpu.memory_space<vmem>>, vector<16xf32>,
      %swap3A_168 = arith.index_cast %scan3A_150 : i32 to index
      %swap3A_169 = arith.constant 48 : index
      %swap3A_170 = tpu.vector_load %arg14[%swap3A_168, %swap3A_169] {strides = array<i32>} : memref<64x128xf32, #tpu.memory_space<vmem>>, vector<16xf32>,
      tpu.vector_store %arg14[%swap3A_168, %swap3A_169], %unpack3A_164 {strides = array<i32>} : memref<64x128xf32, #tpu.memory_space<vmem>>, vector<16xf32>,
      %get3A_171 = arith.index_cast %scan3A_150 : i32 to index
      %get3A_172 = arith.constant 32 : index
      %get3A_173 = tpu.vector_load %arg12[%get3A_171, %get3A_172] {strides = array<i32>} : memref<64x64xi32, #tpu.memory_space<vmem>>, vector<16xi32>,
      %bitcast3A_174 = vector.bitcast %get3A_173 : vector<16xi32> to vector<32xbf16>
      %unpack3A_175 = tpu.unpack_subelements %bitcast3A_174, 0 {pack_format = #tpu.pack_format<interleaved>} : vector<32xbf16> -> vector<16xf32>
      %unpack3A_176 = tpu.unpack_subelements %bitcast3A_174, 1 {pack_format = #tpu.pack_format<interleaved>} : vector<32xbf16> -> vector<16xf32>
      %swap3A_177 = arith.index_cast %scan3A_150 : i32 to index
      %swap3A_178 = arith.constant 64 : index
      %swap3A_179 = tpu.vector_load %arg14[%swap3A_177, %swap3A_178] {strides = array<i32>} : memref<64x128xf32, #tpu.memory_space<vmem>>, vector<16xf32>,
      tpu.vector_store %arg14[%swap3A_177, %swap3A_178], %unpack3A_175 {strides = array<i32>} : memref<64x128xf32, #tpu.memory_space<vmem>>, vector<16xf32>,
      %swap3A_180 = arith.index_cast %scan3A_150 : i32 to index
      %swap3A_181 = arith.constant 80 : index
      %swap3A_182 = tpu.vector_load %arg14[%swap3A_180, %swap3A_181] {strides = array<i32>} : memref<64x128xf32, #tpu.memory_space<vmem>>, vector<16xf32>,
      tpu.vector_store %arg14[%swap3A_180, %swap3A_181], %unpack3A_176 {strides = array<i32>} : memref<64x128xf32, #tpu.memory_space<vmem>>, vector<16xf32>,
      %get3A_183 = arith.index_cast %scan3A_150 : i32 to index
      %get3A_184 = arith.constant 48 : index
      %get3A_185 = tpu.vector_load %arg12[%get3A_183, %get3A_184] {strides = array<i32>} : memref<64x64xi32, #tpu.memory_space<vmem>>, vector<16xi32>,
      %bitcast3A_186 = vector.bitcast %get3A_185 : vector<16xi32> to vector<32xbf16>
      %unpack3A_187 = tpu.unpack_subelements %bitcast3A_186, 0 {pack_format = #tpu.pack_format<interleaved>} : vector<32xbf16> -> vector<16xf32>
      %unpack3A_188 = tpu.unpack_subelements %bitcast3A_186, 1 {pack_format = #tpu.pack_format<interleaved>} : vector<32xbf16> -> vector<16xf32>
      %swap3A_189 = arith.index_cast %scan3A_150 : i32 to index
      %swap3A_190 = arith.constant 96 : index
      %swap3A_191 = tpu.vector_load %arg14[%swap3A_189, %swap3A_190] {strides = array<i32>} : memref<64x128xf32, #tpu.memory_space<vmem>>, vector<16xf32>,
      tpu.vector_store %arg14[%swap3A_189, %swap3A_190], %unpack3A_187 {strides = array<i32>} : memref<64x128xf32, #tpu.memory_space<vmem>>, vector<16xf32>,
      %swap3A_192 = arith.index_cast %scan3A_150 : i32 to index
      %swap3A_193 = arith.constant 112 : index
      %swap3A_194 = tpu.vector_load %arg14[%swap3A_192, %swap3A_193] {strides = array<i32>} : memref<64x128xf32, #tpu.memory_space<vmem>>, vector<16xf32>,
      tpu.vector_store %arg14[%swap3A_192, %swap3A_193], %unpack3A_188 {strides = array<i32>} : memref<64x128xf32, #tpu.memory_space<vmem>>, vector<16xf32>,
    }
    %scan3A_59 = arith.constant 64 : i32
    %dma_start3A_60 = arith.constant 1 : i32
    %dma_start3A_61 = arith.constant 0 : i32
    %dma_start3A_62 = tpu.memref_slice %arg10[%dma_start3A_60, %dma_start3A_61] : memref<160x64xi32, #tpu.memory_space<vmem>> -> memref<1x64xi32, #tpu.memory_space<vmem>>
    %dma_start3A_63 = tpu.memref_squeeze %dma_start3A_62 : memref<1x64xi32, #tpu.memory_space<vmem>> -> memref<64xi32, #tpu.memory_space<vmem>>
    %dma_start3A_64 = arith.constant 0 : i32
    %dma_start3A_65 = arith.constant 0 : i32
    %dma_start3A_66 = tpu.memref_slice %arg15[%dma_start3A_64, %dma_start3A_65] : memref<10240x128xf32, #tpu.memory_space<vmem_shared>> -> memref<10240x128xf32, #tpu.memory_space<vmem_shared>>
    tpu.enqueue_indirect_dma source(%arg14 : memref<64x128xf32, #tpu.memory_space<vmem>>) target(%dma_start3A_66 : memref<10240x128xf32, #tpu.memory_space<vmem_shared>>) offsets(%dma_start3A_63 : memref<64xi32, #tpu.memory_space<vmem>>) semaphore(%arg19 : memref<!tpu.dma_semaphore, #tpu.memory_space<semaphore_mem>>) {add = true}
    %dma_start3A_67 = arith.constant 3 : i32
    %dma_start3A_68 = arith.constant 0 : i32
    %dma_start3A_69 = tpu.memref_slice %arg9[%dma_start3A_67, %dma_start3A_68] : memref<160x64xi32, #tpu.memory_space<vmem>> -> memref<1x64xi32, #tpu.memory_space<vmem>>
    %dma_start3A_70 = tpu.memref_squeeze %dma_start3A_69 : memref<1x64xi32, #tpu.memory_space<vmem>> -> memref<64xi32, #tpu.memory_space<vmem>>
    %dma_start3A_71 = arith.constant 0 : i32
    %dma_start3A_72 = arith.constant 0 : i32
    %dma_start3A_73 = tpu.memref_slice %arg2[%dma_start3A_71, %dma_start3A_72] : memref<80000x64xi32, #tpu.memory_space<hbm>> -> memref<80000x64xi32, #tpu.memory_space<hbm>>
    tpu.enqueue_indirect_dma source(%dma_start3A_73 : memref<80000x64xi32, #tpu.memory_space<hbm>>) target(%arg12 : memref<64x64xi32, #tpu.memory_space<vmem>>) offsets(%dma_start3A_70 : memref<64xi32, #tpu.memory_space<vmem>>) semaphore(%arg17 : memref<!tpu.dma_semaphore, #tpu.memory_space<semaphore_mem>>)
    %scan3A_74 = arith.constant 0 : i32
    %scan3A_75 = arith.constant 0 : i32
    %scan3A_76 = arith.constant 78 : i32
    %scan3A_77 = arith.addi %scan3A_75, %scan3A_76 : i32
    %scan3A_78 = arith.constant 1 : i32
    scf.for %scan3A_150 = %scan3A_75 to %scan3A_77 step %scan3A_78  : i32 {
      %mul3A_151 = arith.constant 2 : i32
      %mul3A_152 = arith.muli %mul3A_151, %scan3A_150 : i32
      %add3A_153 = arith.constant 2 : i32
      %add3A_154 = arith.addi %mul3A_152, %add3A_153 : i32
      %dma_wait3A_155 = arith.constant 0 : i32
      %dma_wait3A_156 = arith.constant 0 : i32
      %dma_wait3A_157 = tpu.memref_slice %arg2[%dma_wait3A_155, %dma_wait3A_156] : memref<80000x64xi32, #tpu.memory_space<hbm>> -> memref<64x64xi32, #tpu.memory_space<hbm>>
      %dma_wait3A_158 = arith.constant 0 : i32
      %dma_wait3A_159 = arith.constant 0 : i32
      %dma_wait3A_160 = tpu.memref_slice %arg2[%dma_wait3A_158, %dma_wait3A_159] : memref<80000x64xi32, #tpu.memory_space<hbm>> -> memref<64x64xi32, #tpu.memory_space<hbm>>
      tpu.wait_dma2 semaphore(%arg16 : memref<!tpu.dma_semaphore, #tpu.memory_space<semaphore_mem>>) src(%dma_wait3A_160 : memref<64x64xi32, #tpu.memory_space<hbm>>) dst(%arg11 : memref<64x64xi32, #tpu.memory_space<vmem>>)
      %dma_wait3A_161 = arith.constant 0 : i32
      %dma_wait3A_162 = arith.constant 0 : i32
      %dma_wait3A_163 = tpu.memref_slice %arg6[%dma_wait3A_161, %dma_wait3A_162] : memref<640x128xf32, #tpu.memory_space<hbm>> -> memref<64x128xf32, #tpu.memory_space<hbm>>
      %dma_wait3A_164 = arith.constant 0 : i32
      %dma_wait3A_165 = arith.constant 0 : i32
      %dma_wait3A_166 = tpu.memref_slice %arg6[%dma_wait3A_164, %dma_wait3A_165] : memref<640x128xf32, #tpu.memory_space<hbm>> -> memref<64x128xf32, #tpu.memory_space<hbm>>
      tpu.wait_dma2 semaphore(%arg18 : memref<!tpu.dma_semaphore, #tpu.memory_space<semaphore_mem>>) src(%dma_wait3A_166 : memref<64x128xf32, #tpu.memory_space<hbm>>) dst(%arg13 : memref<64x128xf32, #tpu.memory_space<vmem>>)
      %scan3A_167 = arith.constant 0 : i32
      %scan3A_168 = arith.constant 0 : i32
      %scan3A_169 = arith.constant 64 : i32
      %scan3A_170 = arith.addi %scan3A_168, %scan3A_169 : i32
      %scan3A_171 = arith.constant 1 : i32
      scf.for %scan3A_221 = %scan3A_168 to %scan3A_170 step %scan3A_171  : i32 {
        %get3A = arith.index_cast %scan3A_221 : i32 to index
        %get3A_222 = arith.constant 0 : index
        %get3A_223 = tpu.vector_load %arg11[%get3A, %get3A_222] {strides = array<i32>} : memref<64x64xi32, #tpu.memory_space<vmem>>, vector<16xi32>,
        %bitcast3A = vector.bitcast %get3A_223 : vector<16xi32> to vector<32xbf16>
        %unpack3A = tpu.unpack_subelements %bitcast3A, 0 {pack_format = #tpu.pack_format<interleaved>} : vector<32xbf16> -> vector<16xf32>
        %unpack3A_224 = tpu.unpack_subelements %bitcast3A, 1 {pack_format = #tpu.pack_format<interleaved>} : vector<32xbf16> -> vector<16xf32>
        %swap3A = arith.index_cast %scan3A_221 : i32 to index
        %swap3A_225 = arith.constant 0 : index
        %swap3A_226 = tpu.vector_load %arg13[%swap3A, %swap3A_225] {strides = array<i32>} : memref<64x128xf32, #tpu.memory_space<vmem>>, vector<16xf32>,
        tpu.vector_store %arg13[%swap3A, %swap3A_225], %unpack3A {strides = array<i32>} : memref<64x128xf32, #tpu.memory_space<vmem>>, vector<16xf32>,
        %swap3A_227 = arith.index_cast %scan3A_221 : i32 to index
        %swap3A_228 = arith.constant 16 : index
        %swap3A_229 = tpu.vector_load %arg13[%swap3A_227, %swap3A_228] {strides = array<i32>} : memref<64x128xf32, #tpu.memory_space<vmem>>, vector<16xf32>,
        tpu.vector_store %arg13[%swap3A_227, %swap3A_228], %unpack3A_224 {strides = array<i32>} : memref<64x128xf32, #tpu.memory_space<vmem>>, vector<16xf32>,
        %get3A_230 = arith.index_cast %scan3A_221 : i32 to index
        %get3A_231 = arith.constant 16 : index
        %get3A_232 = tpu.vector_load %arg11[%get3A_230, %get3A_231] {strides = array<i32>} : memref<64x64xi32, #tpu.memory_space<vmem>>, vector<16xi32>,
        %bitcast3A_233 = vector.bitcast %get3A_232 : vector<16xi32> to vector<32xbf16>
        %unpack3A_234 = tpu.unpack_subelements %bitcast3A_233, 0 {pack_format = #tpu.pack_format<interleaved>} : vector<32xbf16> -> vector<16xf32>
        %unpack3A_235 = tpu.unpack_subelements %bitcast3A_233, 1 {pack_format = #tpu.pack_format<interleaved>} : vector<32xbf16> -> vector<16xf32>
        %swap3A_236 = arith.index_cast %scan3A_221 : i32 to index
        %swap3A_237 = arith.constant 32 : index
        %swap3A_238 = tpu.vector_load %arg13[%swap3A_236, %swap3A_237] {strides = array<i32>} : memref<64x128xf32, #tpu.memory_space<vmem>>, vector<16xf32>,
        tpu.vector_store %arg13[%swap3A_236, %swap3A_237], %unpack3A_234 {strides = array<i32>} : memref<64x128xf32, #tpu.memory_space<vmem>>, vector<16xf32>,
        %swap3A_239 = arith.index_cast %scan3A_221 : i32 to index
        %swap3A_240 = arith.constant 48 : index
        %swap3A_241 = tpu.vector_load %arg13[%swap3A_239, %swap3A_240] {strides = array<i32>} : memref<64x128xf32, #tpu.memory_space<vmem>>, vector<16xf32>,
        tpu.vector_store %arg13[%swap3A_239, %swap3A_240], %unpack3A_235 {strides = array<i32>} : memref<64x128xf32, #tpu.memory_space<vmem>>, vector<16xf32>,
        %get3A_242 = arith.index_cast %scan3A_221 : i32 to index
        %get3A_243 = arith.constant 32 : index
        %get3A_244 = tpu.vector_load %arg11[%get3A_242, %get3A_243] {strides = array<i32>} : memref<64x64xi32, #tpu.memory_space<vmem>>, vector<16xi32>,
        %bitcast3A_245 = vector.bitcast %get3A_244 : vector<16xi32> to vector<32xbf16>
        %unpack3A_246 = tpu.unpack_subelements %bitcast3A_245, 0 {pack_format = #tpu.pack_format<interleaved>} : vector<32xbf16> -> vector<16xf32>
        %unpack3A_247 = tpu.unpack_subelements %bitcast3A_245, 1 {pack_format = #tpu.pack_format<interleaved>} : vector<32xbf16> -> vector<16xf32>
        %swap3A_248 = arith.index_cast %scan3A_221 : i32 to index
        %swap3A_249 = arith.constant 64 : index
        %swap3A_250 = tpu.vector_load %arg13[%swap3A_248, %swap3A_249] {strides = array<i32>} : memref<64x128xf32, #tpu.memory_space<vmem>>, vector<16xf32>,
        tpu.vector_store %arg13[%swap3A_248, %swap3A_249], %unpack3A_246 {strides = array<i32>} : memref<64x128xf32, #tpu.memory_space<vmem>>, vector<16xf32>,
        %swap3A_251 = arith.index_cast %scan3A_221 : i32 to index
        %swap3A_252 = arith.constant 80 : index
        %swap3A_253 = tpu.vector_load %arg13[%swap3A_251, %swap3A_252] {strides = array<i32>} : memref<64x128xf32, #tpu.memory_space<vmem>>, vector<16xf32>,
        tpu.vector_store %arg13[%swap3A_251, %swap3A_252], %unpack3A_247 {strides = array<i32>} : memref<64x128xf32, #tpu.memory_space<vmem>>, vector<16xf32>,
        %get3A_254 = arith.index_cast %scan3A_221 : i32 to index
        %get3A_255 = arith.constant 48 : index
        %get3A_256 = tpu.vector_load %arg11[%get3A_254, %get3A_255] {strides = array<i32>} : memref<64x64xi32, #tpu.memory_space<vmem>>, vector<16xi32>,
        %bitcast3A_257 = vector.bitcast %get3A_256 : vector<16xi32> to vector<32xbf16>
        %unpack3A_258 = tpu.unpack_subelements %bitcast3A_257, 0 {pack_format = #tpu.pack_format<interleaved>} : vector<32xbf16> -> vector<16xf32>
        %unpack3A_259 = tpu.unpack_subelements %bitcast3A_257, 1 {pack_format = #tpu.pack_format<interleaved>} : vector<32xbf16> -> vector<16xf32>
        %swap3A_260 = arith.index_cast %scan3A_221 : i32 to index
        %swap3A_261 = arith.constant 96 : index
        %swap3A_262 = tpu.vector_load %arg13[%swap3A_260, %swap3A_261] {strides = array<i32>} : memref<64x128xf32, #tpu.memory_space<vmem>>, vector<16xf32>,
        tpu.vector_store %arg13[%swap3A_260, %swap3A_261], %unpack3A_258 {strides = array<i32>} : memref<64x128xf32, #tpu.memory_space<vmem>>, vector<16xf32>,
        %swap3A_263 = arith.index_cast %scan3A_221 : i32 to index
        %swap3A_264 = arith.constant 112 : index
        %swap3A_265 = tpu.vector_load %arg13[%swap3A_263, %swap3A_264] {strides = array<i32>} : memref<64x128xf32, #tpu.memory_space<vmem>>, vector<16xf32>,
        tpu.vector_store %arg13[%swap3A_263, %swap3A_264], %unpack3A_259 {strides = array<i32>} : memref<64x128xf32, #tpu.memory_space<vmem>>, vector<16xf32>,
      }
      %scan3A_172 = arith.constant 64 : i32
      %dma_start3A_173 = arith.constant 0 : i32
      %dma_start3A_174 = tpu.memref_slice %arg10[%add3A_154, %dma_start3A_173] : memref<160x64xi32, #tpu.memory_space<vmem>> -> memref<1x64xi32, #tpu.memory_space<vmem>>
      %dma_start3A_175 = tpu.memref_squeeze %dma_start3A_174 : memref<1x64xi32, #tpu.memory_space<vmem>> -> memref<64xi32, #tpu.memory_space<vmem>>
      %dma_start3A_176 = arith.constant 0 : i32
      %dma_start3A_177 = arith.constant 0 : i32
      %dma_start3A_178 = tpu.memref_slice %arg15[%dma_start3A_176, %dma_start3A_177] : memref<10240x128xf32, #tpu.memory_space<vmem_shared>> -> memref<10240x128xf32, #tpu.memory_space<vmem_shared>>
      tpu.enqueue_indirect_dma source(%arg13 : memref<64x128xf32, #tpu.memory_space<vmem>>) target(%dma_start3A_178 : memref<10240x128xf32, #tpu.memory_space<vmem_shared>>) offsets(%dma_start3A_175 : memref<64xi32, #tpu.memory_space<vmem>>) semaphore(%arg18 : memref<!tpu.dma_semaphore, #tpu.memory_space<semaphore_mem>>) {add = true}
      %add3A_179 = arith.constant 2 : i32
      %add3A_180 = arith.addi %add3A_154, %add3A_179 : i32
      %dma_start3A_181 = arith.constant 0 : i32
      %dma_start3A_182 = tpu.memref_slice %arg9[%add3A_180, %dma_start3A_181] : memref<160x64xi32, #tpu.memory_space<vmem>> -> memref<1x64xi32, #tpu.memory_space<vmem>>
      %dma_start3A_183 = tpu.memref_squeeze %dma_start3A_182 : memref<1x64xi32, #tpu.memory_space<vmem>> -> memref<64xi32, #tpu.memory_space<vmem>>
      %dma_start3A_184 = arith.constant 0 : i32
      %dma_start3A_185 = arith.constant 0 : i32
      %dma_start3A_186 = tpu.memref_slice %arg2[%dma_start3A_184, %dma_start3A_185] : memref<80000x64xi32, #tpu.memory_space<hbm>> -> memref<80000x64xi32, #tpu.memory_space<hbm>>
      tpu.enqueue_indirect_dma source(%dma_start3A_186 : memref<80000x64xi32, #tpu.memory_space<hbm>>) target(%arg11 : memref<64x64xi32, #tpu.memory_space<vmem>>) offsets(%dma_start3A_183 : memref<64xi32, #tpu.memory_space<vmem>>) semaphore(%arg16 : memref<!tpu.dma_semaphore, #tpu.memory_space<semaphore_mem>>)
      %dma_wait3A_187 = arith.constant 0 : i32
      %dma_wait3A_188 = arith.constant 0 : i32
      %dma_wait3A_189 = tpu.memref_slice %arg2[%dma_wait3A_187, %dma_wait3A_188] : memref<80000x64xi32, #tpu.memory_space<hbm>> -> memref<64x64xi32, #tpu.memory_space<hbm>>
      %dma_wait3A_190 = arith.constant 0 : i32
      %dma_wait3A_191 = arith.constant 0 : i32
      %dma_wait3A_192 = tpu.memref_slice %arg2[%dma_wait3A_190, %dma_wait3A_191] : memref<80000x64xi32, #tpu.memory_space<hbm>> -> memref<64x64xi32, #tpu.memory_space<hbm>>
      tpu.wait_dma2 semaphore(%arg17 : memref<!tpu.dma_semaphore, #tpu.memory_space<semaphore_mem>>) src(%dma_wait3A_192 : memref<64x64xi32, #tpu.memory_space<hbm>>) dst(%arg12 : memref<64x64xi32, #tpu.memory_space<vmem>>)
      %dma_wait3A_193 = arith.constant 0 : i32
      %dma_wait3A_194 = arith.constant 0 : i32
      %dma_wait3A_195 = tpu.memref_slice %arg6[%dma_wait3A_193, %dma_wait3A_194] : memref<640x128xf32, #tpu.memory_space<hbm>> -> memref<64x128xf32, #tpu.memory_space<hbm>>
      %dma_wait3A_196 = arith.constant 0 : i32
      %dma_wait3A_197 = arith.constant 0 : i32
      %dma_wait3A_198 = tpu.memref_slice %arg6[%dma_wait3A_196, %dma_wait3A_197] : memref<640x128xf32, #tpu.memory_space<hbm>> -> memref<64x128xf32, #tpu.memory_space<hbm>>
      tpu.wait_dma2 semaphore(%arg19 : memref<!tpu.dma_semaphore, #tpu.memory_space<semaphore_mem>>) src(%dma_wait3A_198 : memref<64x128xf32, #tpu.memory_space<hbm>>) dst(%arg14 : memref<64x128xf32, #tpu.memory_space<vmem>>)
      %scan3A_199 = arith.constant 0 : i32
      %scan3A_200 = arith.constant 0 : i32
      %scan3A_201 = arith.constant 64 : i32
      %scan3A_202 = arith.addi %scan3A_200, %scan3A_201 : i32
      %scan3A_203 = arith.constant 1 : i32
      scf.for %scan3A_221 = %scan3A_200 to %scan3A_202 step %scan3A_203  : i32 {
        %get3A = arith.index_cast %scan3A_221 : i32 to index
        %get3A_222 = arith.constant 0 : index
        %get3A_223 = tpu.vector_load %arg12[%get3A, %get3A_222] {strides = array<i32>} : memref<64x64xi32, #tpu.memory_space<vmem>>, vector<16xi32>,
        %bitcast3A = vector.bitcast %get3A_223 : vector<16xi32> to vector<32xbf16>
        %unpack3A = tpu.unpack_subelements %bitcast3A, 0 {pack_format = #tpu.pack_format<interleaved>} : vector<32xbf16> -> vector<16xf32>
        %unpack3A_224 = tpu.unpack_subelements %bitcast3A, 1 {pack_format = #tpu.pack_format<interleaved>} : vector<32xbf16> -> vector<16xf32>
        %swap3A = arith.index_cast %scan3A_221 : i32 to index
        %swap3A_225 = arith.constant 0 : index
        %swap3A_226 = tpu.vector_load %arg14[%swap3A, %swap3A_225] {strides = array<i32>} : memref<64x128xf32, #tpu.memory_space<vmem>>, vector<16xf32>,
        tpu.vector_store %arg14[%swap3A, %swap3A_225], %unpack3A {strides = array<i32>} : memref<64x128xf32, #tpu.memory_space<vmem>>, vector<16xf32>,
        %swap3A_227 = arith.index_cast %scan3A_221 : i32 to index
        %swap3A_228 = arith.constant 16 : index
        %swap3A_229 = tpu.vector_load %arg14[%swap3A_227, %swap3A_228] {strides = array<i32>} : memref<64x128xf32, #tpu.memory_space<vmem>>, vector<16xf32>,
        tpu.vector_store %arg14[%swap3A_227, %swap3A_228], %unpack3A_224 {strides = array<i32>} : memref<64x128xf32, #tpu.memory_space<vmem>>, vector<16xf32>,
        %get3A_230 = arith.index_cast %scan3A_221 : i32 to index
        %get3A_231 = arith.constant 16 : index
        %get3A_232 = tpu.vector_load %arg12[%get3A_230, %get3A_231] {strides = array<i32>} : memref<64x64xi32, #tpu.memory_space<vmem>>, vector<16xi32>,
        %bitcast3A_233 = vector.bitcast %get3A_232 : vector<16xi32> to vector<32xbf16>
        %unpack3A_234 = tpu.unpack_subelements %bitcast3A_233, 0 {pack_format = #tpu.pack_format<interleaved>} : vector<32xbf16> -> vector<16xf32>
        %unpack3A_235 = tpu.unpack_subelements %bitcast3A_233, 1 {pack_format = #tpu.pack_format<interleaved>} : vector<32xbf16> -> vector<16xf32>
        %swap3A_236 = arith.index_cast %scan3A_221 : i32 to index
        %swap3A_237 = arith.constant 32 : index
        %swap3A_238 = tpu.vector_load %arg14[%swap3A_236, %swap3A_237] {strides = array<i32>} : memref<64x128xf32, #tpu.memory_space<vmem>>, vector<16xf32>,
        tpu.vector_store %arg14[%swap3A_236, %swap3A_237], %unpack3A_234 {strides = array<i32>} : memref<64x128xf32, #tpu.memory_space<vmem>>, vector<16xf32>,
        %swap3A_239 = arith.index_cast %scan3A_221 : i32 to index
        %swap3A_240 = arith.constant 48 : index
        %swap3A_241 = tpu.vector_load %arg14[%swap3A_239, %swap3A_240] {strides = array<i32>} : memref<64x128xf32, #tpu.memory_space<vmem>>, vector<16xf32>,
        tpu.vector_store %arg14[%swap3A_239, %swap3A_240], %unpack3A_235 {strides = array<i32>} : memref<64x128xf32, #tpu.memory_space<vmem>>, vector<16xf32>,
        %get3A_242 = arith.index_cast %scan3A_221 : i32 to index
        %get3A_243 = arith.constant 32 : index
        %get3A_244 = tpu.vector_load %arg12[%get3A_242, %get3A_243] {strides = array<i32>} : memref<64x64xi32, #tpu.memory_space<vmem>>, vector<16xi32>,
        %bitcast3A_245 = vector.bitcast %get3A_244 : vector<16xi32> to vector<32xbf16>
        %unpack3A_246 = tpu.unpack_subelements %bitcast3A_245, 0 {pack_format = #tpu.pack_format<interleaved>} : vector<32xbf16> -> vector<16xf32>
        %unpack3A_247 = tpu.unpack_subelements %bitcast3A_245, 1 {pack_format = #tpu.pack_format<interleaved>} : vector<32xbf16> -> vector<16xf32>
        %swap3A_248 = arith.index_cast %scan3A_221 : i32 to index
        %swap3A_249 = arith.constant 64 : index
        %swap3A_250 = tpu.vector_load %arg14[%swap3A_248, %swap3A_249] {strides = array<i32>} : memref<64x128xf32, #tpu.memory_space<vmem>>, vector<16xf32>,
        tpu.vector_store %arg14[%swap3A_248, %swap3A_249], %unpack3A_246 {strides = array<i32>} : memref<64x128xf32, #tpu.memory_space<vmem>>, vector<16xf32>,
        %swap3A_251 = arith.index_cast %scan3A_221 : i32 to index
        %swap3A_252 = arith.constant 80 : index
        %swap3A_253 = tpu.vector_load %arg14[%swap3A_251, %swap3A_252] {strides = array<i32>} : memref<64x128xf32, #tpu.memory_space<vmem>>, vector<16xf32>,
        tpu.vector_store %arg14[%swap3A_251, %swap3A_252], %unpack3A_247 {strides = array<i32>} : memref<64x128xf32, #tpu.memory_space<vmem>>, vector<16xf32>,
        %get3A_254 = arith.index_cast %scan3A_221 : i32 to index
        %get3A_255 = arith.constant 48 : index
        %get3A_256 = tpu.vector_load %arg12[%get3A_254, %get3A_255] {strides = array<i32>} : memref<64x64xi32, #tpu.memory_space<vmem>>, vector<16xi32>,
        %bitcast3A_257 = vector.bitcast %get3A_256 : vector<16xi32> to vector<32xbf16>
        %unpack3A_258 = tpu.unpack_subelements %bitcast3A_257, 0 {pack_format = #tpu.pack_format<interleaved>} : vector<32xbf16> -> vector<16xf32>
        %unpack3A_259 = tpu.unpack_subelements %bitcast3A_257, 1 {pack_format = #tpu.pack_format<interleaved>} : vector<32xbf16> -> vector<16xf32>
        %swap3A_260 = arith.index_cast %scan3A_221 : i32 to index
        %swap3A_261 = arith.constant 96 : index
        %swap3A_262 = tpu.vector_load %arg14[%swap3A_260, %swap3A_261] {strides = array<i32>} : memref<64x128xf32, #tpu.memory_space<vmem>>, vector<16xf32>,
        tpu.vector_store %arg14[%swap3A_260, %swap3A_261], %unpack3A_258 {strides = array<i32>} : memref<64x128xf32, #tpu.memory_space<vmem>>, vector<16xf32>,
        %swap3A_263 = arith.index_cast %scan3A_221 : i32 to index
        %swap3A_264 = arith.constant 112 : index
        %swap3A_265 = tpu.vector_load %arg14[%swap3A_263, %swap3A_264] {strides = array<i32>} : memref<64x128xf32, #tpu.memory_space<vmem>>, vector<16xf32>,
        tpu.vector_store %arg14[%swap3A_263, %swap3A_264], %unpack3A_259 {strides = array<i32>} : memref<64x128xf32, #tpu.memory_space<vmem>>, vector<16xf32>,
      }
      %scan3A_204 = arith.constant 64 : i32
      %add3A_205 = arith.constant 1 : i32
      %add3A_206 = arith.addi %add3A_154, %add3A_205 : i32
      %dma_start3A_207 = arith.constant 0 : i32
      %dma_start3A_208 = tpu.memref_slice %arg10[%add3A_206, %dma_start3A_207] : memref<160x64xi32, #tpu.memory_space<vmem>> -> memref<1x64xi32, #tpu.memory_space<vmem>>
      %dma_start3A_209 = tpu.memref_squeeze %dma_start3A_208 : memref<1x64xi32, #tpu.memory_space<vmem>> -> memref<64xi32, #tpu.memory_space<vmem>>
      %dma_start3A_210 = arith.constant 0 : i32
      %dma_start3A_211 = arith.constant 0 : i32
      %dma_start3A_212 = tpu.memref_slice %arg15[%dma_start3A_210, %dma_start3A_211] : memref<10240x128xf32, #tpu.memory_space<vmem_shared>> -> memref<10240x128xf32, #tpu.memory_space<vmem_shared>>
      tpu.enqueue_indirect_dma source(%arg14 : memref<64x128xf32, #tpu.memory_space<vmem>>) target(%dma_start3A_212 : memref<10240x128xf32, #tpu.memory_space<vmem_shared>>) offsets(%dma_start3A_209 : memref<64xi32, #tpu.memory_space<vmem>>) semaphore(%arg19 : memref<!tpu.dma_semaphore, #tpu.memory_space<semaphore_mem>>) {add = true}
      %add3A_213 = arith.constant 3 : i32
      %add3A_214 = arith.addi %add3A_154, %add3A_213 : i32
      %dma_start3A_215 = arith.constant 0 : i32
      %dma_start3A_216 = tpu.memref_slice %arg9[%add3A_214, %dma_start3A_215] : memref<160x64xi32, #tpu.memory_space<vmem>> -> memref<1x64xi32, #tpu.memory_space<vmem>>
      %dma_start3A_217 = tpu.memref_squeeze %dma_start3A_216 : memref<1x64xi32, #tpu.memory_space<vmem>> -> memref<64xi32, #tpu.memory_space<vmem>>
      %dma_start3A_218 = arith.constant 0 : i32
      %dma_start3A_219 = arith.constant 0 : i32
      %dma_start3A_220 = tpu.memref_slice %arg2[%dma_start3A_218, %dma_start3A_219] : memref<80000x64xi32, #tpu.memory_space<hbm>> -> memref<80000x64xi32, #tpu.memory_space<hbm>>
      tpu.enqueue_indirect_dma source(%dma_start3A_220 : memref<80000x64xi32, #tpu.memory_space<hbm>>) target(%arg12 : memref<64x64xi32, #tpu.memory_space<vmem>>) offsets(%dma_start3A_217 : memref<64xi32, #tpu.memory_space<vmem>>) semaphore(%arg17 : memref<!tpu.dma_semaphore, #tpu.memory_space<semaphore_mem>>)
    }
    %scan3A_79 = arith.constant 78 : i32
    %dma_wait3A_80 = arith.constant 0 : i32
    %dma_wait3A_81 = arith.constant 0 : i32
    %dma_wait3A_82 = tpu.memref_slice %arg2[%dma_wait3A_80, %dma_wait3A_81] : memref<80000x64xi32, #tpu.memory_space<hbm>> -> memref<64x64xi32, #tpu.memory_space<hbm>>
    %dma_wait3A_83 = arith.constant 0 : i32
    %dma_wait3A_84 = arith.constant 0 : i32
    %dma_wait3A_85 = tpu.memref_slice %arg2[%dma_wait3A_83, %dma_wait3A_84] : memref<80000x64xi32, #tpu.memory_space<hbm>> -> memref<64x64xi32, #tpu.memory_space<hbm>>
    tpu.wait_dma2 semaphore(%arg16 : memref<!tpu.dma_semaphore, #tpu.memory_space<semaphore_mem>>) src(%dma_wait3A_85 : memref<64x64xi32, #tpu.memory_space<hbm>>) dst(%arg11 : memref<64x64xi32, #tpu.memory_space<vmem>>)
    %dma_wait3A_86 = arith.constant 0 : i32
    %dma_wait3A_87 = arith.constant 0 : i32
    %dma_wait3A_88 = tpu.memref_slice %arg6[%dma_wait3A_86, %dma_wait3A_87] : memref<640x128xf32, #tpu.memory_space<hbm>> -> memref<64x128xf32, #tpu.memory_space<hbm>>
    %dma_wait3A_89 = arith.constant 0 : i32
    %dma_wait3A_90 = arith.constant 0 : i32
    %dma_wait3A_91 = tpu.memref_slice %arg6[%dma_wait3A_89, %dma_wait3A_90] : memref<640x128xf32, #tpu.memory_space<hbm>> -> memref<64x128xf32, #tpu.memory_space<hbm>>
    tpu.wait_dma2 semaphore(%arg18 : memref<!tpu.dma_semaphore, #tpu.memory_space<semaphore_mem>>) src(%dma_wait3A_91 : memref<64x128xf32, #tpu.memory_space<hbm>>) dst(%arg13 : memref<64x128xf32, #tpu.memory_space<vmem>>)
    %scan3A_92 = arith.constant 0 : i32
    %scan3A_93 = arith.constant 0 : i32
    %scan3A_94 = arith.constant 64 : i32
    %scan3A_95 = arith.addi %scan3A_93, %scan3A_94 : i32
    %scan3A_96 = arith.constant 1 : i32
    scf.for %scan3A_150 = %scan3A_93 to %scan3A_95 step %scan3A_96  : i32 {
      %get3A = arith.index_cast %scan3A_150 : i32 to index
      %get3A_151 = arith.constant 0 : index
      %get3A_152 = tpu.vector_load %arg11[%get3A, %get3A_151] {strides = array<i32>} : memref<64x64xi32, #tpu.memory_space<vmem>>, vector<16xi32>,
      %bitcast3A = vector.bitcast %get3A_152 : vector<16xi32> to vector<32xbf16>
      %unpack3A = tpu.unpack_subelements %bitcast3A, 0 {pack_format = #tpu.pack_format<interleaved>} : vector<32xbf16> -> vector<16xf32>
      %unpack3A_153 = tpu.unpack_subelements %bitcast3A, 1 {pack_format = #tpu.pack_format<interleaved>} : vector<32xbf16> -> vector<16xf32>
      %swap3A = arith.index_cast %scan3A_150 : i32 to index
      %swap3A_154 = arith.constant 0 : index
      %swap3A_155 = tpu.vector_load %arg13[%swap3A, %swap3A_154] {strides = array<i32>} : memref<64x128xf32, #tpu.memory_space<vmem>>, vector<16xf32>,
      tpu.vector_store %arg13[%swap3A, %swap3A_154], %unpack3A {strides = array<i32>} : memref<64x128xf32, #tpu.memory_space<vmem>>, vector<16xf32>,
      %swap3A_156 = arith.index_cast %scan3A_150 : i32 to index
      %swap3A_157 = arith.constant 16 : index
      %swap3A_158 = tpu.vector_load %arg13[%swap3A_156, %swap3A_157] {strides = array<i32>} : memref<64x128xf32, #tpu.memory_space<vmem>>, vector<16xf32>,
      tpu.vector_store %arg13[%swap3A_156, %swap3A_157], %unpack3A_153 {strides = array<i32>} : memref<64x128xf32, #tpu.memory_space<vmem>>, vector<16xf32>,
      %get3A_159 = arith.index_cast %scan3A_150 : i32 to index
      %get3A_160 = arith.constant 16 : index
      %get3A_161 = tpu.vector_load %arg11[%get3A_159, %get3A_160] {strides = array<i32>} : memref<64x64xi32, #tpu.memory_space<vmem>>, vector<16xi32>,
      %bitcast3A_162 = vector.bitcast %get3A_161 : vector<16xi32> to vector<32xbf16>
      %unpack3A_163 = tpu.unpack_subelements %bitcast3A_162, 0 {pack_format = #tpu.pack_format<interleaved>} : vector<32xbf16> -> vector<16xf32>
      %unpack3A_164 = tpu.unpack_subelements %bitcast3A_162, 1 {pack_format = #tpu.pack_format<interleaved>} : vector<32xbf16> -> vector<16xf32>
      %swap3A_165 = arith.index_cast %scan3A_150 : i32 to index
      %swap3A_166 = arith.constant 32 : index
      %swap3A_167 = tpu.vector_load %arg13[%swap3A_165, %swap3A_166] {strides = array<i32>} : memref<64x128xf32, #tpu.memory_space<vmem>>, vector<16xf32>,
      tpu.vector_store %arg13[%swap3A_165, %swap3A_166], %unpack3A_163 {strides = array<i32>} : memref<64x128xf32, #tpu.memory_space<vmem>>, vector<16xf32>,
      %swap3A_168 = arith.index_cast %scan3A_150 : i32 to index
      %swap3A_169 = arith.constant 48 : index
      %swap3A_170 = tpu.vector_load %arg13[%swap3A_168, %swap3A_169] {strides = array<i32>} : memref<64x128xf32, #tpu.memory_space<vmem>>, vector<16xf32>,
      tpu.vector_store %arg13[%swap3A_168, %swap3A_169], %unpack3A_164 {strides = array<i32>} : memref<64x128xf32, #tpu.memory_space<vmem>>, vector<16xf32>,
      %get3A_171 = arith.index_cast %scan3A_150 : i32 to index
      %get3A_172 = arith.constant 32 : index
      %get3A_173 = tpu.vector_load %arg11[%get3A_171, %get3A_172] {strides = array<i32>} : memref<64x64xi32, #tpu.memory_space<vmem>>, vector<16xi32>,
      %bitcast3A_174 = vector.bitcast %get3A_173 : vector<16xi32> to vector<32xbf16>
      %unpack3A_175 = tpu.unpack_subelements %bitcast3A_174, 0 {pack_format = #tpu.pack_format<interleaved>} : vector<32xbf16> -> vector<16xf32>
      %unpack3A_176 = tpu.unpack_subelements %bitcast3A_174, 1 {pack_format = #tpu.pack_format<interleaved>} : vector<32xbf16> -> vector<16xf32>
      %swap3A_177 = arith.index_cast %scan3A_150 : i32 to index
      %swap3A_178 = arith.constant 64 : index
      %swap3A_179 = tpu.vector_load %arg13[%swap3A_177, %swap3A_178] {strides = array<i32>} : memref<64x128xf32, #tpu.memory_space<vmem>>, vector<16xf32>,
      tpu.vector_store %arg13[%swap3A_177, %swap3A_178], %unpack3A_175 {strides = array<i32>} : memref<64x128xf32, #tpu.memory_space<vmem>>, vector<16xf32>,
      %swap3A_180 = arith.index_cast %scan3A_150 : i32 to index
      %swap3A_181 = arith.constant 80 : index
      %swap3A_182 = tpu.vector_load %arg13[%swap3A_180, %swap3A_181] {strides = array<i32>} : memref<64x128xf32, #tpu.memory_space<vmem>>, vector<16xf32>,
      tpu.vector_store %arg13[%swap3A_180, %swap3A_181], %unpack3A_176 {strides = array<i32>} : memref<64x128xf32, #tpu.memory_space<vmem>>, vector<16xf32>,
      %get3A_183 = arith.index_cast %scan3A_150 : i32 to index
      %get3A_184 = arith.constant 48 : index
      %get3A_185 = tpu.vector_load %arg11[%get3A_183, %get3A_184] {strides = array<i32>} : memref<64x64xi32, #tpu.memory_space<vmem>>, vector<16xi32>,
      %bitcast3A_186 = vector.bitcast %get3A_185 : vector<16xi32> to vector<32xbf16>
      %unpack3A_187 = tpu.unpack_subelements %bitcast3A_186, 0 {pack_format = #tpu.pack_format<interleaved>} : vector<32xbf16> -> vector<16xf32>
      %unpack3A_188 = tpu.unpack_subelements %bitcast3A_186, 1 {pack_format = #tpu.pack_format<interleaved>} : vector<32xbf16> -> vector<16xf32>
      %swap3A_189 = arith.index_cast %scan3A_150 : i32 to index
      %swap3A_190 = arith.constant 96 : index
      %swap3A_191 = tpu.vector_load %arg13[%swap3A_189, %swap3A_190] {strides = array<i32>} : memref<64x128xf32, #tpu.memory_space<vmem>>, vector<16xf32>,
      tpu.vector_store %arg13[%swap3A_189, %swap3A_190], %unpack3A_187 {strides = array<i32>} : memref<64x128xf32, #tpu.memory_space<vmem>>, vector<16xf32>,
      %swap3A_192 = arith.index_cast %scan3A_150 : i32 to index
      %swap3A_193 = arith.constant 112 : index
      %swap3A_194 = tpu.vector_load %arg13[%swap3A_192, %swap3A_193] {strides = array<i32>} : memref<64x128xf32, #tpu.memory_space<vmem>>, vector<16xf32>,
      tpu.vector_store %arg13[%swap3A_192, %swap3A_193], %unpack3A_188 {strides = array<i32>} : memref<64x128xf32, #tpu.memory_space<vmem>>, vector<16xf32>,
    }
    %scan3A_97 = arith.constant 64 : i32
    %dma_start3A_98 = arith.constant 158 : i32
    %dma_start3A_99 = arith.constant 0 : i32
    %dma_start3A_100 = tpu.memref_slice %arg10[%dma_start3A_98, %dma_start3A_99] : memref<160x64xi32, #tpu.memory_space<vmem>> -> memref<1x64xi32, #tpu.memory_space<vmem>>
    %dma_start3A_101 = tpu.memref_squeeze %dma_start3A_100 : memref<1x64xi32, #tpu.memory_space<vmem>> -> memref<64xi32, #tpu.memory_space<vmem>>
    %dma_start3A_102 = arith.constant 0 : i32
    %dma_start3A_103 = arith.constant 0 : i32
    %dma_start3A_104 = tpu.memref_slice %arg15[%dma_start3A_102, %dma_start3A_103] : memref<10240x128xf32, #tpu.memory_space<vmem_shared>> -> memref<10240x128xf32, #tpu.memory_space<vmem_shared>>
    tpu.enqueue_indirect_dma source(%arg13 : memref<64x128xf32, #tpu.memory_space<vmem>>) target(%dma_start3A_104 : memref<10240x128xf32, #tpu.memory_space<vmem_shared>>) offsets(%dma_start3A_101 : memref<64xi32, #tpu.memory_space<vmem>>) semaphore(%arg18 : memref<!tpu.dma_semaphore, #tpu.memory_space<semaphore_mem>>) {add = true}
    %dma_wait3A_105 = arith.constant 0 : i32
    %dma_wait3A_106 = arith.constant 0 : i32
    %dma_wait3A_107 = tpu.memref_slice %arg2[%dma_wait3A_105, %dma_wait3A_106] : memref<80000x64xi32, #tpu.memory_space<hbm>> -> memref<64x64xi32, #tpu.memory_space<hbm>>
    %dma_wait3A_108 = arith.constant 0 : i32
    %dma_wait3A_109 = arith.constant 0 : i32
    %dma_wait3A_110 = tpu.memref_slice %arg2[%dma_wait3A_108, %dma_wait3A_109] : memref<80000x64xi32, #tpu.memory_space<hbm>> -> memref<64x64xi32, #tpu.memory_space<hbm>>
    tpu.wait_dma2 semaphore(%arg17 : memref<!tpu.dma_semaphore, #tpu.memory_space<semaphore_mem>>) src(%dma_wait3A_110 : memref<64x64xi32, #tpu.memory_space<hbm>>) dst(%arg12 : memref<64x64xi32, #tpu.memory_space<vmem>>)
    %dma_wait3A_111 = arith.constant 0 : i32
    %dma_wait3A_112 = arith.constant 0 : i32
    %dma_wait3A_113 = tpu.memref_slice %arg6[%dma_wait3A_111, %dma_wait3A_112] : memref<640x128xf32, #tpu.memory_space<hbm>> -> memref<64x128xf32, #tpu.memory_space<hbm>>
    %dma_wait3A_114 = arith.constant 0 : i32
    %dma_wait3A_115 = arith.constant 0 : i32
    %dma_wait3A_116 = tpu.memref_slice %arg6[%dma_wait3A_114, %dma_wait3A_115] : memref<640x128xf32, #tpu.memory_space<hbm>> -> memref<64x128xf32, #tpu.memory_space<hbm>>
    tpu.wait_dma2 semaphore(%arg19 : memref<!tpu.dma_semaphore, #tpu.memory_space<semaphore_mem>>) src(%dma_wait3A_116 : memref<64x128xf32, #tpu.memory_space<hbm>>) dst(%arg14 : memref<64x128xf32, #tpu.memory_space<vmem>>)
    %scan3A_117 = arith.constant 0 : i32
    %scan3A_118 = arith.constant 0 : i32
    %scan3A_119 = arith.constant 64 : i32
    %scan3A_120 = arith.addi %scan3A_118, %scan3A_119 : i32
    %scan3A_121 = arith.constant 1 : i32
    scf.for %scan3A_150 = %scan3A_118 to %scan3A_120 step %scan3A_121  : i32 {
      %get3A = arith.index_cast %scan3A_150 : i32 to index
      %get3A_151 = arith.constant 0 : index
      %get3A_152 = tpu.vector_load %arg12[%get3A, %get3A_151] {strides = array<i32>} : memref<64x64xi32, #tpu.memory_space<vmem>>, vector<16xi32>,
      %bitcast3A = vector.bitcast %get3A_152 : vector<16xi32> to vector<32xbf16>
      %unpack3A = tpu.unpack_subelements %bitcast3A, 0 {pack_format = #tpu.pack_format<interleaved>} : vector<32xbf16> -> vector<16xf32>
      %unpack3A_153 = tpu.unpack_subelements %bitcast3A, 1 {pack_format = #tpu.pack_format<interleaved>} : vector<32xbf16> -> vector<16xf32>
      %swap3A = arith.index_cast %scan3A_150 : i32 to index
      %swap3A_154 = arith.constant 0 : index
      %swap3A_155 = tpu.vector_load %arg14[%swap3A, %swap3A_154] {strides = array<i32>} : memref<64x128xf32, #tpu.memory_space<vmem>>, vector<16xf32>,
      tpu.vector_store %arg14[%swap3A, %swap3A_154], %unpack3A {strides = array<i32>} : memref<64x128xf32, #tpu.memory_space<vmem>>, vector<16xf32>,
      %swap3A_156 = arith.index_cast %scan3A_150 : i32 to index
      %swap3A_157 = arith.constant 16 : index
      %swap3A_158 = tpu.vector_load %arg14[%swap3A_156, %swap3A_157] {strides = array<i32>} : memref<64x128xf32, #tpu.memory_space<vmem>>, vector<16xf32>,
      tpu.vector_store %arg14[%swap3A_156, %swap3A_157], %unpack3A_153 {strides = array<i32>} : memref<64x128xf32, #tpu.memory_space<vmem>>, vector<16xf32>,
      %get3A_159 = arith.index_cast %scan3A_150 : i32 to index
      %get3A_160 = arith.constant 16 : index
      %get3A_161 = tpu.vector_load %arg12[%get3A_159, %get3A_160] {strides = array<i32>} : memref<64x64xi32, #tpu.memory_space<vmem>>, vector<16xi32>,
      %bitcast3A_162 = vector.bitcast %get3A_161 : vector<16xi32> to vector<32xbf16>
      %unpack3A_163 = tpu.unpack_subelements %bitcast3A_162, 0 {pack_format = #tpu.pack_format<interleaved>} : vector<32xbf16> -> vector<16xf32>
      %unpack3A_164 = tpu.unpack_subelements %bitcast3A_162, 1 {pack_format = #tpu.pack_format<interleaved>} : vector<32xbf16> -> vector<16xf32>
      %swap3A_165 = arith.index_cast %scan3A_150 : i32 to index
      %swap3A_166 = arith.constant 32 : index
      %swap3A_167 = tpu.vector_load %arg14[%swap3A_165, %swap3A_166] {strides = array<i32>} : memref<64x128xf32, #tpu.memory_space<vmem>>, vector<16xf32>,
      tpu.vector_store %arg14[%swap3A_165, %swap3A_166], %unpack3A_163 {strides = array<i32>} : memref<64x128xf32, #tpu.memory_space<vmem>>, vector<16xf32>,
      %swap3A_168 = arith.index_cast %scan3A_150 : i32 to index
      %swap3A_169 = arith.constant 48 : index
      %swap3A_170 = tpu.vector_load %arg14[%swap3A_168, %swap3A_169] {strides = array<i32>} : memref<64x128xf32, #tpu.memory_space<vmem>>, vector<16xf32>,
      tpu.vector_store %arg14[%swap3A_168, %swap3A_169], %unpack3A_164 {strides = array<i32>} : memref<64x128xf32, #tpu.memory_space<vmem>>, vector<16xf32>,
      %get3A_171 = arith.index_cast %scan3A_150 : i32 to index
      %get3A_172 = arith.constant 32 : index
      %get3A_173 = tpu.vector_load %arg12[%get3A_171, %get3A_172] {strides = array<i32>} : memref<64x64xi32, #tpu.memory_space<vmem>>, vector<16xi32>,
      %bitcast3A_174 = vector.bitcast %get3A_173 : vector<16xi32> to vector<32xbf16>
      %unpack3A_175 = tpu.unpack_subelements %bitcast3A_174, 0 {pack_format = #tpu.pack_format<interleaved>} : vector<32xbf16> -> vector<16xf32>
      %unpack3A_176 = tpu.unpack_subelements %bitcast3A_174, 1 {pack_format = #tpu.pack_format<interleaved>} : vector<32xbf16> -> vector<16xf32>
      %swap3A_177 = arith.index_cast %scan3A_150 : i32 to index
      %swap3A_178 = arith.constant 64 : index
      %swap3A_179 = tpu.vector_load %arg14[%swap3A_177, %swap3A_178] {strides = array<i32>} : memref<64x128xf32, #tpu.memory_space<vmem>>, vector<16xf32>,
      tpu.vector_store %arg14[%swap3A_177, %swap3A_178], %unpack3A_175 {strides = array<i32>} : memref<64x128xf32, #tpu.memory_space<vmem>>, vector<16xf32>,
      %swap3A_180 = arith.index_cast %scan3A_150 : i32 to index
      %swap3A_181 = arith.constant 80 : index
      %swap3A_182 = tpu.vector_load %arg14[%swap3A_180, %swap3A_181] {strides = array<i32>} : memref<64x128xf32, #tpu.memory_space<vmem>>, vector<16xf32>,
      tpu.vector_store %arg14[%swap3A_180, %swap3A_181], %unpack3A_176 {strides = array<i32>} : memref<64x128xf32, #tpu.memory_space<vmem>>, vector<16xf32>,
      %get3A_183 = arith.index_cast %scan3A_150 : i32 to index
      %get3A_184 = arith.constant 48 : index
      %get3A_185 = tpu.vector_load %arg12[%get3A_183, %get3A_184] {strides = array<i32>} : memref<64x64xi32, #tpu.memory_space<vmem>>, vector<16xi32>,
      %bitcast3A_186 = vector.bitcast %get3A_185 : vector<16xi32> to vector<32xbf16>
      %unpack3A_187 = tpu.unpack_subelements %bitcast3A_186, 0 {pack_format = #tpu.pack_format<interleaved>} : vector<32xbf16> -> vector<16xf32>
      %unpack3A_188 = tpu.unpack_subelements %bitcast3A_186, 1 {pack_format = #tpu.pack_format<interleaved>} : vector<32xbf16> -> vector<16xf32>
      %swap3A_189 = arith.index_cast %scan3A_150 : i32 to index
      %swap3A_190 = arith.constant 96 : index
      %swap3A_191 = tpu.vector_load %arg14[%swap3A_189, %swap3A_190] {strides = array<i32>} : memref<64x128xf32, #tpu.memory_space<vmem>>, vector<16xf32>,
      tpu.vector_store %arg14[%swap3A_189, %swap3A_190], %unpack3A_187 {strides = array<i32>} : memref<64x128xf32, #tpu.memory_space<vmem>>, vector<16xf32>,
      %swap3A_192 = arith.index_cast %scan3A_150 : i32 to index
      %swap3A_193 = arith.constant 112 : index
      %swap3A_194 = tpu.vector_load %arg14[%swap3A_192, %swap3A_193] {strides = array<i32>} : memref<64x128xf32, #tpu.memory_space<vmem>>, vector<16xf32>,
      tpu.vector_store %arg14[%swap3A_192, %swap3A_193], %unpack3A_188 {strides = array<i32>} : memref<64x128xf32, #tpu.memory_space<vmem>>, vector<16xf32>,
    }
    %scan3A_122 = arith.constant 64 : i32
    %dma_start3A_123 = arith.constant 159 : i32
    %dma_start3A_124 = arith.constant 0 : i32
    %dma_start3A_125 = tpu.memref_slice %arg10[%dma_start3A_123, %dma_start3A_124] : memref<160x64xi32, #tpu.memory_space<vmem>> -> memref<1x64xi32, #tpu.memory_space<vmem>>
    %dma_start3A_126 = tpu.memref_squeeze %dma_start3A_125 : memref<1x64xi32, #tpu.memory_space<vmem>> -> memref<64xi32, #tpu.memory_space<vmem>>
    %dma_start3A_127 = arith.constant 0 : i32
    %dma_start3A_128 = arith.constant 0 : i32
    %dma_start3A_129 = tpu.memref_slice %arg15[%dma_start3A_127, %dma_start3A_128] : memref<10240x128xf32, #tpu.memory_space<vmem_shared>> -> memref<10240x128xf32, #tpu.memory_space<vmem_shared>>
    tpu.enqueue_indirect_dma source(%arg14 : memref<64x128xf32, #tpu.memory_space<vmem>>) target(%dma_start3A_129 : memref<10240x128xf32, #tpu.memory_space<vmem_shared>>) offsets(%dma_start3A_126 : memref<64xi32, #tpu.memory_space<vmem>>) semaphore(%arg19 : memref<!tpu.dma_semaphore, #tpu.memory_space<semaphore_mem>>) {add = true}
    %dma_wait3A_130 = arith.constant 0 : i32
    %dma_wait3A_131 = arith.constant 0 : i32
    %dma_wait3A_132 = tpu.memref_slice %arg6[%dma_wait3A_130, %dma_wait3A_131] : memref<640x128xf32, #tpu.memory_space<hbm>> -> memref<64x128xf32, #tpu.memory_space<hbm>>
    %dma_wait3A_133 = arith.constant 0 : i32
    %dma_wait3A_134 = arith.constant 0 : i32
    %dma_wait3A_135 = tpu.memref_slice %arg6[%dma_wait3A_133, %dma_wait3A_134] : memref<640x128xf32, #tpu.memory_space<hbm>> -> memref<64x128xf32, #tpu.memory_space<hbm>>
    tpu.wait_dma2 semaphore(%arg18 : memref<!tpu.dma_semaphore, #tpu.memory_space<semaphore_mem>>) src(%dma_wait3A_135 : memref<64x128xf32, #tpu.memory_space<hbm>>) dst(%arg13 : memref<64x128xf32, #tpu.memory_space<vmem>>)
    %dma_wait3A_136 = arith.constant 0 : i32
    %dma_wait3A_137 = arith.constant 0 : i32
    %dma_wait3A_138 = tpu.memref_slice %arg6[%dma_wait3A_136, %dma_wait3A_137] : memref<640x128xf32, #tpu.memory_space<hbm>> -> memref<64x128xf32, #tpu.memory_space<hbm>>
    %dma_wait3A_139 = arith.constant 0 : i32
    %dma_wait3A_140 = arith.constant 0 : i32
    %dma_wait3A_141 = tpu.memref_slice %arg6[%dma_wait3A_139, %dma_wait3A_140] : memref<640x128xf32, #tpu.memory_space<hbm>> -> memref<64x128xf32, #tpu.memory_space<hbm>>
    tpu.wait_dma2 semaphore(%arg19 : memref<!tpu.dma_semaphore, #tpu.memory_space<semaphore_mem>>) src(%dma_wait3A_141 : memref<64x128xf32, #tpu.memory_space<hbm>>) dst(%arg14 : memref<64x128xf32, #tpu.memory_space<vmem>>)
    %barrier3A_142 = arith.constant 0 : index
    tpu.barrier barrier_id(%barrier3A_142)
    %eq3A = arith.constant 0 : i32
    %eq3A_143 = arith.cmpi eq, %arg0, %eq3A : i32
    %convert_element_type3A = arith.extui %eq3A_143 : i1 to i32
    %cond3A = arith.constant 0 : i32
    %cond3A_144 = arith.cmpi ne, %convert_element_type3A, %cond3A : i32
    scf.if %cond3A_144 {
      %mul3A_150 = arith.constant 640 : i32
      %mul3A_151 = arith.muli %arg1, %mul3A_150 : i32
      %mul3A_152 = arith.constant 640 : i32
      %mul3A_153 = arith.muli %arg1, %mul3A_152 : i32
      "tpu.region"() ({
        %run_scoped3A_154 = tpu.sem_alloc : memref<!tpu.dma_semaphore, #tpu.memory_space<semaphore_mem>>
        %dma_start3A_155 = arith.constant 0 : i32
        %dma_start3A_156 = tpu.memref_slice %arg7[%mul3A_153, %dma_start3A_155] : memref<10240x128xf32, #tpu.memory_space<hbm>> -> memref<640x128xf32, #tpu.memory_space<hbm>>
        %dma_start3A_157 = arith.constant 0 : i32
        %dma_start3A_158 = tpu.memref_slice %arg15[%mul3A_151, %dma_start3A_157] : memref<10240x128xf32, #tpu.memory_space<vmem_shared>> -> memref<640x128xf32, #tpu.memory_space<vmem_shared>>
        tpu.enqueue_dma source(%dma_start3A_158 : memref<640x128xf32, #tpu.memory_space<vmem_shared>>) target(%dma_start3A_156 : memref<640x128xf32, #tpu.memory_space<hbm>>) target_semaphore(%run_scoped3A_154 : memref<!tpu.dma_semaphore, #tpu.memory_space<semaphore_mem>>)
        %dma_wait3A_159 = arith.constant 0 : i32
        %dma_wait3A_160 = tpu.memref_slice %arg7[%mul3A_153, %dma_wait3A_159] : memref<10240x128xf32, #tpu.memory_space<hbm>> -> memref<640x128xf32, #tpu.memory_space<hbm>>
        %dma_wait3A_161 = arith.constant 0 : i32
        %dma_wait3A_162 = tpu.memref_slice %arg15[%mul3A_151, %dma_wait3A_161] : memref<10240x128xf32, #tpu.memory_space<vmem_shared>> -> memref<640x128xf32, #tpu.memory_space<vmem_shared>>
        tpu.wait_dma2 semaphore(%run_scoped3A_154 : memref<!tpu.dma_semaphore, #tpu.memory_space<semaphore_mem>>) src(%dma_wait3A_162 : memref<640x128xf32, #tpu.memory_space<vmem_shared>>) dst(%dma_wait3A_160 : memref<640x128xf32, #tpu.memory_space<hbm>>)
        tpu.yield
      }) : () -> ()
    } else {
    }
    %eq3A_145 = arith.constant 1 : i32
    %eq3A_146 = arith.cmpi eq, %arg0, %eq3A_145 : i32
    %convert_element_type3A_147 = arith.extui %eq3A_146 : i1 to i32
    %cond3A_148 = arith.constant 0 : i32
    %cond3A_149 = arith.cmpi ne, %convert_element_type3A_147, %cond3A_148 : i32
    scf.if %cond3A_149 {
      %mul3A_150 = arith.constant 640 : i32
      %mul3A_151 = arith.muli %arg1, %mul3A_150 : i32
      %mul3A_152 = arith.constant 640 : i32
      %mul3A_153 = arith.muli %arg1, %mul3A_152 : i32
      "tpu.region"() ({
        %run_scoped3A_154 = tpu.sem_alloc : memref<!tpu.dma_semaphore, #tpu.memory_space<semaphore_mem>>
        %dma_start3A_155 = arith.constant 0 : i32
        %dma_start3A_156 = tpu.memref_slice %arg8[%mul3A_153, %dma_start3A_155] : memref<10240x128xf32, #tpu.memory_space<hbm>> -> memref<640x128xf32, #tpu.memory_space<hbm>>
        %dma_start3A_157 = arith.constant 0 : i32
        %dma_start3A_158 = tpu.memref_slice %arg15[%mul3A_151, %dma_start3A_157] : memref<10240x128xf32, #tpu.memory_space<vmem_shared>> -> memref<640x128xf32, #tpu.memory_space<vmem_shared>>
        tpu.enqueue_dma source(%dma_start3A_158 : memref<640x128xf32, #tpu.memory_space<vmem_shared>>) target(%dma_start3A_156 : memref<640x128xf32, #tpu.memory_space<hbm>>) target_semaphore(%run_scoped3A_154 : memref<!tpu.dma_semaphore, #tpu.memory_space<semaphore_mem>>)
        %dma_wait3A_159 = arith.constant 0 : i32
        %dma_wait3A_160 = tpu.memref_slice %arg8[%mul3A_153, %dma_wait3A_159] : memref<10240x128xf32, #tpu.memory_space<hbm>> -> memref<640x128xf32, #tpu.memory_space<hbm>>
        %dma_wait3A_161 = arith.constant 0 : i32
        %dma_wait3A_162 = tpu.memref_slice %arg15[%mul3A_151, %dma_wait3A_161] : memref<10240x128xf32, #tpu.memory_space<vmem_shared>> -> memref<640x128xf32, #tpu.memory_space<vmem_shared>>
        tpu.wait_dma2 semaphore(%run_scoped3A_154 : memref<!tpu.dma_semaphore, #tpu.memory_space<semaphore_mem>>) src(%dma_wait3A_162 : memref<640x128xf32, #tpu.memory_space<vmem_shared>>) dst(%dma_wait3A_160 : memref<640x128xf32, #tpu.memory_space<hbm>>)
        tpu.yield
      }) : () -> ()
    } else {
    }
    return
  }
}

#map = affine_map<(d0, d1) -> (0, 0)>
#map1 = affine_map<(d0, d1) -> (0, 0, 0, 0)>
module attributes {stable_mosaic.version = 14 : i64} {
  func.func @_sc_body_wrap(%arg0: i32, %arg1: i32, %arg2: memref<80000x64xi32, #tpu.memory_space<hbm>>, %arg3: memref<32x1x160x64xi32, #tpu.memory_space<hbm>>, %arg4: memref<32x1x160x64xi32, #tpu.memory_space<hbm>>, %arg5: memref<32x1x160x64xi32, #tpu.memory_space<hbm>>, %arg6: memref<640x128xf32, #tpu.memory_space<hbm>>, %arg7: memref<10240x128xf32, #tpu.memory_space<hbm>>, %arg8: memref<10240x128xf32, #tpu.memory_space<hbm>>, %arg9: memref<160x64xi32, #tpu.memory_space<vmem>>, %arg10: memref<160x64xi32, #tpu.memory_space<vmem>>, %arg11: memref<64x64xi32, #tpu.memory_space<vmem>>, %arg12: memref<64x64xi32, #tpu.memory_space<vmem>>, %arg13: memref<64x128xf32, #tpu.memory_space<vmem>>, %arg14: memref<64x128xf32, #tpu.memory_space<vmem>>, %arg15: memref<10240x128xf32, #tpu.memory_space<vmem_shared>>, %arg16: memref<!tpu.dma_semaphore, #tpu.memory_space<semaphore_mem>>, %arg17: memref<!tpu.dma_semaphore, #tpu.memory_space<semaphore_mem>>, %arg18: memref<!tpu.dma_semaphore, #tpu.memory_space<semaphore_mem>>, %arg19: memref<!tpu.dma_semaphore, #tpu.memory_space<semaphore_mem>>) attributes {dimension_semantics = [#tpu.dimension_semantics<core_parallel>, #tpu.dimension_semantics<subcore_parallel>], iteration_bounds = array<i64: 2, 16>, scalar_prefetch = 0 : i64, scratch_operands = 11 : i64, tpu.core_type = #tpu.core_type<sc_vector_subcore>, window_params = [{transform_indices = #map}, {transform_indices = #map1}, {transform_indices = #map1}, {transform_indices = #map1}, {transform_indices = #map}, {transform_indices = #map}, {transform_indices = #map}]} {
    %mul3A = arith.constant 2 : i32
    %mul3A_0 = arith.muli %arg1, %mul3A : i32
    %add3A = arith.addi %mul3A_0, %arg0 : i32
    %mul3A_1 = arith.constant 640 : i32
    %mul3A_2 = arith.muli %arg1, %mul3A_1 : i32
    "tpu.region"() ({
      %run_scoped3A_150 = tpu.sem_alloc : memref<!tpu.dma_semaphore, #tpu.memory_space<semaphore_mem>>
      %dma_start3A_151 = arith.constant 0 : i32
      %dma_start3A_152 = tpu.memref_slice %arg15[%mul3A_2, %dma_start3A_151] : memref<10240x128xf32, #tpu.memory_space<vmem_shared>> -> memref<640x128xf32, #tpu.memory_space<vmem_shared>>
      tpu.enqueue_dma source(%arg6 : memref<640x128xf32, #tpu.memory_space<hbm>>) target(%dma_start3A_152 : memref<640x128xf32, #tpu.memory_space<vmem_shared>>) target_semaphore(%run_scoped3A_150 : memref<!tpu.dma_semaphore, #tpu.memory_space<semaphore_mem>>)
      %dma_wait3A_153 = arith.constant 0 : i32
      %dma_wait3A_154 = tpu.memref_slice %arg15[%mul3A_2, %dma_wait3A_153] : memref<10240x128xf32, #tpu.memory_space<vmem_shared>> -> memref<640x128xf32, #tpu.memory_space<vmem_shared>>
      tpu.wait_dma2 semaphore(%run_scoped3A_150 : memref<!tpu.dma_semaphore, #tpu.memory_space<semaphore_mem>>) src(%arg6 : memref<640x128xf32, #tpu.memory_space<hbm>>) dst(%dma_wait3A_154 : memref<640x128xf32, #tpu.memory_space<vmem_shared>>)
      tpu.yield
    }) : () -> ()
    %barrier3A = arith.constant 0 : index
    tpu.barrier barrier_id(%barrier3A)
    %run_scoped3A = arith.constant 0 : i32
    "tpu.region"() ({
      %run_scoped3A_150 = tpu.sem_alloc : memref<!tpu.dma_semaphore, #tpu.memory_space<semaphore_mem>>
      %dma_start3A_151 = arith.constant 0 : i32
      %dma_start3A_152 = arith.constant 0 : i32
      %dma_start3A_153 = tpu.memref_slice %arg3[%add3A, %run_scoped3A, %dma_start3A_151, %dma_start3A_152] : memref<32x1x160x64xi32, #tpu.memory_space<hbm>> -> memref<1x1x160x64xi32, #tpu.memory_space<hbm>>
      %dma_start3A_154 = tpu.memref_squeeze %dma_start3A_153 : memref<1x1x160x64xi32, #tpu.memory_space<hbm>> -> memref<160x64xi32, #tpu.memory_space<hbm>>
      %dma_start3A_155 = arith.constant 0 : i32
      %dma_start3A_156 = arith.constant 0 : i32
      %dma_start3A_157 = tpu.memref_slice %arg3[%add3A, %run_scoped3A, %dma_start3A_155, %dma_start3A_156] : memref<32x1x160x64xi32, #tpu.memory_space<hbm>> -> memref<1x1x160x64xi32, #tpu.memory_space<hbm>>
      %dma_start3A_158 = tpu.memref_squeeze %dma_start3A_157 : memref<1x1x160x64xi32, #tpu.memory_space<hbm>> -> memref<160x64xi32, #tpu.memory_space<hbm>>
      tpu.enqueue_dma source(%dma_start3A_158 : memref<160x64xi32, #tpu.memory_space<hbm>>) target(%arg9 : memref<160x64xi32, #tpu.memory_space<vmem>>) target_semaphore(%run_scoped3A_150 : memref<!tpu.dma_semaphore, #tpu.memory_space<semaphore_mem>>)
      %dma_wait3A_159 = arith.constant 0 : i32
      %dma_wait3A_160 = arith.constant 0 : i32
      %dma_wait3A_161 = tpu.memref_slice %arg3[%add3A, %run_scoped3A, %dma_wait3A_159, %dma_wait3A_160] : memref<32x1x160x64xi32, #tpu.memory_space<hbm>> -> memref<1x1x160x64xi32, #tpu.memory_space<hbm>>
      %dma_wait3A_162 = tpu.memref_squeeze %dma_wait3A_161 : memref<1x1x160x64xi32, #tpu.memory_space<hbm>> -> memref<160x64xi32, #tpu.memory_space<hbm>>
      %dma_wait3A_163 = arith.constant 0 : i32
      %dma_wait3A_164 = arith.constant 0 : i32
      %dma_wait3A_165 = tpu.memref_slice %arg3[%add3A, %run_scoped3A, %dma_wait3A_163, %dma_wait3A_164] : memref<32x1x160x64xi32, #tpu.memory_space<hbm>> -> memref<1x1x160x64xi32, #tpu.memory_space<hbm>>
      %dma_wait3A_166 = tpu.memref_squeeze %dma_wait3A_165 : memref<1x1x160x64xi32, #tpu.memory_space<hbm>> -> memref<160x64xi32, #tpu.memory_space<hbm>>
      tpu.wait_dma2 semaphore(%run_scoped3A_150 : memref<!tpu.dma_semaphore, #tpu.memory_space<semaphore_mem>>) src(%dma_wait3A_166 : memref<160x64xi32, #tpu.memory_space<hbm>>) dst(%arg9 : memref<160x64xi32, #tpu.memory_space<vmem>>)
      tpu.yield
    }) : () -> ()
    %run_scoped3A_3 = arith.constant 0 : i32
    "tpu.region"() ({
      %run_scoped3A_150 = tpu.sem_alloc : memref<!tpu.dma_semaphore, #tpu.memory_space<semaphore_mem>>
      %dma_start3A_151 = arith.constant 0 : i32
      %dma_start3A_152 = arith.constant 0 : i32
      %dma_start3A_153 = tpu.memref_slice %arg4[%add3A, %run_scoped3A_3, %dma_start3A_151, %dma_start3A_152] : memref<32x1x160x64xi32, #tpu.memory_space<hbm>> -> memref<1x1x160x64xi32, #tpu.memory_space<hbm>>
      %dma_start3A_154 = tpu.memref_squeeze %dma_start3A_153 : memref<1x1x160x64xi32, #tpu.memory_space<hbm>> -> memref<160x64xi32, #tpu.memory_space<hbm>>
      %dma_start3A_155 = arith.constant 0 : i32
      %dma_start3A_156 = arith.constant 0 : i32
      %dma_start3A_157 = tpu.memref_slice %arg4[%add3A, %run_scoped3A_3, %dma_start3A_155, %dma_start3A_156] : memref<32x1x160x64xi32, #tpu.memory_space<hbm>> -> memref<1x1x160x64xi32, #tpu.memory_space<hbm>>
      %dma_start3A_158 = tpu.memref_squeeze %dma_start3A_157 : memref<1x1x160x64xi32, #tpu.memory_space<hbm>> -> memref<160x64xi32, #tpu.memory_space<hbm>>
      tpu.enqueue_dma source(%dma_start3A_158 : memref<160x64xi32, #tpu.memory_space<hbm>>) target(%arg10 : memref<160x64xi32, #tpu.memory_space<vmem>>) target_semaphore(%run_scoped3A_150 : memref<!tpu.dma_semaphore, #tpu.memory_space<semaphore_mem>>)
      %dma_wait3A_159 = arith.constant 0 : i32
      %dma_wait3A_160 = arith.constant 0 : i32
      %dma_wait3A_161 = tpu.memref_slice %arg4[%add3A, %run_scoped3A_3, %dma_wait3A_159, %dma_wait3A_160] : memref<32x1x160x64xi32, #tpu.memory_space<hbm>> -> memref<1x1x160x64xi32, #tpu.memory_space<hbm>>
      %dma_wait3A_162 = tpu.memref_squeeze %dma_wait3A_161 : memref<1x1x160x64xi32, #tpu.memory_space<hbm>> -> memref<160x64xi32, #tpu.memory_space<hbm>>
      %dma_wait3A_163 = arith.constant 0 : i32
      %dma_wait3A_164 = arith.constant 0 : i32
      %dma_wait3A_165 = tpu.memref_slice %arg4[%add3A, %run_scoped3A_3, %dma_wait3A_163, %dma_wait3A_164] : memref<32x1x160x64xi32, #tpu.memory_space<hbm>> -> memref<1x1x160x64xi32, #tpu.memory_space<hbm>>
      %dma_wait3A_166 = tpu.memref_squeeze %dma_wait3A_165 : memref<1x1x160x64xi32, #tpu.memory_space<hbm>> -> memref<160x64xi32, #tpu.memory_space<hbm>>
      tpu.wait_dma2 semaphore(%run_scoped3A_150 : memref<!tpu.dma_semaphore, #tpu.memory_space<semaphore_mem>>) src(%dma_wait3A_166 : memref<160x64xi32, #tpu.memory_space<hbm>>) dst(%arg10 : memref<160x64xi32, #tpu.memory_space<vmem>>)
      tpu.yield
    }) : () -> ()
    %scan3A = arith.constant 0 : i32
    %scan3A_4 = arith.constant 0 : i32
    %scan3A_5 = arith.constant 160 : i32
    %scan3A_6 = arith.addi %scan3A_4, %scan3A_5 : i32
    %scan3A_7 = arith.constant 1 : i32
    scf.for %scan3A_150 = %scan3A_4 to %scan3A_6 step %scan3A_7  : i32 {
      %get3A = arith.index_cast %scan3A_150 : i32 to index
      %get3A_151 = arith.constant 0 : index
      %get3A_152 = tpu.vector_load %arg10[%get3A, %get3A_151] {strides = array<i32>} : memref<160x64xi32, #tpu.memory_space<vmem>>, vector<16xi32>,
      %mul3A_153 = arith.constant 10000 : i32
      %mul3A_154 = vector.broadcast %mul3A_153 : i32 to vector<16xi32>
      %mul3A_155 = arith.muli %get3A_152, %mul3A_154 : vector<16xi32>
      %get3A_156 = arith.index_cast %scan3A_150 : i32 to index
      %get3A_157 = arith.constant 0 : index
      %get3A_158 = tpu.vector_load %arg9[%get3A_156, %get3A_157] {strides = array<i32>} : memref<160x64xi32, #tpu.memory_space<vmem>>, vector<16xi32>,
      %add3A_159 = arith.addi %mul3A_155, %get3A_158 : vector<16xi32>
      %swap3A = arith.index_cast %scan3A_150 : i32 to index
      %swap3A_160 = arith.constant 0 : index
      %swap3A_161 = tpu.vector_load %arg9[%swap3A, %swap3A_160] {strides = array<i32>} : memref<160x64xi32, #tpu.memory_space<vmem>>, vector<16xi32>,
      tpu.vector_store %arg9[%swap3A, %swap3A_160], %add3A_159 {strides = array<i32>} : memref<160x64xi32, #tpu.memory_space<vmem>>, vector<16xi32>,
      %get3A_162 = arith.index_cast %scan3A_150 : i32 to index
      %get3A_163 = arith.constant 16 : index
      %get3A_164 = tpu.vector_load %arg10[%get3A_162, %get3A_163] {strides = array<i32>} : memref<160x64xi32, #tpu.memory_space<vmem>>, vector<16xi32>,
      %mul3A_165 = arith.constant 10000 : i32
      %mul3A_166 = vector.broadcast %mul3A_165 : i32 to vector<16xi32>
      %mul3A_167 = arith.muli %get3A_164, %mul3A_166 : vector<16xi32>
      %get3A_168 = arith.index_cast %scan3A_150 : i32 to index
      %get3A_169 = arith.constant 16 : index
      %get3A_170 = tpu.vector_load %arg9[%get3A_168, %get3A_169] {strides = array<i32>} : memref<160x64xi32, #tpu.memory_space<vmem>>, vector<16xi32>,
      %add3A_171 = arith.addi %mul3A_167, %get3A_170 : vector<16xi32>
      %swap3A_172 = arith.index_cast %scan3A_150 : i32 to index
      %swap3A_173 = arith.constant 16 : index
      %swap3A_174 = tpu.vector_load %arg9[%swap3A_172, %swap3A_173] {strides = array<i32>} : memref<160x64xi32, #tpu.memory_space<vmem>>, vector<16xi32>,
      tpu.vector_store %arg9[%swap3A_172, %swap3A_173], %add3A_171 {strides = array<i32>} : memref<160x64xi32, #tpu.memory_space<vmem>>, vector<16xi32>,
      %get3A_175 = arith.index_cast %scan3A_150 : i32 to index
      %get3A_176 = arith.constant 32 : index
      %get3A_177 = tpu.vector_load %arg10[%get3A_175, %get3A_176] {strides = array<i32>} : memref<160x64xi32, #tpu.memory_space<vmem>>, vector<16xi32>,
      %mul3A_178 = arith.constant 10000 : i32
      %mul3A_179 = vector.broadcast %mul3A_178 : i32 to vector<16xi32>
      %mul3A_180 = arith.muli %get3A_177, %mul3A_179 : vector<16xi32>
      %get3A_181 = arith.index_cast %scan3A_150 : i32 to index
      %get3A_182 = arith.constant 32 : index
      %get3A_183 = tpu.vector_load %arg9[%get3A_181, %get3A_182] {strides = array<i32>} : memref<160x64xi32, #tpu.memory_space<vmem>>, vector<16xi32>,
      %add3A_184 = arith.addi %mul3A_180, %get3A_183 : vector<16xi32>
      %swap3A_185 = arith.index_cast %scan3A_150 : i32 to index
      %swap3A_186 = arith.constant 32 : index
      %swap3A_187 = tpu.vector_load %arg9[%swap3A_185, %swap3A_186] {strides = array<i32>} : memref<160x64xi32, #tpu.memory_space<vmem>>, vector<16xi32>,
      tpu.vector_store %arg9[%swap3A_185, %swap3A_186], %add3A_184 {strides = array<i32>} : memref<160x64xi32, #tpu.memory_space<vmem>>, vector<16xi32>,
      %get3A_188 = arith.index_cast %scan3A_150 : i32 to index
      %get3A_189 = arith.constant 48 : index
      %get3A_190 = tpu.vector_load %arg10[%get3A_188, %get3A_189] {strides = array<i32>} : memref<160x64xi32, #tpu.memory_space<vmem>>, vector<16xi32>,
      %mul3A_191 = arith.constant 10000 : i32
      %mul3A_192 = vector.broadcast %mul3A_191 : i32 to vector<16xi32>
      %mul3A_193 = arith.muli %get3A_190, %mul3A_192 : vector<16xi32>
      %get3A_194 = arith.index_cast %scan3A_150 : i32 to index
      %get3A_195 = arith.constant 48 : index
      %get3A_196 = tpu.vector_load %arg9[%get3A_194, %get3A_195] {strides = array<i32>} : memref<160x64xi32, #tpu.memory_space<vmem>>, vector<16xi32>,
      %add3A_197 = arith.addi %mul3A_193, %get3A_196 : vector<16xi32>
      %swap3A_198 = arith.index_cast %scan3A_150 : i32 to index
      %swap3A_199 = arith.constant 48 : index
      %swap3A_200 = tpu.vector_load %arg9[%swap3A_198, %swap3A_199] {strides = array<i32>} : memref<160x64xi32, #tpu.memory_space<vmem>>, vector<16xi32>,
      tpu.vector_store %arg9[%swap3A_198, %swap3A_199], %add3A_197 {strides = array<i32>} : memref<160x64xi32, #tpu.memory_space<vmem>>, vector<16xi32>,
    }
    %scan3A_8 = arith.constant 160 : i32
    %run_scoped3A_9 = arith.constant 0 : i32
    "tpu.region"() ({
      %run_scoped3A_150 = tpu.sem_alloc : memref<!tpu.dma_semaphore, #tpu.memory_space<semaphore_mem>>
      %dma_start3A_151 = arith.constant 0 : i32
      %dma_start3A_152 = arith.constant 0 : i32
      %dma_start3A_153 = tpu.memref_slice %arg5[%add3A, %run_scoped3A_9, %dma_start3A_151, %dma_start3A_152] : memref<32x1x160x64xi32, #tpu.memory_space<hbm>> -> memref<1x1x160x64xi32, #tpu.memory_space<hbm>>
      %dma_start3A_154 = tpu.memref_squeeze %dma_start3A_153 : memref<1x1x160x64xi32, #tpu.memory_space<hbm>> -> memref<160x64xi32, #tpu.memory_space<hbm>>
      %dma_start3A_155 = arith.constant 0 : i32
      %dma_start3A_156 = arith.constant 0 : i32
      %dma_start3A_157 = tpu.memref_slice %arg5[%add3A, %run_scoped3A_9, %dma_start3A_155, %dma_start3A_156] : memref<32x1x160x64xi32, #tpu.memory_space<hbm>> -> memref<1x1x160x64xi32, #tpu.memory_space<hbm>>
      %dma_start3A_158 = tpu.memref_squeeze %dma_start3A_157 : memref<1x1x160x64xi32, #tpu.memory_space<hbm>> -> memref<160x64xi32, #tpu.memory_space<hbm>>
      tpu.enqueue_dma source(%dma_start3A_158 : memref<160x64xi32, #tpu.memory_space<hbm>>) target(%arg10 : memref<160x64xi32, #tpu.memory_space<vmem>>) target_semaphore(%run_scoped3A_150 : memref<!tpu.dma_semaphore, #tpu.memory_space<semaphore_mem>>)
      %dma_wait3A_159 = arith.constant 0 : i32
      %dma_wait3A_160 = arith.constant 0 : i32
      %dma_wait3A_161 = tpu.memref_slice %arg5[%add3A, %run_scoped3A_9, %dma_wait3A_159, %dma_wait3A_160] : memref<32x1x160x64xi32, #tpu.memory_space<hbm>> -> memref<1x1x160x64xi32, #tpu.memory_space<hbm>>
      %dma_wait3A_162 = tpu.memref_squeeze %dma_wait3A_161 : memref<1x1x160x64xi32, #tpu.memory_space<hbm>> -> memref<160x64xi32, #tpu.memory_space<hbm>>
      %dma_wait3A_163 = arith.constant 0 : i32
      %dma_wait3A_164 = arith.constant 0 : i32
      %dma_wait3A_165 = tpu.memref_slice %arg5[%add3A, %run_scoped3A_9, %dma_wait3A_163, %dma_wait3A_164] : memref<32x1x160x64xi32, #tpu.memory_space<hbm>> -> memref<1x1x160x64xi32, #tpu.memory_space<hbm>>
      %dma_wait3A_166 = tpu.memref_squeeze %dma_wait3A_165 : memref<1x1x160x64xi32, #tpu.memory_space<hbm>> -> memref<160x64xi32, #tpu.memory_space<hbm>>
      tpu.wait_dma2 semaphore(%run_scoped3A_150 : memref<!tpu.dma_semaphore, #tpu.memory_space<semaphore_mem>>) src(%dma_wait3A_166 : memref<160x64xi32, #tpu.memory_space<hbm>>) dst(%arg10 : memref<160x64xi32, #tpu.memory_space<vmem>>)
      tpu.yield
    }) : () -> ()
    %dma_start3A = arith.constant 0 : i32
    %dma_start3A_10 = arith.constant 0 : i32
    %dma_start3A_11 = tpu.memref_slice %arg9[%dma_start3A, %dma_start3A_10] : memref<160x64xi32, #tpu.memory_space<vmem>> -> memref<1x64xi32, #tpu.memory_space<vmem>>
    %dma_start3A_12 = tpu.memref_squeeze %dma_start3A_11 : memref<1x64xi32, #tpu.memory_space<vmem>> -> memref<64xi32, #tpu.memory_space<vmem>>
    %dma_start3A_13 = arith.constant 0 : i32
    %dma_start3A_14 = arith.constant 0 : i32
    %dma_start3A_15 = tpu.memref_slice %arg2[%dma_start3A_13, %dma_start3A_14] : memref<80000x64xi32, #tpu.memory_space<hbm>> -> memref<80000x64xi32, #tpu.memory_space<hbm>>
    tpu.enqueue_indirect_dma source(%dma_start3A_15 : memref<80000x64xi32, #tpu.memory_space<hbm>>) target(%arg11 : memref<64x64xi32, #tpu.memory_space<vmem>>) offsets(%dma_start3A_12 : memref<64xi32, #tpu.memory_space<vmem>>) semaphore(%arg16 : memref<!tpu.dma_semaphore, #tpu.memory_space<semaphore_mem>>)
    %dma_start3A_16 = arith.constant 1 : i32
    %dma_start3A_17 = arith.constant 0 : i32
    %dma_start3A_18 = tpu.memref_slice %arg9[%dma_start3A_16, %dma_start3A_17] : memref<160x64xi32, #tpu.memory_space<vmem>> -> memref<1x64xi32, #tpu.memory_space<vmem>>
    %dma_start3A_19 = tpu.memref_squeeze %dma_start3A_18 : memref<1x64xi32, #tpu.memory_space<vmem>> -> memref<64xi32, #tpu.memory_space<vmem>>
    %dma_start3A_20 = arith.constant 0 : i32
    %dma_start3A_21 = arith.constant 0 : i32
    %dma_start3A_22 = tpu.memref_slice %arg2[%dma_start3A_20, %dma_start3A_21] : memref<80000x64xi32, #tpu.memory_space<hbm>> -> memref<80000x64xi32, #tpu.memory_space<hbm>>
    tpu.enqueue_indirect_dma source(%dma_start3A_22 : memref<80000x64xi32, #tpu.memory_space<hbm>>) target(%arg12 : memref<64x64xi32, #tpu.memory_space<vmem>>) offsets(%dma_start3A_19 : memref<64xi32, #tpu.memory_space<vmem>>) semaphore(%arg17 : memref<!tpu.dma_semaphore, #tpu.memory_space<semaphore_mem>>)
    %dma_wait3A = arith.constant 0 : i32
    %dma_wait3A_23 = arith.constant 0 : i32
    %dma_wait3A_24 = tpu.memref_slice %arg2[%dma_wait3A, %dma_wait3A_23] : memref<80000x64xi32, #tpu.memory_space<hbm>> -> memref<64x64xi32, #tpu.memory_space<hbm>>
    %dma_wait3A_25 = arith.constant 0 : i32
    %dma_wait3A_26 = arith.constant 0 : i32
    %dma_wait3A_27 = tpu.memref_slice %arg2[%dma_wait3A_25, %dma_wait3A_26] : memref<80000x64xi32, #tpu.memory_space<hbm>> -> memref<64x64xi32, #tpu.memory_space<hbm>>
    tpu.wait_dma2 semaphore(%arg16 : memref<!tpu.dma_semaphore, #tpu.memory_space<semaphore_mem>>) src(%dma_wait3A_27 : memref<64x64xi32, #tpu.memory_space<hbm>>) dst(%arg11 : memref<64x64xi32, #tpu.memory_space<vmem>>)
    %scan3A_28 = arith.constant 0 : i32
    %scan3A_29 = arith.constant 0 : i32
    %scan3A_30 = arith.constant 64 : i32
    %scan3A_31 = arith.addi %scan3A_29, %scan3A_30 : i32
    %scan3A_32 = arith.constant 1 : i32
    scf.for %scan3A_150 = %scan3A_29 to %scan3A_31 step %scan3A_32  : i32 {
      %get3A = arith.index_cast %scan3A_150 : i32 to index
      %get3A_151 = arith.constant 0 : index
      %get3A_152 = tpu.vector_load %arg11[%get3A, %get3A_151] {strides = array<i32>} : memref<64x64xi32, #tpu.memory_space<vmem>>, vector<16xi32>,
      %bitcast3A = vector.bitcast %get3A_152 : vector<16xi32> to vector<32xbf16>
      %unpack3A = tpu.unpack_subelements %bitcast3A, 0 {pack_format = #tpu.pack_format<interleaved>} : vector<32xbf16> -> vector<16xf32>
      %unpack3A_153 = tpu.unpack_subelements %bitcast3A, 1 {pack_format = #tpu.pack_format<interleaved>} : vector<32xbf16> -> vector<16xf32>
      %swap3A = arith.index_cast %scan3A_150 : i32 to index
      %swap3A_154 = arith.constant 0 : index
      %swap3A_155 = tpu.vector_load %arg13[%swap3A, %swap3A_154] {strides = array<i32>} : memref<64x128xf32, #tpu.memory_space<vmem>>, vector<16xf32>,
      tpu.vector_store %arg13[%swap3A, %swap3A_154], %unpack3A {strides = array<i32>} : memref<64x128xf32, #tpu.memory_space<vmem>>, vector<16xf32>,
      %swap3A_156 = arith.index_cast %scan3A_150 : i32 to index
      %swap3A_157 = arith.constant 16 : index
      %swap3A_158 = tpu.vector_load %arg13[%swap3A_156, %swap3A_157] {strides = array<i32>} : memref<64x128xf32, #tpu.memory_space<vmem>>, vector<16xf32>,
      tpu.vector_store %arg13[%swap3A_156, %swap3A_157], %unpack3A_153 {strides = array<i32>} : memref<64x128xf32, #tpu.memory_space<vmem>>, vector<16xf32>,
      %get3A_159 = arith.index_cast %scan3A_150 : i32 to index
      %get3A_160 = arith.constant 16 : index
      %get3A_161 = tpu.vector_load %arg11[%get3A_159, %get3A_160] {strides = array<i32>} : memref<64x64xi32, #tpu.memory_space<vmem>>, vector<16xi32>,
      %bitcast3A_162 = vector.bitcast %get3A_161 : vector<16xi32> to vector<32xbf16>
      %unpack3A_163 = tpu.unpack_subelements %bitcast3A_162, 0 {pack_format = #tpu.pack_format<interleaved>} : vector<32xbf16> -> vector<16xf32>
      %unpack3A_164 = tpu.unpack_subelements %bitcast3A_162, 1 {pack_format = #tpu.pack_format<interleaved>} : vector<32xbf16> -> vector<16xf32>
      %swap3A_165 = arith.index_cast %scan3A_150 : i32 to index
      %swap3A_166 = arith.constant 32 : index
      %swap3A_167 = tpu.vector_load %arg13[%swap3A_165, %swap3A_166] {strides = array<i32>} : memref<64x128xf32, #tpu.memory_space<vmem>>, vector<16xf32>,
      tpu.vector_store %arg13[%swap3A_165, %swap3A_166], %unpack3A_163 {strides = array<i32>} : memref<64x128xf32, #tpu.memory_space<vmem>>, vector<16xf32>,
      %swap3A_168 = arith.index_cast %scan3A_150 : i32 to index
      %swap3A_169 = arith.constant 48 : index
      %swap3A_170 = tpu.vector_load %arg13[%swap3A_168, %swap3A_169] {strides = array<i32>} : memref<64x128xf32, #tpu.memory_space<vmem>>, vector<16xf32>,
      tpu.vector_store %arg13[%swap3A_168, %swap3A_169], %unpack3A_164 {strides = array<i32>} : memref<64x128xf32, #tpu.memory_space<vmem>>, vector<16xf32>,
      %get3A_171 = arith.index_cast %scan3A_150 : i32 to index
      %get3A_172 = arith.constant 32 : index
      %get3A_173 = tpu.vector_load %arg11[%get3A_171, %get3A_172] {strides = array<i32>} : memref<64x64xi32, #tpu.memory_space<vmem>>, vector<16xi32>,
      %bitcast3A_174 = vector.bitcast %get3A_173 : vector<16xi32> to vector<32xbf16>
      %unpack3A_175 = tpu.unpack_subelements %bitcast3A_174, 0 {pack_format = #tpu.pack_format<interleaved>} : vector<32xbf16> -> vector<16xf32>
      %unpack3A_176 = tpu.unpack_subelements %bitcast3A_174, 1 {pack_format = #tpu.pack_format<interleaved>} : vector<32xbf16> -> vector<16xf32>
      %swap3A_177 = arith.index_cast %scan3A_150 : i32 to index
      %swap3A_178 = arith.constant 64 : index
      %swap3A_179 = tpu.vector_load %arg13[%swap3A_177, %swap3A_178] {strides = array<i32>} : memref<64x128xf32, #tpu.memory_space<vmem>>, vector<16xf32>,
      tpu.vector_store %arg13[%swap3A_177, %swap3A_178], %unpack3A_175 {strides = array<i32>} : memref<64x128xf32, #tpu.memory_space<vmem>>, vector<16xf32>,
      %swap3A_180 = arith.index_cast %scan3A_150 : i32 to index
      %swap3A_181 = arith.constant 80 : index
      %swap3A_182 = tpu.vector_load %arg13[%swap3A_180, %swap3A_181] {strides = array<i32>} : memref<64x128xf32, #tpu.memory_space<vmem>>, vector<16xf32>,
      tpu.vector_store %arg13[%swap3A_180, %swap3A_181], %unpack3A_176 {strides = array<i32>} : memref<64x128xf32, #tpu.memory_space<vmem>>, vector<16xf32>,
      %get3A_183 = arith.index_cast %scan3A_150 : i32 to index
      %get3A_184 = arith.constant 48 : index
      %get3A_185 = tpu.vector_load %arg11[%get3A_183, %get3A_184] {strides = array<i32>} : memref<64x64xi32, #tpu.memory_space<vmem>>, vector<16xi32>,
      %bitcast3A_186 = vector.bitcast %get3A_185 : vector<16xi32> to vector<32xbf16>
      %unpack3A_187 = tpu.unpack_subelements %bitcast3A_186, 0 {pack_format = #tpu.pack_format<interleaved>} : vector<32xbf16> -> vector<16xf32>
      %unpack3A_188 = tpu.unpack_subelements %bitcast3A_186, 1 {pack_format = #tpu.pack_format<interleaved>} : vector<32xbf16> -> vector<16xf32>
      %swap3A_189 = arith.index_cast %scan3A_150 : i32 to index
      %swap3A_190 = arith.constant 96 : index
      %swap3A_191 = tpu.vector_load %arg13[%swap3A_189, %swap3A_190] {strides = array<i32>} : memref<64x128xf32, #tpu.memory_space<vmem>>, vector<16xf32>,
      tpu.vector_store %arg13[%swap3A_189, %swap3A_190], %unpack3A_187 {strides = array<i32>} : memref<64x128xf32, #tpu.memory_space<vmem>>, vector<16xf32>,
      %swap3A_192 = arith.index_cast %scan3A_150 : i32 to index
      %swap3A_193 = arith.constant 112 : index
      %swap3A_194 = tpu.vector_load %arg13[%swap3A_192, %swap3A_193] {strides = array<i32>} : memref<64x128xf32, #tpu.memory_space<vmem>>, vector<16xf32>,
      tpu.vector_store %arg13[%swap3A_192, %swap3A_193], %unpack3A_188 {strides = array<i32>} : memref<64x128xf32, #tpu.memory_space<vmem>>, vector<16xf32>,
    }
    %scan3A_33 = arith.constant 64 : i32
    %dma_start3A_34 = arith.constant 0 : i32
    %dma_start3A_35 = arith.constant 0 : i32
    %dma_start3A_36 = tpu.memref_slice %arg10[%dma_start3A_34, %dma_start3A_35] : memref<160x64xi32, #tpu.memory_space<vmem>> -> memref<1x64xi32, #tpu.memory_space<vmem>>
    %dma_start3A_37 = tpu.memref_squeeze %dma_start3A_36 : memref<1x64xi32, #tpu.memory_space<vmem>> -> memref<64xi32, #tpu.memory_space<vmem>>
    %dma_start3A_38 = arith.constant 0 : i32
    %dma_start3A_39 = arith.constant 0 : i32
    %dma_start3A_40 = tpu.memref_slice %arg15[%dma_start3A_38, %dma_start3A_39] : memref<10240x128xf32, #tpu.memory_space<vmem_shared>> -> memref<10240x128xf32, #tpu.memory_space<vmem_shared>>
    tpu.enqueue_indirect_dma source(%arg13 : memref<64x128xf32, #tpu.memory_space<vmem>>) target(%dma_start3A_40 : memref<10240x128xf32, #tpu.memory_space<vmem_shared>>) offsets(%dma_start3A_37 : memref<64xi32, #tpu.memory_space<vmem>>) semaphore(%arg18 : memref<!tpu.dma_semaphore, #tpu.memory_space<semaphore_mem>>) {add = true}
    %dma_start3A_41 = arith.constant 2 : i32
    %dma_start3A_42 = arith.constant 0 : i32
    %dma_start3A_43 = tpu.memref_slice %arg9[%dma_start3A_41, %dma_start3A_42] : memref<160x64xi32, #tpu.memory_space<vmem>> -> memref<1x64xi32, #tpu.memory_space<vmem>>
    %dma_start3A_44 = tpu.memref_squeeze %dma_start3A_43 : memref<1x64xi32, #tpu.memory_space<vmem>> -> memref<64xi32, #tpu.memory_space<vmem>>
    %dma_start3A_45 = arith.constant 0 : i32
    %dma_start3A_46 = arith.constant 0 : i32
    %dma_start3A_47 = tpu.memref_slice %arg2[%dma_start3A_45, %dma_start3A_46] : memref<80000x64xi32, #tpu.memory_space<hbm>> -> memref<80000x64xi32, #tpu.memory_space<hbm>>
    tpu.enqueue_indirect_dma source(%dma_start3A_47 : memref<80000x64xi32, #tpu.memory_space<hbm>>) target(%arg11 : memref<64x64xi32, #tpu.memory_space<vmem>>) offsets(%dma_start3A_44 : memref<64xi32, #tpu.memory_space<vmem>>) semaphore(%arg16 : memref<!tpu.dma_semaphore, #tpu.memory_space<semaphore_mem>>)
    %dma_wait3A_48 = arith.constant 0 : i32
    %dma_wait3A_49 = arith.constant 0 : i32
    %dma_wait3A_50 = tpu.memref_slice %arg2[%dma_wait3A_48, %dma_wait3A_49] : memref<80000x64xi32, #tpu.memory_space<hbm>> -> memref<64x64xi32, #tpu.memory_space<hbm>>
    %dma_wait3A_51 = arith.constant 0 : i32
    %dma_wait3A_52 = arith.constant 0 : i32
    %dma_wait3A_53 = tpu.memref_slice %arg2[%dma_wait3A_51, %dma_wait3A_52] : memref<80000x64xi32, #tpu.memory_space<hbm>> -> memref<64x64xi32, #tpu.memory_space<hbm>>
    tpu.wait_dma2 semaphore(%arg17 : memref<!tpu.dma_semaphore, #tpu.memory_space<semaphore_mem>>) src(%dma_wait3A_53 : memref<64x64xi32, #tpu.memory_space<hbm>>) dst(%arg12 : memref<64x64xi32, #tpu.memory_space<vmem>>)
    %scan3A_54 = arith.constant 0 : i32
    %scan3A_55 = arith.constant 0 : i32
    %scan3A_56 = arith.constant 64 : i32
    %scan3A_57 = arith.addi %scan3A_55, %scan3A_56 : i32
    %scan3A_58 = arith.constant 1 : i32
    scf.for %scan3A_150 = %scan3A_55 to %scan3A_57 step %scan3A_58  : i32 {
      %get3A = arith.index_cast %scan3A_150 : i32 to index
      %get3A_151 = arith.constant 0 : index
      %get3A_152 = tpu.vector_load %arg12[%get3A, %get3A_151] {strides = array<i32>} : memref<64x64xi32, #tpu.memory_space<vmem>>, vector<16xi32>,
      %bitcast3A = vector.bitcast %get3A_152 : vector<16xi32> to vector<32xbf16>
      %unpack3A = tpu.unpack_subelements %bitcast3A, 0 {pack_format = #tpu.pack_format<interleaved>} : vector<32xbf16> -> vector<16xf32>
      %unpack3A_153 = tpu.unpack_subelements %bitcast3A, 1 {pack_format = #tpu.pack_format<interleaved>} : vector<32xbf16> -> vector<16xf32>
      %swap3A = arith.index_cast %scan3A_150 : i32 to index
      %swap3A_154 = arith.constant 0 : index
      %swap3A_155 = tpu.vector_load %arg14[%swap3A, %swap3A_154] {strides = array<i32>} : memref<64x128xf32, #tpu.memory_space<vmem>>, vector<16xf32>,
      tpu.vector_store %arg14[%swap3A, %swap3A_154], %unpack3A {strides = array<i32>} : memref<64x128xf32, #tpu.memory_space<vmem>>, vector<16xf32>,
      %swap3A_156 = arith.index_cast %scan3A_150 : i32 to index
      %swap3A_157 = arith.constant 16 : index
      %swap3A_158 = tpu.vector_load %arg14[%swap3A_156, %swap3A_157] {strides = array<i32>} : memref<64x128xf32, #tpu.memory_space<vmem>>, vector<16xf32>,
      tpu.vector_store %arg14[%swap3A_156, %swap3A_157], %unpack3A_153 {strides = array<i32>} : memref<64x128xf32, #tpu.memory_space<vmem>>, vector<16xf32>,
      %get3A_159 = arith.index_cast %scan3A_150 : i32 to index
      %get3A_160 = arith.constant 16 : index
      %get3A_161 = tpu.vector_load %arg12[%get3A_159, %get3A_160] {strides = array<i32>} : memref<64x64xi32, #tpu.memory_space<vmem>>, vector<16xi32>,
      %bitcast3A_162 = vector.bitcast %get3A_161 : vector<16xi32> to vector<32xbf16>
      %unpack3A_163 = tpu.unpack_subelements %bitcast3A_162, 0 {pack_format = #tpu.pack_format<interleaved>} : vector<32xbf16> -> vector<16xf32>
      %unpack3A_164 = tpu.unpack_subelements %bitcast3A_162, 1 {pack_format = #tpu.pack_format<interleaved>} : vector<32xbf16> -> vector<16xf32>
      %swap3A_165 = arith.index_cast %scan3A_150 : i32 to index
      %swap3A_166 = arith.constant 32 : index
      %swap3A_167 = tpu.vector_load %arg14[%swap3A_165, %swap3A_166] {strides = array<i32>} : memref<64x128xf32, #tpu.memory_space<vmem>>, vector<16xf32>,
      tpu.vector_store %arg14[%swap3A_165, %swap3A_166], %unpack3A_163 {strides = array<i32>} : memref<64x128xf32, #tpu.memory_space<vmem>>, vector<16xf32>,
      %swap3A_168 = arith.index_cast %scan3A_150 : i32 to index
      %swap3A_169 = arith.constant 48 : index
      %swap3A_170 = tpu.vector_load %arg14[%swap3A_168, %swap3A_169] {strides = array<i32>} : memref<64x128xf32, #tpu.memory_space<vmem>>, vector<16xf32>,
      tpu.vector_store %arg14[%swap3A_168, %swap3A_169], %unpack3A_164 {strides = array<i32>} : memref<64x128xf32, #tpu.memory_space<vmem>>, vector<16xf32>,
      %get3A_171 = arith.index_cast %scan3A_150 : i32 to index
      %get3A_172 = arith.constant 32 : index
      %get3A_173 = tpu.vector_load %arg12[%get3A_171, %get3A_172] {strides = array<i32>} : memref<64x64xi32, #tpu.memory_space<vmem>>, vector<16xi32>,
      %bitcast3A_174 = vector.bitcast %get3A_173 : vector<16xi32> to vector<32xbf16>
      %unpack3A_175 = tpu.unpack_subelements %bitcast3A_174, 0 {pack_format = #tpu.pack_format<interleaved>} : vector<32xbf16> -> vector<16xf32>
      %unpack3A_176 = tpu.unpack_subelements %bitcast3A_174, 1 {pack_format = #tpu.pack_format<interleaved>} : vector<32xbf16> -> vector<16xf32>
      %swap3A_177 = arith.index_cast %scan3A_150 : i32 to index
      %swap3A_178 = arith.constant 64 : index
      %swap3A_179 = tpu.vector_load %arg14[%swap3A_177, %swap3A_178] {strides = array<i32>} : memref<64x128xf32, #tpu.memory_space<vmem>>, vector<16xf32>,
      tpu.vector_store %arg14[%swap3A_177, %swap3A_178], %unpack3A_175 {strides = array<i32>} : memref<64x128xf32, #tpu.memory_space<vmem>>, vector<16xf32>,
      %swap3A_180 = arith.index_cast %scan3A_150 : i32 to index
      %swap3A_181 = arith.constant 80 : index
      %swap3A_182 = tpu.vector_load %arg14[%swap3A_180, %swap3A_181] {strides = array<i32>} : memref<64x128xf32, #tpu.memory_space<vmem>>, vector<16xf32>,
      tpu.vector_store %arg14[%swap3A_180, %swap3A_181], %unpack3A_176 {strides = array<i32>} : memref<64x128xf32, #tpu.memory_space<vmem>>, vector<16xf32>,
      %get3A_183 = arith.index_cast %scan3A_150 : i32 to index
      %get3A_184 = arith.constant 48 : index
      %get3A_185 = tpu.vector_load %arg12[%get3A_183, %get3A_184] {strides = array<i32>} : memref<64x64xi32, #tpu.memory_space<vmem>>, vector<16xi32>,
      %bitcast3A_186 = vector.bitcast %get3A_185 : vector<16xi32> to vector<32xbf16>
      %unpack3A_187 = tpu.unpack_subelements %bitcast3A_186, 0 {pack_format = #tpu.pack_format<interleaved>} : vector<32xbf16> -> vector<16xf32>
      %unpack3A_188 = tpu.unpack_subelements %bitcast3A_186, 1 {pack_format = #tpu.pack_format<interleaved>} : vector<32xbf16> -> vector<16xf32>
      %swap3A_189 = arith.index_cast %scan3A_150 : i32 to index
      %swap3A_190 = arith.constant 96 : index
      %swap3A_191 = tpu.vector_load %arg14[%swap3A_189, %swap3A_190] {strides = array<i32>} : memref<64x128xf32, #tpu.memory_space<vmem>>, vector<16xf32>,
      tpu.vector_store %arg14[%swap3A_189, %swap3A_190], %unpack3A_187 {strides = array<i32>} : memref<64x128xf32, #tpu.memory_space<vmem>>, vector<16xf32>,
      %swap3A_192 = arith.index_cast %scan3A_150 : i32 to index
      %swap3A_193 = arith.constant 112 : index
      %swap3A_194 = tpu.vector_load %arg14[%swap3A_192, %swap3A_193] {strides = array<i32>} : memref<64x128xf32, #tpu.memory_space<vmem>>, vector<16xf32>,
      tpu.vector_store %arg14[%swap3A_192, %swap3A_193], %unpack3A_188 {strides = array<i32>} : memref<64x128xf32, #tpu.memory_space<vmem>>, vector<16xf32>,
    }
    %scan3A_59 = arith.constant 64 : i32
    %dma_start3A_60 = arith.constant 1 : i32
    %dma_start3A_61 = arith.constant 0 : i32
    %dma_start3A_62 = tpu.memref_slice %arg10[%dma_start3A_60, %dma_start3A_61] : memref<160x64xi32, #tpu.memory_space<vmem>> -> memref<1x64xi32, #tpu.memory_space<vmem>>
    %dma_start3A_63 = tpu.memref_squeeze %dma_start3A_62 : memref<1x64xi32, #tpu.memory_space<vmem>> -> memref<64xi32, #tpu.memory_space<vmem>>
    %dma_start3A_64 = arith.constant 0 : i32
    %dma_start3A_65 = arith.constant 0 : i32
    %dma_start3A_66 = tpu.memref_slice %arg15[%dma_start3A_64, %dma_start3A_65] : memref<10240x128xf32, #tpu.memory_space<vmem_shared>> -> memref<10240x128xf32, #tpu.memory_space<vmem_shared>>
    tpu.enqueue_indirect_dma source(%arg14 : memref<64x128xf32, #tpu.memory_space<vmem>>) target(%dma_start3A_66 : memref<10240x128xf32, #tpu.memory_space<vmem_shared>>) offsets(%dma_start3A_63 : memref<64xi32, #tpu.memory_space<vmem>>) semaphore(%arg19 : memref<!tpu.dma_semaphore, #tpu.memory_space<semaphore_mem>>) {add = true}
    %dma_start3A_67 = arith.constant 3 : i32
    %dma_start3A_68 = arith.constant 0 : i32
    %dma_start3A_69 = tpu.memref_slice %arg9[%dma_start3A_67, %dma_start3A_68] : memref<160x64xi32, #tpu.memory_space<vmem>> -> memref<1x64xi32, #tpu.memory_space<vmem>>
    %dma_start3A_70 = tpu.memref_squeeze %dma_start3A_69 : memref<1x64xi32, #tpu.memory_space<vmem>> -> memref<64xi32, #tpu.memory_space<vmem>>
    %dma_start3A_71 = arith.constant 0 : i32
    %dma_start3A_72 = arith.constant 0 : i32
    %dma_start3A_73 = tpu.memref_slice %arg2[%dma_start3A_71, %dma_start3A_72] : memref<80000x64xi32, #tpu.memory_space<hbm>> -> memref<80000x64xi32, #tpu.memory_space<hbm>>
    tpu.enqueue_indirect_dma source(%dma_start3A_73 : memref<80000x64xi32, #tpu.memory_space<hbm>>) target(%arg12 : memref<64x64xi32, #tpu.memory_space<vmem>>) offsets(%dma_start3A_70 : memref<64xi32, #tpu.memory_space<vmem>>) semaphore(%arg17 : memref<!tpu.dma_semaphore, #tpu.memory_space<semaphore_mem>>)
    %scan3A_74 = arith.constant 0 : i32
    %scan3A_75 = arith.constant 0 : i32
    %scan3A_76 = arith.constant 78 : i32
    %scan3A_77 = arith.addi %scan3A_75, %scan3A_76 : i32
    %scan3A_78 = arith.constant 1 : i32
    scf.for %scan3A_150 = %scan3A_75 to %scan3A_77 step %scan3A_78  : i32 {
      %mul3A_151 = arith.constant 2 : i32
      %mul3A_152 = arith.muli %mul3A_151, %scan3A_150 : i32
      %add3A_153 = arith.constant 2 : i32
      %add3A_154 = arith.addi %mul3A_152, %add3A_153 : i32
      %dma_wait3A_155 = arith.constant 0 : i32
      %dma_wait3A_156 = arith.constant 0 : i32
      %dma_wait3A_157 = tpu.memref_slice %arg2[%dma_wait3A_155, %dma_wait3A_156] : memref<80000x64xi32, #tpu.memory_space<hbm>> -> memref<64x64xi32, #tpu.memory_space<hbm>>
      %dma_wait3A_158 = arith.constant 0 : i32
      %dma_wait3A_159 = arith.constant 0 : i32
      %dma_wait3A_160 = tpu.memref_slice %arg2[%dma_wait3A_158, %dma_wait3A_159] : memref<80000x64xi32, #tpu.memory_space<hbm>> -> memref<64x64xi32, #tpu.memory_space<hbm>>
      tpu.wait_dma2 semaphore(%arg16 : memref<!tpu.dma_semaphore, #tpu.memory_space<semaphore_mem>>) src(%dma_wait3A_160 : memref<64x64xi32, #tpu.memory_space<hbm>>) dst(%arg11 : memref<64x64xi32, #tpu.memory_space<vmem>>)
      %dma_wait3A_161 = arith.constant 0 : i32
      %dma_wait3A_162 = arith.constant 0 : i32
      %dma_wait3A_163 = tpu.memref_slice %arg6[%dma_wait3A_161, %dma_wait3A_162] : memref<640x128xf32, #tpu.memory_space<hbm>> -> memref<64x128xf32, #tpu.memory_space<hbm>>
      %dma_wait3A_164 = arith.constant 0 : i32
      %dma_wait3A_165 = arith.constant 0 : i32
      %dma_wait3A_166 = tpu.memref_slice %arg6[%dma_wait3A_164, %dma_wait3A_165] : memref<640x128xf32, #tpu.memory_space<hbm>> -> memref<64x128xf32, #tpu.memory_space<hbm>>
      tpu.wait_dma2 semaphore(%arg18 : memref<!tpu.dma_semaphore, #tpu.memory_space<semaphore_mem>>) src(%dma_wait3A_166 : memref<64x128xf32, #tpu.memory_space<hbm>>) dst(%arg13 : memref<64x128xf32, #tpu.memory_space<vmem>>)
      %scan3A_167 = arith.constant 0 : i32
      %scan3A_168 = arith.constant 0 : i32
      %scan3A_169 = arith.constant 64 : i32
      %scan3A_170 = arith.addi %scan3A_168, %scan3A_169 : i32
      %scan3A_171 = arith.constant 1 : i32
      scf.for %scan3A_221 = %scan3A_168 to %scan3A_170 step %scan3A_171  : i32 {
        %get3A = arith.index_cast %scan3A_221 : i32 to index
        %get3A_222 = arith.constant 0 : index
        %get3A_223 = tpu.vector_load %arg11[%get3A, %get3A_222] {strides = array<i32>} : memref<64x64xi32, #tpu.memory_space<vmem>>, vector<16xi32>,
        %bitcast3A = vector.bitcast %get3A_223 : vector<16xi32> to vector<32xbf16>
        %unpack3A = tpu.unpack_subelements %bitcast3A, 0 {pack_format = #tpu.pack_format<interleaved>} : vector<32xbf16> -> vector<16xf32>
        %unpack3A_224 = tpu.unpack_subelements %bitcast3A, 1 {pack_format = #tpu.pack_format<interleaved>} : vector<32xbf16> -> vector<16xf32>
        %swap3A = arith.index_cast %scan3A_221 : i32 to index
        %swap3A_225 = arith.constant 0 : index
        %swap3A_226 = tpu.vector_load %arg13[%swap3A, %swap3A_225] {strides = array<i32>} : memref<64x128xf32, #tpu.memory_space<vmem>>, vector<16xf32>,
        tpu.vector_store %arg13[%swap3A, %swap3A_225], %unpack3A {strides = array<i32>} : memref<64x128xf32, #tpu.memory_space<vmem>>, vector<16xf32>,
        %swap3A_227 = arith.index_cast %scan3A_221 : i32 to index
        %swap3A_228 = arith.constant 16 : index
        %swap3A_229 = tpu.vector_load %arg13[%swap3A_227, %swap3A_228] {strides = array<i32>} : memref<64x128xf32, #tpu.memory_space<vmem>>, vector<16xf32>,
        tpu.vector_store %arg13[%swap3A_227, %swap3A_228], %unpack3A_224 {strides = array<i32>} : memref<64x128xf32, #tpu.memory_space<vmem>>, vector<16xf32>,
        %get3A_230 = arith.index_cast %scan3A_221 : i32 to index
        %get3A_231 = arith.constant 16 : index
        %get3A_232 = tpu.vector_load %arg11[%get3A_230, %get3A_231] {strides = array<i32>} : memref<64x64xi32, #tpu.memory_space<vmem>>, vector<16xi32>,
        %bitcast3A_233 = vector.bitcast %get3A_232 : vector<16xi32> to vector<32xbf16>
        %unpack3A_234 = tpu.unpack_subelements %bitcast3A_233, 0 {pack_format = #tpu.pack_format<interleaved>} : vector<32xbf16> -> vector<16xf32>
        %unpack3A_235 = tpu.unpack_subelements %bitcast3A_233, 1 {pack_format = #tpu.pack_format<interleaved>} : vector<32xbf16> -> vector<16xf32>
        %swap3A_236 = arith.index_cast %scan3A_221 : i32 to index
        %swap3A_237 = arith.constant 32 : index
        %swap3A_238 = tpu.vector_load %arg13[%swap3A_236, %swap3A_237] {strides = array<i32>} : memref<64x128xf32, #tpu.memory_space<vmem>>, vector<16xf32>,
        tpu.vector_store %arg13[%swap3A_236, %swap3A_237], %unpack3A_234 {strides = array<i32>} : memref<64x128xf32, #tpu.memory_space<vmem>>, vector<16xf32>,
        %swap3A_239 = arith.index_cast %scan3A_221 : i32 to index
        %swap3A_240 = arith.constant 48 : index
        %swap3A_241 = tpu.vector_load %arg13[%swap3A_239, %swap3A_240] {strides = array<i32>} : memref<64x128xf32, #tpu.memory_space<vmem>>, vector<16xf32>,
        tpu.vector_store %arg13[%swap3A_239, %swap3A_240], %unpack3A_235 {strides = array<i32>} : memref<64x128xf32, #tpu.memory_space<vmem>>, vector<16xf32>,
        %get3A_242 = arith.index_cast %scan3A_221 : i32 to index
        %get3A_243 = arith.constant 32 : index
        %get3A_244 = tpu.vector_load %arg11[%get3A_242, %get3A_243] {strides = array<i32>} : memref<64x64xi32, #tpu.memory_space<vmem>>, vector<16xi32>,
        %bitcast3A_245 = vector.bitcast %get3A_244 : vector<16xi32> to vector<32xbf16>
        %unpack3A_246 = tpu.unpack_subelements %bitcast3A_245, 0 {pack_format = #tpu.pack_format<interleaved>} : vector<32xbf16> -> vector<16xf32>
        %unpack3A_247 = tpu.unpack_subelements %bitcast3A_245, 1 {pack_format = #tpu.pack_format<interleaved>} : vector<32xbf16> -> vector<16xf32>
        %swap3A_248 = arith.index_cast %scan3A_221 : i32 to index
        %swap3A_249 = arith.constant 64 : index
        %swap3A_250 = tpu.vector_load %arg13[%swap3A_248, %swap3A_249] {strides = array<i32>} : memref<64x128xf32, #tpu.memory_space<vmem>>, vector<16xf32>,
        tpu.vector_store %arg13[%swap3A_248, %swap3A_249], %unpack3A_246 {strides = array<i32>} : memref<64x128xf32, #tpu.memory_space<vmem>>, vector<16xf32>,
        %swap3A_251 = arith.index_cast %scan3A_221 : i32 to index
        %swap3A_252 = arith.constant 80 : index
        %swap3A_253 = tpu.vector_load %arg13[%swap3A_251, %swap3A_252] {strides = array<i32>} : memref<64x128xf32, #tpu.memory_space<vmem>>, vector<16xf32>,
        tpu.vector_store %arg13[%swap3A_251, %swap3A_252], %unpack3A_247 {strides = array<i32>} : memref<64x128xf32, #tpu.memory_space<vmem>>, vector<16xf32>,
        %get3A_254 = arith.index_cast %scan3A_221 : i32 to index
        %get3A_255 = arith.constant 48 : index
        %get3A_256 = tpu.vector_load %arg11[%get3A_254, %get3A_255] {strides = array<i32>} : memref<64x64xi32, #tpu.memory_space<vmem>>, vector<16xi32>,
        %bitcast3A_257 = vector.bitcast %get3A_256 : vector<16xi32> to vector<32xbf16>
        %unpack3A_258 = tpu.unpack_subelements %bitcast3A_257, 0 {pack_format = #tpu.pack_format<interleaved>} : vector<32xbf16> -> vector<16xf32>
        %unpack3A_259 = tpu.unpack_subelements %bitcast3A_257, 1 {pack_format = #tpu.pack_format<interleaved>} : vector<32xbf16> -> vector<16xf32>
        %swap3A_260 = arith.index_cast %scan3A_221 : i32 to index
        %swap3A_261 = arith.constant 96 : index
        %swap3A_262 = tpu.vector_load %arg13[%swap3A_260, %swap3A_261] {strides = array<i32>} : memref<64x128xf32, #tpu.memory_space<vmem>>, vector<16xf32>,
        tpu.vector_store %arg13[%swap3A_260, %swap3A_261], %unpack3A_258 {strides = array<i32>} : memref<64x128xf32, #tpu.memory_space<vmem>>, vector<16xf32>,
        %swap3A_263 = arith.index_cast %scan3A_221 : i32 to index
        %swap3A_264 = arith.constant 112 : index
        %swap3A_265 = tpu.vector_load %arg13[%swap3A_263, %swap3A_264] {strides = array<i32>} : memref<64x128xf32, #tpu.memory_space<vmem>>, vector<16xf32>,
        tpu.vector_store %arg13[%swap3A_263, %swap3A_264], %unpack3A_259 {strides = array<i32>} : memref<64x128xf32, #tpu.memory_space<vmem>>, vector<16xf32>,
      }
      %scan3A_172 = arith.constant 64 : i32
      %dma_start3A_173 = arith.constant 0 : i32
      %dma_start3A_174 = tpu.memref_slice %arg10[%add3A_154, %dma_start3A_173] : memref<160x64xi32, #tpu.memory_space<vmem>> -> memref<1x64xi32, #tpu.memory_space<vmem>>
      %dma_start3A_175 = tpu.memref_squeeze %dma_start3A_174 : memref<1x64xi32, #tpu.memory_space<vmem>> -> memref<64xi32, #tpu.memory_space<vmem>>
      %dma_start3A_176 = arith.constant 0 : i32
      %dma_start3A_177 = arith.constant 0 : i32
      %dma_start3A_178 = tpu.memref_slice %arg15[%dma_start3A_176, %dma_start3A_177] : memref<10240x128xf32, #tpu.memory_space<vmem_shared>> -> memref<10240x128xf32, #tpu.memory_space<vmem_shared>>
      tpu.enqueue_indirect_dma source(%arg13 : memref<64x128xf32, #tpu.memory_space<vmem>>) target(%dma_start3A_178 : memref<10240x128xf32, #tpu.memory_space<vmem_shared>>) offsets(%dma_start3A_175 : memref<64xi32, #tpu.memory_space<vmem>>) semaphore(%arg18 : memref<!tpu.dma_semaphore, #tpu.memory_space<semaphore_mem>>) {add = true}
      %add3A_179 = arith.constant 2 : i32
      %add3A_180 = arith.addi %add3A_154, %add3A_179 : i32
      %dma_start3A_181 = arith.constant 0 : i32
      %dma_start3A_182 = tpu.memref_slice %arg9[%add3A_180, %dma_start3A_181] : memref<160x64xi32, #tpu.memory_space<vmem>> -> memref<1x64xi32, #tpu.memory_space<vmem>>
      %dma_start3A_183 = tpu.memref_squeeze %dma_start3A_182 : memref<1x64xi32, #tpu.memory_space<vmem>> -> memref<64xi32, #tpu.memory_space<vmem>>
      %dma_start3A_184 = arith.constant 0 : i32
      %dma_start3A_185 = arith.constant 0 : i32
      %dma_start3A_186 = tpu.memref_slice %arg2[%dma_start3A_184, %dma_start3A_185] : memref<80000x64xi32, #tpu.memory_space<hbm>> -> memref<80000x64xi32, #tpu.memory_space<hbm>>
      tpu.enqueue_indirect_dma source(%dma_start3A_186 : memref<80000x64xi32, #tpu.memory_space<hbm>>) target(%arg11 : memref<64x64xi32, #tpu.memory_space<vmem>>) offsets(%dma_start3A_183 : memref<64xi32, #tpu.memory_space<vmem>>) semaphore(%arg16 : memref<!tpu.dma_semaphore, #tpu.memory_space<semaphore_mem>>)
      %dma_wait3A_187 = arith.constant 0 : i32
      %dma_wait3A_188 = arith.constant 0 : i32
      %dma_wait3A_189 = tpu.memref_slice %arg2[%dma_wait3A_187, %dma_wait3A_188] : memref<80000x64xi32, #tpu.memory_space<hbm>> -> memref<64x64xi32, #tpu.memory_space<hbm>>
      %dma_wait3A_190 = arith.constant 0 : i32
      %dma_wait3A_191 = arith.constant 0 : i32
      %dma_wait3A_192 = tpu.memref_slice %arg2[%dma_wait3A_190, %dma_wait3A_191] : memref<80000x64xi32, #tpu.memory_space<hbm>> -> memref<64x64xi32, #tpu.memory_space<hbm>>
      tpu.wait_dma2 semaphore(%arg17 : memref<!tpu.dma_semaphore, #tpu.memory_space<semaphore_mem>>) src(%dma_wait3A_192 : memref<64x64xi32, #tpu.memory_space<hbm>>) dst(%arg12 : memref<64x64xi32, #tpu.memory_space<vmem>>)
      %dma_wait3A_193 = arith.constant 0 : i32
      %dma_wait3A_194 = arith.constant 0 : i32
      %dma_wait3A_195 = tpu.memref_slice %arg6[%dma_wait3A_193, %dma_wait3A_194] : memref<640x128xf32, #tpu.memory_space<hbm>> -> memref<64x128xf32, #tpu.memory_space<hbm>>
      %dma_wait3A_196 = arith.constant 0 : i32
      %dma_wait3A_197 = arith.constant 0 : i32
      %dma_wait3A_198 = tpu.memref_slice %arg6[%dma_wait3A_196, %dma_wait3A_197] : memref<640x128xf32, #tpu.memory_space<hbm>> -> memref<64x128xf32, #tpu.memory_space<hbm>>
      tpu.wait_dma2 semaphore(%arg19 : memref<!tpu.dma_semaphore, #tpu.memory_space<semaphore_mem>>) src(%dma_wait3A_198 : memref<64x128xf32, #tpu.memory_space<hbm>>) dst(%arg14 : memref<64x128xf32, #tpu.memory_space<vmem>>)
      %scan3A_199 = arith.constant 0 : i32
      %scan3A_200 = arith.constant 0 : i32
      %scan3A_201 = arith.constant 64 : i32
      %scan3A_202 = arith.addi %scan3A_200, %scan3A_201 : i32
      %scan3A_203 = arith.constant 1 : i32
      scf.for %scan3A_221 = %scan3A_200 to %scan3A_202 step %scan3A_203  : i32 {
        %get3A = arith.index_cast %scan3A_221 : i32 to index
        %get3A_222 = arith.constant 0 : index
        %get3A_223 = tpu.vector_load %arg12[%get3A, %get3A_222] {strides = array<i32>} : memref<64x64xi32, #tpu.memory_space<vmem>>, vector<16xi32>,
        %bitcast3A = vector.bitcast %get3A_223 : vector<16xi32> to vector<32xbf16>
        %unpack3A = tpu.unpack_subelements %bitcast3A, 0 {pack_format = #tpu.pack_format<interleaved>} : vector<32xbf16> -> vector<16xf32>
        %unpack3A_224 = tpu.unpack_subelements %bitcast3A, 1 {pack_format = #tpu.pack_format<interleaved>} : vector<32xbf16> -> vector<16xf32>
        %swap3A = arith.index_cast %scan3A_221 : i32 to index
        %swap3A_225 = arith.constant 0 : index
        %swap3A_226 = tpu.vector_load %arg14[%swap3A, %swap3A_225] {strides = array<i32>} : memref<64x128xf32, #tpu.memory_space<vmem>>, vector<16xf32>,
        tpu.vector_store %arg14[%swap3A, %swap3A_225], %unpack3A {strides = array<i32>} : memref<64x128xf32, #tpu.memory_space<vmem>>, vector<16xf32>,
        %swap3A_227 = arith.index_cast %scan3A_221 : i32 to index
        %swap3A_228 = arith.constant 16 : index
        %swap3A_229 = tpu.vector_load %arg14[%swap3A_227, %swap3A_228] {strides = array<i32>} : memref<64x128xf32, #tpu.memory_space<vmem>>, vector<16xf32>,
        tpu.vector_store %arg14[%swap3A_227, %swap3A_228], %unpack3A_224 {strides = array<i32>} : memref<64x128xf32, #tpu.memory_space<vmem>>, vector<16xf32>,
        %get3A_230 = arith.index_cast %scan3A_221 : i32 to index
        %get3A_231 = arith.constant 16 : index
        %get3A_232 = tpu.vector_load %arg12[%get3A_230, %get3A_231] {strides = array<i32>} : memref<64x64xi32, #tpu.memory_space<vmem>>, vector<16xi32>,
        %bitcast3A_233 = vector.bitcast %get3A_232 : vector<16xi32> to vector<32xbf16>
        %unpack3A_234 = tpu.unpack_subelements %bitcast3A_233, 0 {pack_format = #tpu.pack_format<interleaved>} : vector<32xbf16> -> vector<16xf32>
        %unpack3A_235 = tpu.unpack_subelements %bitcast3A_233, 1 {pack_format = #tpu.pack_format<interleaved>} : vector<32xbf16> -> vector<16xf32>
        %swap3A_236 = arith.index_cast %scan3A_221 : i32 to index
        %swap3A_237 = arith.constant 32 : index
        %swap3A_238 = tpu.vector_load %arg14[%swap3A_236, %swap3A_237] {strides = array<i32>} : memref<64x128xf32, #tpu.memory_space<vmem>>, vector<16xf32>,
        tpu.vector_store %arg14[%swap3A_236, %swap3A_237], %unpack3A_234 {strides = array<i32>} : memref<64x128xf32, #tpu.memory_space<vmem>>, vector<16xf32>,
        %swap3A_239 = arith.index_cast %scan3A_221 : i32 to index
        %swap3A_240 = arith.constant 48 : index
        %swap3A_241 = tpu.vector_load %arg14[%swap3A_239, %swap3A_240] {strides = array<i32>} : memref<64x128xf32, #tpu.memory_space<vmem>>, vector<16xf32>,
        tpu.vector_store %arg14[%swap3A_239, %swap3A_240], %unpack3A_235 {strides = array<i32>} : memref<64x128xf32, #tpu.memory_space<vmem>>, vector<16xf32>,
        %get3A_242 = arith.index_cast %scan3A_221 : i32 to index
        %get3A_243 = arith.constant 32 : index
        %get3A_244 = tpu.vector_load %arg12[%get3A_242, %get3A_243] {strides = array<i32>} : memref<64x64xi32, #tpu.memory_space<vmem>>, vector<16xi32>,
        %bitcast3A_245 = vector.bitcast %get3A_244 : vector<16xi32> to vector<32xbf16>
        %unpack3A_246 = tpu.unpack_subelements %bitcast3A_245, 0 {pack_format = #tpu.pack_format<interleaved>} : vector<32xbf16> -> vector<16xf32>
        %unpack3A_247 = tpu.unpack_subelements %bitcast3A_245, 1 {pack_format = #tpu.pack_format<interleaved>} : vector<32xbf16> -> vector<16xf32>
        %swap3A_248 = arith.index_cast %scan3A_221 : i32 to index
        %swap3A_249 = arith.constant 64 : index
        %swap3A_250 = tpu.vector_load %arg14[%swap3A_248, %swap3A_249] {strides = array<i32>} : memref<64x128xf32, #tpu.memory_space<vmem>>, vector<16xf32>,
        tpu.vector_store %arg14[%swap3A_248, %swap3A_249], %unpack3A_246 {strides = array<i32>} : memref<64x128xf32, #tpu.memory_space<vmem>>, vector<16xf32>,
        %swap3A_251 = arith.index_cast %scan3A_221 : i32 to index
        %swap3A_252 = arith.constant 80 : index
        %swap3A_253 = tpu.vector_load %arg14[%swap3A_251, %swap3A_252] {strides = array<i32>} : memref<64x128xf32, #tpu.memory_space<vmem>>, vector<16xf32>,
        tpu.vector_store %arg14[%swap3A_251, %swap3A_252], %unpack3A_247 {strides = array<i32>} : memref<64x128xf32, #tpu.memory_space<vmem>>, vector<16xf32>,
        %get3A_254 = arith.index_cast %scan3A_221 : i32 to index
        %get3A_255 = arith.constant 48 : index
        %get3A_256 = tpu.vector_load %arg12[%get3A_254, %get3A_255] {strides = array<i32>} : memref<64x64xi32, #tpu.memory_space<vmem>>, vector<16xi32>,
        %bitcast3A_257 = vector.bitcast %get3A_256 : vector<16xi32> to vector<32xbf16>
        %unpack3A_258 = tpu.unpack_subelements %bitcast3A_257, 0 {pack_format = #tpu.pack_format<interleaved>} : vector<32xbf16> -> vector<16xf32>
        %unpack3A_259 = tpu.unpack_subelements %bitcast3A_257, 1 {pack_format = #tpu.pack_format<interleaved>} : vector<32xbf16> -> vector<16xf32>
        %swap3A_260 = arith.index_cast %scan3A_221 : i32 to index
        %swap3A_261 = arith.constant 96 : index
        %swap3A_262 = tpu.vector_load %arg14[%swap3A_260, %swap3A_261] {strides = array<i32>} : memref<64x128xf32, #tpu.memory_space<vmem>>, vector<16xf32>,
        tpu.vector_store %arg14[%swap3A_260, %swap3A_261], %unpack3A_258 {strides = array<i32>} : memref<64x128xf32, #tpu.memory_space<vmem>>, vector<16xf32>,
        %swap3A_263 = arith.index_cast %scan3A_221 : i32 to index
        %swap3A_264 = arith.constant 112 : index
        %swap3A_265 = tpu.vector_load %arg14[%swap3A_263, %swap3A_264] {strides = array<i32>} : memref<64x128xf32, #tpu.memory_space<vmem>>, vector<16xf32>,
        tpu.vector_store %arg14[%swap3A_263, %swap3A_264], %unpack3A_259 {strides = array<i32>} : memref<64x128xf32, #tpu.memory_space<vmem>>, vector<16xf32>,
      }
      %scan3A_204 = arith.constant 64 : i32
      %add3A_205 = arith.constant 1 : i32
      %add3A_206 = arith.addi %add3A_154, %add3A_205 : i32
      %dma_start3A_207 = arith.constant 0 : i32
      %dma_start3A_208 = tpu.memref_slice %arg10[%add3A_206, %dma_start3A_207] : memref<160x64xi32, #tpu.memory_space<vmem>> -> memref<1x64xi32, #tpu.memory_space<vmem>>
      %dma_start3A_209 = tpu.memref_squeeze %dma_start3A_208 : memref<1x64xi32, #tpu.memory_space<vmem>> -> memref<64xi32, #tpu.memory_space<vmem>>
      %dma_start3A_210 = arith.constant 0 : i32
      %dma_start3A_211 = arith.constant 0 : i32
      %dma_start3A_212 = tpu.memref_slice %arg15[%dma_start3A_210, %dma_start3A_211] : memref<10240x128xf32, #tpu.memory_space<vmem_shared>> -> memref<10240x128xf32, #tpu.memory_space<vmem_shared>>
      tpu.enqueue_indirect_dma source(%arg14 : memref<64x128xf32, #tpu.memory_space<vmem>>) target(%dma_start3A_212 : memref<10240x128xf32, #tpu.memory_space<vmem_shared>>) offsets(%dma_start3A_209 : memref<64xi32, #tpu.memory_space<vmem>>) semaphore(%arg19 : memref<!tpu.dma_semaphore, #tpu.memory_space<semaphore_mem>>) {add = true}
      %add3A_213 = arith.constant 3 : i32
      %add3A_214 = arith.addi %add3A_154, %add3A_213 : i32
      %dma_start3A_215 = arith.constant 0 : i32
      %dma_start3A_216 = tpu.memref_slice %arg9[%add3A_214, %dma_start3A_215] : memref<160x64xi32, #tpu.memory_space<vmem>> -> memref<1x64xi32, #tpu.memory_space<vmem>>
      %dma_start3A_217 = tpu.memref_squeeze %dma_start3A_216 : memref<1x64xi32, #tpu.memory_space<vmem>> -> memref<64xi32, #tpu.memory_space<vmem>>
      %dma_start3A_218 = arith.constant 0 : i32
      %dma_start3A_219 = arith.constant 0 : i32
      %dma_start3A_220 = tpu.memref_slice %arg2[%dma_start3A_218, %dma_start3A_219] : memref<80000x64xi32, #tpu.memory_space<hbm>> -> memref<80000x64xi32, #tpu.memory_space<hbm>>
      tpu.enqueue_indirect_dma source(%dma_start3A_220 : memref<80000x64xi32, #tpu.memory_space<hbm>>) target(%arg12 : memref<64x64xi32, #tpu.memory_space<vmem>>) offsets(%dma_start3A_217 : memref<64xi32, #tpu.memory_space<vmem>>) semaphore(%arg17 : memref<!tpu.dma_semaphore, #tpu.memory_space<semaphore_mem>>)
    }
    %scan3A_79 = arith.constant 78 : i32
    %dma_wait3A_80 = arith.constant 0 : i32
    %dma_wait3A_81 = arith.constant 0 : i32
    %dma_wait3A_82 = tpu.memref_slice %arg2[%dma_wait3A_80, %dma_wait3A_81] : memref<80000x64xi32, #tpu.memory_space<hbm>> -> memref<64x64xi32, #tpu.memory_space<hbm>>
    %dma_wait3A_83 = arith.constant 0 : i32
    %dma_wait3A_84 = arith.constant 0 : i32
    %dma_wait3A_85 = tpu.memref_slice %arg2[%dma_wait3A_83, %dma_wait3A_84] : memref<80000x64xi32, #tpu.memory_space<hbm>> -> memref<64x64xi32, #tpu.memory_space<hbm>>
    tpu.wait_dma2 semaphore(%arg16 : memref<!tpu.dma_semaphore, #tpu.memory_space<semaphore_mem>>) src(%dma_wait3A_85 : memref<64x64xi32, #tpu.memory_space<hbm>>) dst(%arg11 : memref<64x64xi32, #tpu.memory_space<vmem>>)
    %dma_wait3A_86 = arith.constant 0 : i32
    %dma_wait3A_87 = arith.constant 0 : i32
    %dma_wait3A_88 = tpu.memref_slice %arg6[%dma_wait3A_86, %dma_wait3A_87] : memref<640x128xf32, #tpu.memory_space<hbm>> -> memref<64x128xf32, #tpu.memory_space<hbm>>
    %dma_wait3A_89 = arith.constant 0 : i32
    %dma_wait3A_90 = arith.constant 0 : i32
    %dma_wait3A_91 = tpu.memref_slice %arg6[%dma_wait3A_89, %dma_wait3A_90] : memref<640x128xf32, #tpu.memory_space<hbm>> -> memref<64x128xf32, #tpu.memory_space<hbm>>
    tpu.wait_dma2 semaphore(%arg18 : memref<!tpu.dma_semaphore, #tpu.memory_space<semaphore_mem>>) src(%dma_wait3A_91 : memref<64x128xf32, #tpu.memory_space<hbm>>) dst(%arg13 : memref<64x128xf32, #tpu.memory_space<vmem>>)
    %scan3A_92 = arith.constant 0 : i32
    %scan3A_93 = arith.constant 0 : i32
    %scan3A_94 = arith.constant 64 : i32
    %scan3A_95 = arith.addi %scan3A_93, %scan3A_94 : i32
    %scan3A_96 = arith.constant 1 : i32
    scf.for %scan3A_150 = %scan3A_93 to %scan3A_95 step %scan3A_96  : i32 {
      %get3A = arith.index_cast %scan3A_150 : i32 to index
      %get3A_151 = arith.constant 0 : index
      %get3A_152 = tpu.vector_load %arg11[%get3A, %get3A_151] {strides = array<i32>} : memref<64x64xi32, #tpu.memory_space<vmem>>, vector<16xi32>,
      %bitcast3A = vector.bitcast %get3A_152 : vector<16xi32> to vector<32xbf16>
      %unpack3A = tpu.unpack_subelements %bitcast3A, 0 {pack_format = #tpu.pack_format<interleaved>} : vector<32xbf16> -> vector<16xf32>
      %unpack3A_153 = tpu.unpack_subelements %bitcast3A, 1 {pack_format = #tpu.pack_format<interleaved>} : vector<32xbf16> -> vector<16xf32>
      %swap3A = arith.index_cast %scan3A_150 : i32 to index
      %swap3A_154 = arith.constant 0 : index
      %swap3A_155 = tpu.vector_load %arg13[%swap3A, %swap3A_154] {strides = array<i32>} : memref<64x128xf32, #tpu.memory_space<vmem>>, vector<16xf32>,
      tpu.vector_store %arg13[%swap3A, %swap3A_154], %unpack3A {strides = array<i32>} : memref<64x128xf32, #tpu.memory_space<vmem>>, vector<16xf32>,
      %swap3A_156 = arith.index_cast %scan3A_150 : i32 to index
      %swap3A_157 = arith.constant 16 : index
      %swap3A_158 = tpu.vector_load %arg13[%swap3A_156, %swap3A_157] {strides = array<i32>} : memref<64x128xf32, #tpu.memory_space<vmem>>, vector<16xf32>,
      tpu.vector_store %arg13[%swap3A_156, %swap3A_157], %unpack3A_153 {strides = array<i32>} : memref<64x128xf32, #tpu.memory_space<vmem>>, vector<16xf32>,
      %get3A_159 = arith.index_cast %scan3A_150 : i32 to index
      %get3A_160 = arith.constant 16 : index
      %get3A_161 = tpu.vector_load %arg11[%get3A_159, %get3A_160] {strides = array<i32>} : memref<64x64xi32, #tpu.memory_space<vmem>>, vector<16xi32>,
      %bitcast3A_162 = vector.bitcast %get3A_161 : vector<16xi32> to vector<32xbf16>
      %unpack3A_163 = tpu.unpack_subelements %bitcast3A_162, 0 {pack_format = #tpu.pack_format<interleaved>} : vector<32xbf16> -> vector<16xf32>
      %unpack3A_164 = tpu.unpack_subelements %bitcast3A_162, 1 {pack_format = #tpu.pack_format<interleaved>} : vector<32xbf16> -> vector<16xf32>
      %swap3A_165 = arith.index_cast %scan3A_150 : i32 to index
      %swap3A_166 = arith.constant 32 : index
      %swap3A_167 = tpu.vector_load %arg13[%swap3A_165, %swap3A_166] {strides = array<i32>} : memref<64x128xf32, #tpu.memory_space<vmem>>, vector<16xf32>,
      tpu.vector_store %arg13[%swap3A_165, %swap3A_166], %unpack3A_163 {strides = array<i32>} : memref<64x128xf32, #tpu.memory_space<vmem>>, vector<16xf32>,
      %swap3A_168 = arith.index_cast %scan3A_150 : i32 to index
      %swap3A_169 = arith.constant 48 : index
      %swap3A_170 = tpu.vector_load %arg13[%swap3A_168, %swap3A_169] {strides = array<i32>} : memref<64x128xf32, #tpu.memory_space<vmem>>, vector<16xf32>,
      tpu.vector_store %arg13[%swap3A_168, %swap3A_169], %unpack3A_164 {strides = array<i32>} : memref<64x128xf32, #tpu.memory_space<vmem>>, vector<16xf32>,
      %get3A_171 = arith.index_cast %scan3A_150 : i32 to index
      %get3A_172 = arith.constant 32 : index
      %get3A_173 = tpu.vector_load %arg11[%get3A_171, %get3A_172] {strides = array<i32>} : memref<64x64xi32, #tpu.memory_space<vmem>>, vector<16xi32>,
      %bitcast3A_174 = vector.bitcast %get3A_173 : vector<16xi32> to vector<32xbf16>
      %unpack3A_175 = tpu.unpack_subelements %bitcast3A_174, 0 {pack_format = #tpu.pack_format<interleaved>} : vector<32xbf16> -> vector<16xf32>
      %unpack3A_176 = tpu.unpack_subelements %bitcast3A_174, 1 {pack_format = #tpu.pack_format<interleaved>} : vector<32xbf16> -> vector<16xf32>
      %swap3A_177 = arith.index_cast %scan3A_150 : i32 to index
      %swap3A_178 = arith.constant 64 : index
      %swap3A_179 = tpu.vector_load %arg13[%swap3A_177, %swap3A_178] {strides = array<i32>} : memref<64x128xf32, #tpu.memory_space<vmem>>, vector<16xf32>,
      tpu.vector_store %arg13[%swap3A_177, %swap3A_178], %unpack3A_175 {strides = array<i32>} : memref<64x128xf32, #tpu.memory_space<vmem>>, vector<16xf32>,
      %swap3A_180 = arith.index_cast %scan3A_150 : i32 to index
      %swap3A_181 = arith.constant 80 : index
      %swap3A_182 = tpu.vector_load %arg13[%swap3A_180, %swap3A_181] {strides = array<i32>} : memref<64x128xf32, #tpu.memory_space<vmem>>, vector<16xf32>,
      tpu.vector_store %arg13[%swap3A_180, %swap3A_181], %unpack3A_176 {strides = array<i32>} : memref<64x128xf32, #tpu.memory_space<vmem>>, vector<16xf32>,
      %get3A_183 = arith.index_cast %scan3A_150 : i32 to index
      %get3A_184 = arith.constant 48 : index
      %get3A_185 = tpu.vector_load %arg11[%get3A_183, %get3A_184] {strides = array<i32>} : memref<64x64xi32, #tpu.memory_space<vmem>>, vector<16xi32>,
      %bitcast3A_186 = vector.bitcast %get3A_185 : vector<16xi32> to vector<32xbf16>
      %unpack3A_187 = tpu.unpack_subelements %bitcast3A_186, 0 {pack_format = #tpu.pack_format<interleaved>} : vector<32xbf16> -> vector<16xf32>
      %unpack3A_188 = tpu.unpack_subelements %bitcast3A_186, 1 {pack_format = #tpu.pack_format<interleaved>} : vector<32xbf16> -> vector<16xf32>
      %swap3A_189 = arith.index_cast %scan3A_150 : i32 to index
      %swap3A_190 = arith.constant 96 : index
      %swap3A_191 = tpu.vector_load %arg13[%swap3A_189, %swap3A_190] {strides = array<i32>} : memref<64x128xf32, #tpu.memory_space<vmem>>, vector<16xf32>,
      tpu.vector_store %arg13[%swap3A_189, %swap3A_190], %unpack3A_187 {strides = array<i32>} : memref<64x128xf32, #tpu.memory_space<vmem>>, vector<16xf32>,
      %swap3A_192 = arith.index_cast %scan3A_150 : i32 to index
      %swap3A_193 = arith.constant 112 : index
      %swap3A_194 = tpu.vector_load %arg13[%swap3A_192, %swap3A_193] {strides = array<i32>} : memref<64x128xf32, #tpu.memory_space<vmem>>, vector<16xf32>,
      tpu.vector_store %arg13[%swap3A_192, %swap3A_193], %unpack3A_188 {strides = array<i32>} : memref<64x128xf32, #tpu.memory_space<vmem>>, vector<16xf32>,
    }
    %scan3A_97 = arith.constant 64 : i32
    %dma_start3A_98 = arith.constant 158 : i32
    %dma_start3A_99 = arith.constant 0 : i32
    %dma_start3A_100 = tpu.memref_slice %arg10[%dma_start3A_98, %dma_start3A_99] : memref<160x64xi32, #tpu.memory_space<vmem>> -> memref<1x64xi32, #tpu.memory_space<vmem>>
    %dma_start3A_101 = tpu.memref_squeeze %dma_start3A_100 : memref<1x64xi32, #tpu.memory_space<vmem>> -> memref<64xi32, #tpu.memory_space<vmem>>
    %dma_start3A_102 = arith.constant 0 : i32
    %dma_start3A_103 = arith.constant 0 : i32
    %dma_start3A_104 = tpu.memref_slice %arg15[%dma_start3A_102, %dma_start3A_103] : memref<10240x128xf32, #tpu.memory_space<vmem_shared>> -> memref<10240x128xf32, #tpu.memory_space<vmem_shared>>
    tpu.enqueue_indirect_dma source(%arg13 : memref<64x128xf32, #tpu.memory_space<vmem>>) target(%dma_start3A_104 : memref<10240x128xf32, #tpu.memory_space<vmem_shared>>) offsets(%dma_start3A_101 : memref<64xi32, #tpu.memory_space<vmem>>) semaphore(%arg18 : memref<!tpu.dma_semaphore, #tpu.memory_space<semaphore_mem>>) {add = true}
    %dma_wait3A_105 = arith.constant 0 : i32
    %dma_wait3A_106 = arith.constant 0 : i32
    %dma_wait3A_107 = tpu.memref_slice %arg2[%dma_wait3A_105, %dma_wait3A_106] : memref<80000x64xi32, #tpu.memory_space<hbm>> -> memref<64x64xi32, #tpu.memory_space<hbm>>
    %dma_wait3A_108 = arith.constant 0 : i32
    %dma_wait3A_109 = arith.constant 0 : i32
    %dma_wait3A_110 = tpu.memref_slice %arg2[%dma_wait3A_108, %dma_wait3A_109] : memref<80000x64xi32, #tpu.memory_space<hbm>> -> memref<64x64xi32, #tpu.memory_space<hbm>>
    tpu.wait_dma2 semaphore(%arg17 : memref<!tpu.dma_semaphore, #tpu.memory_space<semaphore_mem>>) src(%dma_wait3A_110 : memref<64x64xi32, #tpu.memory_space<hbm>>) dst(%arg12 : memref<64x64xi32, #tpu.memory_space<vmem>>)
    %dma_wait3A_111 = arith.constant 0 : i32
    %dma_wait3A_112 = arith.constant 0 : i32
    %dma_wait3A_113 = tpu.memref_slice %arg6[%dma_wait3A_111, %dma_wait3A_112] : memref<640x128xf32, #tpu.memory_space<hbm>> -> memref<64x128xf32, #tpu.memory_space<hbm>>
    %dma_wait3A_114 = arith.constant 0 : i32
    %dma_wait3A_115 = arith.constant 0 : i32
    %dma_wait3A_116 = tpu.memref_slice %arg6[%dma_wait3A_114, %dma_wait3A_115] : memref<640x128xf32, #tpu.memory_space<hbm>> -> memref<64x128xf32, #tpu.memory_space<hbm>>
    tpu.wait_dma2 semaphore(%arg19 : memref<!tpu.dma_semaphore, #tpu.memory_space<semaphore_mem>>) src(%dma_wait3A_116 : memref<64x128xf32, #tpu.memory_space<hbm>>) dst(%arg14 : memref<64x128xf32, #tpu.memory_space<vmem>>)
    %scan3A_117 = arith.constant 0 : i32
    %scan3A_118 = arith.constant 0 : i32
    %scan3A_119 = arith.constant 64 : i32
    %scan3A_120 = arith.addi %scan3A_118, %scan3A_119 : i32
    %scan3A_121 = arith.constant 1 : i32
    scf.for %scan3A_150 = %scan3A_118 to %scan3A_120 step %scan3A_121  : i32 {
      %get3A = arith.index_cast %scan3A_150 : i32 to index
      %get3A_151 = arith.constant 0 : index
      %get3A_152 = tpu.vector_load %arg12[%get3A, %get3A_151] {strides = array<i32>} : memref<64x64xi32, #tpu.memory_space<vmem>>, vector<16xi32>,
      %bitcast3A = vector.bitcast %get3A_152 : vector<16xi32> to vector<32xbf16>
      %unpack3A = tpu.unpack_subelements %bitcast3A, 0 {pack_format = #tpu.pack_format<interleaved>} : vector<32xbf16> -> vector<16xf32>
      %unpack3A_153 = tpu.unpack_subelements %bitcast3A, 1 {pack_format = #tpu.pack_format<interleaved>} : vector<32xbf16> -> vector<16xf32>
      %swap3A = arith.index_cast %scan3A_150 : i32 to index
      %swap3A_154 = arith.constant 0 : index
      %swap3A_155 = tpu.vector_load %arg14[%swap3A, %swap3A_154] {strides = array<i32>} : memref<64x128xf32, #tpu.memory_space<vmem>>, vector<16xf32>,
      tpu.vector_store %arg14[%swap3A, %swap3A_154], %unpack3A {strides = array<i32>} : memref<64x128xf32, #tpu.memory_space<vmem>>, vector<16xf32>,
      %swap3A_156 = arith.index_cast %scan3A_150 : i32 to index
      %swap3A_157 = arith.constant 16 : index
      %swap3A_158 = tpu.vector_load %arg14[%swap3A_156, %swap3A_157] {strides = array<i32>} : memref<64x128xf32, #tpu.memory_space<vmem>>, vector<16xf32>,
      tpu.vector_store %arg14[%swap3A_156, %swap3A_157], %unpack3A_153 {strides = array<i32>} : memref<64x128xf32, #tpu.memory_space<vmem>>, vector<16xf32>,
      %get3A_159 = arith.index_cast %scan3A_150 : i32 to index
      %get3A_160 = arith.constant 16 : index
      %get3A_161 = tpu.vector_load %arg12[%get3A_159, %get3A_160] {strides = array<i32>} : memref<64x64xi32, #tpu.memory_space<vmem>>, vector<16xi32>,
      %bitcast3A_162 = vector.bitcast %get3A_161 : vector<16xi32> to vector<32xbf16>
      %unpack3A_163 = tpu.unpack_subelements %bitcast3A_162, 0 {pack_format = #tpu.pack_format<interleaved>} : vector<32xbf16> -> vector<16xf32>
      %unpack3A_164 = tpu.unpack_subelements %bitcast3A_162, 1 {pack_format = #tpu.pack_format<interleaved>} : vector<32xbf16> -> vector<16xf32>
      %swap3A_165 = arith.index_cast %scan3A_150 : i32 to index
      %swap3A_166 = arith.constant 32 : index
      %swap3A_167 = tpu.vector_load %arg14[%swap3A_165, %swap3A_166] {strides = array<i32>} : memref<64x128xf32, #tpu.memory_space<vmem>>, vector<16xf32>,
      tpu.vector_store %arg14[%swap3A_165, %swap3A_166], %unpack3A_163 {strides = array<i32>} : memref<64x128xf32, #tpu.memory_space<vmem>>, vector<16xf32>,
      %swap3A_168 = arith.index_cast %scan3A_150 : i32 to index
      %swap3A_169 = arith.constant 48 : index
      %swap3A_170 = tpu.vector_load %arg14[%swap3A_168, %swap3A_169] {strides = array<i32>} : memref<64x128xf32, #tpu.memory_space<vmem>>, vector<16xf32>,
      tpu.vector_store %arg14[%swap3A_168, %swap3A_169], %unpack3A_164 {strides = array<i32>} : memref<64x128xf32, #tpu.memory_space<vmem>>, vector<16xf32>,
      %get3A_171 = arith.index_cast %scan3A_150 : i32 to index
      %get3A_172 = arith.constant 32 : index
      %get3A_173 = tpu.vector_load %arg12[%get3A_171, %get3A_172] {strides = array<i32>} : memref<64x64xi32, #tpu.memory_space<vmem>>, vector<16xi32>,
      %bitcast3A_174 = vector.bitcast %get3A_173 : vector<16xi32> to vector<32xbf16>
      %unpack3A_175 = tpu.unpack_subelements %bitcast3A_174, 0 {pack_format = #tpu.pack_format<interleaved>} : vector<32xbf16> -> vector<16xf32>
      %unpack3A_176 = tpu.unpack_subelements %bitcast3A_174, 1 {pack_format = #tpu.pack_format<interleaved>} : vector<32xbf16> -> vector<16xf32>
      %swap3A_177 = arith.index_cast %scan3A_150 : i32 to index
      %swap3A_178 = arith.constant 64 : index
      %swap3A_179 = tpu.vector_load %arg14[%swap3A_177, %swap3A_178] {strides = array<i32>} : memref<64x128xf32, #tpu.memory_space<vmem>>, vector<16xf32>,
      tpu.vector_store %arg14[%swap3A_177, %swap3A_178], %unpack3A_175 {strides = array<i32>} : memref<64x128xf32, #tpu.memory_space<vmem>>, vector<16xf32>,
      %swap3A_180 = arith.index_cast %scan3A_150 : i32 to index
      %swap3A_181 = arith.constant 80 : index
      %swap3A_182 = tpu.vector_load %arg14[%swap3A_180, %swap3A_181] {strides = array<i32>} : memref<64x128xf32, #tpu.memory_space<vmem>>, vector<16xf32>,
      tpu.vector_store %arg14[%swap3A_180, %swap3A_181], %unpack3A_176 {strides = array<i32>} : memref<64x128xf32, #tpu.memory_space<vmem>>, vector<16xf32>,
      %get3A_183 = arith.index_cast %scan3A_150 : i32 to index
      %get3A_184 = arith.constant 48 : index
      %get3A_185 = tpu.vector_load %arg12[%get3A_183, %get3A_184] {strides = array<i32>} : memref<64x64xi32, #tpu.memory_space<vmem>>, vector<16xi32>,
      %bitcast3A_186 = vector.bitcast %get3A_185 : vector<16xi32> to vector<32xbf16>
      %unpack3A_187 = tpu.unpack_subelements %bitcast3A_186, 0 {pack_format = #tpu.pack_format<interleaved>} : vector<32xbf16> -> vector<16xf32>
      %unpack3A_188 = tpu.unpack_subelements %bitcast3A_186, 1 {pack_format = #tpu.pack_format<interleaved>} : vector<32xbf16> -> vector<16xf32>
      %swap3A_189 = arith.index_cast %scan3A_150 : i32 to index
      %swap3A_190 = arith.constant 96 : index
      %swap3A_191 = tpu.vector_load %arg14[%swap3A_189, %swap3A_190] {strides = array<i32>} : memref<64x128xf32, #tpu.memory_space<vmem>>, vector<16xf32>,
      tpu.vector_store %arg14[%swap3A_189, %swap3A_190], %unpack3A_187 {strides = array<i32>} : memref<64x128xf32, #tpu.memory_space<vmem>>, vector<16xf32>,
      %swap3A_192 = arith.index_cast %scan3A_150 : i32 to index
      %swap3A_193 = arith.constant 112 : index
      %swap3A_194 = tpu.vector_load %arg14[%swap3A_192, %swap3A_193] {strides = array<i32>} : memref<64x128xf32, #tpu.memory_space<vmem>>, vector<16xf32>,
      tpu.vector_store %arg14[%swap3A_192, %swap3A_193], %unpack3A_188 {strides = array<i32>} : memref<64x128xf32, #tpu.memory_space<vmem>>, vector<16xf32>,
    }
    %scan3A_122 = arith.constant 64 : i32
    %dma_start3A_123 = arith.constant 159 : i32
    %dma_start3A_124 = arith.constant 0 : i32
    %dma_start3A_125 = tpu.memref_slice %arg10[%dma_start3A_123, %dma_start3A_124] : memref<160x64xi32, #tpu.memory_space<vmem>> -> memref<1x64xi32, #tpu.memory_space<vmem>>
    %dma_start3A_126 = tpu.memref_squeeze %dma_start3A_125 : memref<1x64xi32, #tpu.memory_space<vmem>> -> memref<64xi32, #tpu.memory_space<vmem>>
    %dma_start3A_127 = arith.constant 0 : i32
    %dma_start3A_128 = arith.constant 0 : i32
    %dma_start3A_129 = tpu.memref_slice %arg15[%dma_start3A_127, %dma_start3A_128] : memref<10240x128xf32, #tpu.memory_space<vmem_shared>> -> memref<10240x128xf32, #tpu.memory_space<vmem_shared>>
    tpu.enqueue_indirect_dma source(%arg14 : memref<64x128xf32, #tpu.memory_space<vmem>>) target(%dma_start3A_129 : memref<10240x128xf32, #tpu.memory_space<vmem_shared>>) offsets(%dma_start3A_126 : memref<64xi32, #tpu.memory_space<vmem>>) semaphore(%arg19 : memref<!tpu.dma_semaphore, #tpu.memory_space<semaphore_mem>>) {add = true}
    %dma_wait3A_130 = arith.constant 0 : i32
    %dma_wait3A_131 = arith.constant 0 : i32
    %dma_wait3A_132 = tpu.memref_slice %arg6[%dma_wait3A_130, %dma_wait3A_131] : memref<640x128xf32, #tpu.memory_space<hbm>> -> memref<64x128xf32, #tpu.memory_space<hbm>>
    %dma_wait3A_133 = arith.constant 0 : i32
    %dma_wait3A_134 = arith.constant 0 : i32
    %dma_wait3A_135 = tpu.memref_slice %arg6[%dma_wait3A_133, %dma_wait3A_134] : memref<640x128xf32, #tpu.memory_space<hbm>> -> memref<64x128xf32, #tpu.memory_space<hbm>>
    tpu.wait_dma2 semaphore(%arg18 : memref<!tpu.dma_semaphore, #tpu.memory_space<semaphore_mem>>) src(%dma_wait3A_135 : memref<64x128xf32, #tpu.memory_space<hbm>>) dst(%arg13 : memref<64x128xf32, #tpu.memory_space<vmem>>)
    %dma_wait3A_136 = arith.constant 0 : i32
    %dma_wait3A_137 = arith.constant 0 : i32
    %dma_wait3A_138 = tpu.memref_slice %arg6[%dma_wait3A_136, %dma_wait3A_137] : memref<640x128xf32, #tpu.memory_space<hbm>> -> memref<64x128xf32, #tpu.memory_space<hbm>>
    %dma_wait3A_139 = arith.constant 0 : i32
    %dma_wait3A_140 = arith.constant 0 : i32
    %dma_wait3A_141 = tpu.memref_slice %arg6[%dma_wait3A_139, %dma_wait3A_140] : memref<640x128xf32, #tpu.memory_space<hbm>> -> memref<64x128xf32, #tpu.memory_space<hbm>>
    tpu.wait_dma2 semaphore(%arg19 : memref<!tpu.dma_semaphore, #tpu.memory_space<semaphore_mem>>) src(%dma_wait3A_141 : memref<64x128xf32, #tpu.memory_space<hbm>>) dst(%arg14 : memref<64x128xf32, #tpu.memory_space<vmem>>)
    %barrier3A_142 = arith.constant 0 : index
    tpu.barrier barrier_id(%barrier3A_142)
    %eq3A = arith.constant 0 : i32
    %eq3A_143 = arith.cmpi eq, %arg0, %eq3A : i32
    %convert_element_type3A = arith.extui %eq3A_143 : i1 to i32
    %cond3A = arith.constant 0 : i32
    %cond3A_144 = arith.cmpi ne, %convert_element_type3A, %cond3A : i32
    scf.if %cond3A_144 {
      %mul3A_150 = arith.constant 640 : i32
      %mul3A_151 = arith.muli %arg1, %mul3A_150 : i32
      %mul3A_152 = arith.constant 640 : i32
      %mul3A_153 = arith.muli %arg1, %mul3A_152 : i32
      "tpu.region"() ({
        %run_scoped3A_154 = tpu.sem_alloc : memref<!tpu.dma_semaphore, #tpu.memory_space<semaphore_mem>>
        %dma_start3A_155 = arith.constant 0 : i32
        %dma_start3A_156 = tpu.memref_slice %arg7[%mul3A_153, %dma_start3A_155] : memref<10240x128xf32, #tpu.memory_space<hbm>> -> memref<640x128xf32, #tpu.memory_space<hbm>>
        %dma_start3A_157 = arith.constant 0 : i32
        %dma_start3A_158 = tpu.memref_slice %arg15[%mul3A_151, %dma_start3A_157] : memref<10240x128xf32, #tpu.memory_space<vmem_shared>> -> memref<640x128xf32, #tpu.memory_space<vmem_shared>>
        tpu.enqueue_dma source(%dma_start3A_158 : memref<640x128xf32, #tpu.memory_space<vmem_shared>>) target(%dma_start3A_156 : memref<640x128xf32, #tpu.memory_space<hbm>>) target_semaphore(%run_scoped3A_154 : memref<!tpu.dma_semaphore, #tpu.memory_space<semaphore_mem>>)
        %dma_wait3A_159 = arith.constant 0 : i32
        %dma_wait3A_160 = tpu.memref_slice %arg7[%mul3A_153, %dma_wait3A_159] : memref<10240x128xf32, #tpu.memory_space<hbm>> -> memref<640x128xf32, #tpu.memory_space<hbm>>
        %dma_wait3A_161 = arith.constant 0 : i32
        %dma_wait3A_162 = tpu.memref_slice %arg15[%mul3A_151, %dma_wait3A_161] : memref<10240x128xf32, #tpu.memory_space<vmem_shared>> -> memref<640x128xf32, #tpu.memory_space<vmem_shared>>
        tpu.wait_dma2 semaphore(%run_scoped3A_154 : memref<!tpu.dma_semaphore, #tpu.memory_space<semaphore_mem>>) src(%dma_wait3A_162 : memref<640x128xf32, #tpu.memory_space<vmem_shared>>) dst(%dma_wait3A_160 : memref<640x128xf32, #tpu.memory_space<hbm>>)
        tpu.yield
      }) : () -> ()
    } else {
    }
    %eq3A_145 = arith.constant 1 : i32
    %eq3A_146 = arith.cmpi eq, %arg0, %eq3A_145 : i32
    %convert_element_type3A_147 = arith.extui %eq3A_146 : i1 to i32
    %cond3A_148 = arith.constant 0 : i32
    %cond3A_149 = arith.cmpi ne, %convert_element_type3A_147, %cond3A_148 : i32
    scf.if %cond3A_149 {
      %mul3A_150 = arith.constant 640 : i32
      %mul3A_151 = arith.muli %arg1, %mul3A_150 : i32
      %mul3A_152 = arith.constant 640 : i32
      %mul3A_153 = arith.muli %arg1, %mul3A_152 : i32
      "tpu.region"() ({
        %run_scoped3A_154 = tpu.sem_alloc : memref<!tpu.dma_semaphore, #tpu.memory_space<semaphore_mem>>
        %dma_start3A_155 = arith.constant 0 : i32
        %dma_start3A_156 = tpu.memref_slice %arg8[%mul3A_153, %dma_start3A_155] : memref<10240x128xf32, #tpu.memory_space<hbm>> -> memref<640x128xf32, #tpu.memory_space<hbm>>
        %dma_start3A_157 = arith.constant 0 : i32
        %dma_start3A_158 = tpu.memref_slice %arg15[%mul3A_151, %dma_start3A_157] : memref<10240x128xf32, #tpu.memory_space<vmem_shared>> -> memref<640x128xf32, #tpu.memory_space<vmem_shared>>
        tpu.enqueue_dma source(%dma_start3A_158 : memref<640x128xf32, #tpu.memory_space<vmem_shared>>) target(%dma_start3A_156 : memref<640x128xf32, #tpu.memory_space<hbm>>) target_semaphore(%run_scoped3A_154 : memref<!tpu.dma_semaphore, #tpu.memory_space<semaphore_mem>>)
        %dma_wait3A_159 = arith.constant 0 : i32
        %dma_wait3A_160 = tpu.memref_slice %arg8[%mul3A_153, %dma_wait3A_159] : memref<10240x128xf32, #tpu.memory_space<hbm>> -> memref<640x128xf32, #tpu.memory_space<hbm>>
        %dma_wait3A_161 = arith.constant 0 : i32
        %dma_wait3A_162 = tpu.memref_slice %arg15[%mul3A_151, %dma_wait3A_161] : memref<10240x128xf32, #tpu.memory_space<vmem_shared>> -> memref<640x128xf32, #tpu.memory_space<vmem_shared>>
        tpu.wait_dma2 semaphore(%run_scoped3A_154 : memref<!tpu.dma_semaphore, #tpu.memory_space<semaphore_mem>>) src(%dma_wait3A_162 : memref<640x128xf32, #tpu.memory_space<vmem_shared>>) dst(%dma_wait3A_160 : memref<640x128xf32, #tpu.memory_space<hbm>>)
        tpu.yield
      }) : () -> ()
    } else {
    }
    return
  }
}

module attributes {stable_mosaic.version = 14 : i64} {
  func.func @_rxw_body(%arg0: i32, %arg1: memref<10000x128xf32, #tpu.memory_space<vmem>>, %arg2: memref<1x128x128xf32, #tpu.memory_space<vmem>>, %arg3: memref<1x10000x64xi32, #tpu.memory_space<vmem>>) attributes {dimension_semantics = [#tpu.dimension_semantics<arbitrary>], iteration_bounds = array<i64: 8>, scalar_prefetch = 0 : i64, scratch_operands = 0 : i64, tpu.core_type = #tpu.core_type<tc>, window_params = [{pipeline_mode = #tpu.pipeline_mode<synchronous>, transform_indices = @transform_0, window_bounds = array<i64: 10000, 128>}, {transform_indices = @transform_1, window_bounds = array<i64: 1, 128, 128>}, {transform_indices = @transform_2, window_bounds = array<i64: 1, 10000, 64>}]} {
    %get3A = arith.constant 0 : index
    %get3A_0 = arith.constant 0 : index
    %get3A_1 = vector.load %arg1[%get3A, %get3A_0] : memref<10000x128xf32, #tpu.memory_space<vmem>>, vector<10000x128xf32>
    %get3A_2 = arith.constant 0 : index
    %get3A_3 = arith.constant 0 : index
    %get3A_4 = arith.constant 0 : index
    %get3A_5 = vector.load %arg2[%get3A_2, %get3A_3, %get3A_4] : memref<1x128x128xf32, #tpu.memory_space<vmem>>, vector<1x128x128xf32>
    %get3A_6 = vector.shape_cast %get3A_5 : vector<1x128x128xf32> to vector<128x128xf32>
    %dot_general3A = arith.constant dense<0.000000e+00> : vector<10000x128xf32>
    %dot_general3A_7 = tpu.matmul %get3A_1, %get3A_6, %dot_general3A {dimension_numbers = #tpu.dot_dimension_numbers<[1], [0], [0], [1], [0, 0, 1, 1], [], []>, transpose_lhs_hint = false} : vector<10000x128xf32>, vector<128x128xf32>, vector<10000x128xf32> -> vector<10000x128xf32>
    %convert_element_type3A = arith.truncf %dot_general3A_7 : vector<10000x128xf32> to vector<10000x128xbf16>
    %slice3A = vector.extract_strided_slice %convert_element_type3A {offsets = [0, 0], sizes = [10000, 64], strides = [1, 1]} : vector<10000x128xbf16> to vector<10000x64xbf16>
    %bitcast_convert_type3A = tpu.bitcast %slice3A : vector<10000x64xbf16> -> vector<10000x64xi16>
    %slice3A_8 = vector.extract_strided_slice %convert_element_type3A {offsets = [0, 64], sizes = [10000, 64], strides = [1, 1]} : vector<10000x128xbf16> to vector<10000x64xbf16>
    %bitcast_convert_type3A_9 = tpu.bitcast %slice3A_8 : vector<10000x64xbf16> -> vector<10000x64xi16>
    %convert_element_type3A_10 = arith.extui %bitcast_convert_type3A : vector<10000x64xi16> to vector<10000x64xi32>
    %convert_element_type3A_11 = arith.extui %bitcast_convert_type3A_9 : vector<10000x64xi16> to vector<10000x64xi32>
    %shift_left3A = arith.constant 16 : i32
    %shift_left3A_12 = vector.broadcast %shift_left3A : i32 to vector<10000x64xi32>
    %shift_left3A_13 = arith.shli %convert_element_type3A_11, %shift_left3A_12 : vector<10000x64xi32>
    %or3A = arith.ori %convert_element_type3A_10, %shift_left3A_13 : vector<10000x64xi32>
    %bitcast_convert_type3A_14 = tpu.bitcast %or3A : vector<10000x64xi32> -> vector<10000x64xi32>
    %swap3A = arith.constant 0 : index
    %swap3A_15 = arith.constant 0 : index
    %swap3A_16 = arith.constant 0 : index
    %swap3A_17 = vector.load %arg3[%swap3A, %swap3A_15, %swap3A_16] : memref<1x10000x64xi32, #tpu.memory_space<vmem>>, vector<1x10000x64xi32>
    %swap3A_18 = vector.shape_cast %swap3A_17 : vector<1x10000x64xi32> to vector<10000x64xi32>
    %swap3A_19 = vector.shape_cast %bitcast_convert_type3A_14 : vector<10000x64xi32> to vector<1x10000x64xi32>
    tpu.vector_store %arg3[%swap3A, %swap3A_15, %swap3A_16], %swap3A_19 {strides = array<i32>} : memref<1x10000x64xi32, #tpu.memory_space<vmem>>, vector<1x10000x64xi32>,
    return
  }
  func.func @transform_0(%arg0: i32) -> (i32, i32) {
    %c0_i32 = arith.constant 0 : i32
    %c0_i32_0 = arith.constant 0 : i32
    %c0_i32_1 = arith.constant 0 : i32
    return %c0_i32, %c0_i32_0 : i32, i32
  }
  func.func @transform_1(%arg0: i32) -> (i32, i32, i32) {
    %c0_i32 = arith.constant 0 : i32
    %c0_i32_0 = arith.constant 0 : i32
    %c0_i32_1 = arith.constant 0 : i32
    return %arg0, %c0_i32, %c0_i32_0 : i32, i32, i32
  }
  func.func @transform_2(%arg0: i32) -> (i32, i32, i32) {
    %c0_i32 = arith.constant 0 : i32
    %c0_i32_0 = arith.constant 0 : i32
    %c0_i32_1 = arith.constant 0 : i32
    return %arg0, %c0_i32, %c0_i32_0 : i32, i32, i32
  }
}

module attributes {stable_mosaic.version = 14 : i64} {
  func.func @_add_relu_body(%arg0: i32, %arg1: memref<10000x128xf32, #tpu.memory_space<vmem>>, %arg2: memref<10000x128xf32, #tpu.memory_space<vmem>>, %arg3: memref<10000x128xf32, #tpu.memory_space<vmem>>) attributes {dimension_semantics = [#tpu.dimension_semantics<arbitrary>], iteration_bounds = array<i64: 1>, scalar_prefetch = 0 : i64, scratch_operands = 0 : i64, tpu.core_type = #tpu.core_type<tc>, window_params = [{transform_indices = @transform_0, window_bounds = array<i64: 10000, 128>}, {transform_indices = @transform_1, window_bounds = array<i64: 10000, 128>}, {pipeline_mode = #tpu.pipeline_mode<synchronous>, transform_indices = @transform_2, window_bounds = array<i64: 10000, 128>}]} {
    %get3A = arith.constant 0 : index
    %get3A_0 = arith.constant 0 : index
    %get3A_1 = vector.load %arg1[%get3A, %get3A_0] : memref<10000x128xf32, #tpu.memory_space<vmem>>, vector<10000x128xf32>
    %get3A_2 = arith.constant 0 : index
    %get3A_3 = arith.constant 0 : index
    %get3A_4 = vector.load %arg2[%get3A_2, %get3A_3] : memref<10000x128xf32, #tpu.memory_space<vmem>>, vector<10000x128xf32>
    %add3A = arith.addf %get3A_1, %get3A_4 : vector<10000x128xf32>
    %max3A = arith.constant 0.000000e+00 : f32
    %max3A_5 = vector.broadcast %max3A : f32 to vector<10000x128xf32>
    %max3A_6 = arith.maximumf %add3A, %max3A_5 : vector<10000x128xf32>
    %swap3A = arith.constant 0 : index
    %swap3A_7 = arith.constant 0 : index
    %swap3A_8 = vector.load %arg3[%swap3A, %swap3A_7] : memref<10000x128xf32, #tpu.memory_space<vmem>>, vector<10000x128xf32>
    tpu.vector_store %arg3[%swap3A, %swap3A_7], %max3A_6 {strides = array<i32>} : memref<10000x128xf32, #tpu.memory_space<vmem>>, vector<10000x128xf32>,
    return
  }
  func.func @transform_0(%arg0: i32) -> (i32, i32) {
    %c0_i32 = arith.constant 0 : i32
    %c0_i32_0 = arith.constant 0 : i32
    %c0_i32_1 = arith.constant 0 : i32
    return %c0_i32, %c0_i32_0 : i32, i32
  }
  func.func @transform_1(%arg0: i32) -> (i32, i32) {
    %c0_i32 = arith.constant 0 : i32
    %c0_i32_0 = arith.constant 0 : i32
    %c0_i32_1 = arith.constant 0 : i32
    return %c0_i32, %c0_i32_0 : i32, i32
  }
  func.func @transform_2(%arg0: i32) -> (i32, i32) {
    %c0_i32 = arith.constant 0 : i32
    %c0_i32_0 = arith.constant 0 : i32
    %c0_i32_1 = arith.constant 0 : i32
    return %c0_i32, %c0_i32_0 : i32, i32
  }
}

module attributes {stable_mosaic.version = 14 : i64} {
  func.func @_final_body(%arg0: i32, %arg1: memref<10000x128xf32, #tpu.memory_space<vmem>>, %arg2: memref<10000x128xf32, #tpu.memory_space<vmem>>, %arg3: memref<128x128xf32, #tpu.memory_space<vmem>>, %arg4: memref<128x64xf32, #tpu.memory_space<vmem>>, %arg5: memref<1x64xf32, #tpu.memory_space<vmem>>, %arg6: memref<64x10xf32, #tpu.memory_space<vmem>>, %arg7: memref<1x10xf32, #tpu.memory_space<vmem>>, %arg8: memref<10000x128xf32, #tpu.memory_space<vmem>>, %arg9: memref<1x10xf32, #tpu.memory_space<vmem>>) attributes {dimension_semantics = [#tpu.dimension_semantics<arbitrary>], iteration_bounds = array<i64: 1>, scalar_prefetch = 0 : i64, scratch_operands = 0 : i64, tpu.core_type = #tpu.core_type<tc>, window_params = [{transform_indices = @transform_0, window_bounds = array<i64: 10000, 128>}, {transform_indices = @transform_1, window_bounds = array<i64: 10000, 128>}, {pipeline_mode = #tpu.pipeline_mode<synchronous>, transform_indices = @transform_2, window_bounds = array<i64: 128, 128>}, {pipeline_mode = #tpu.pipeline_mode<synchronous>, transform_indices = @transform_3, window_bounds = array<i64: 128, 64>}, {pipeline_mode = #tpu.pipeline_mode<synchronous>, transform_indices = @transform_4, window_bounds = array<i64: 1, 64>}, {pipeline_mode = #tpu.pipeline_mode<synchronous>, transform_indices = @transform_5, window_bounds = array<i64: 64, 10>}, {pipeline_mode = #tpu.pipeline_mode<synchronous>, transform_indices = @transform_6, window_bounds = array<i64: 1, 10>}, {pipeline_mode = #tpu.pipeline_mode<synchronous>, transform_indices = @transform_7, window_bounds = array<i64: 10000, 128>}, {pipeline_mode = #tpu.pipeline_mode<synchronous>, transform_indices = @transform_8, window_bounds = array<i64: 1, 10>}]} {
    %get3A = arith.constant 0 : index
    %get3A_0 = arith.constant 0 : index
    %get3A_1 = vector.load %arg1[%get3A, %get3A_0] : memref<10000x128xf32, #tpu.memory_space<vmem>>, vector<10000x128xf32>
    %get3A_2 = arith.constant 0 : index
    %get3A_3 = arith.constant 0 : index
    %get3A_4 = vector.load %arg2[%get3A_2, %get3A_3] : memref<10000x128xf32, #tpu.memory_space<vmem>>, vector<10000x128xf32>
    %add3A = arith.addf %get3A_1, %get3A_4 : vector<10000x128xf32>
    %get3A_5 = arith.constant 0 : index
    %get3A_6 = arith.constant 0 : index
    %get3A_7 = vector.load %arg3[%get3A_5, %get3A_6] : memref<128x128xf32, #tpu.memory_space<vmem>>, vector<128x128xf32>
    %dot_general3A = arith.constant dense<0.000000e+00> : vector<10000x128xf32>
    %dot_general3A_8 = tpu.matmul %add3A, %get3A_7, %dot_general3A {dimension_numbers = #tpu.dot_dimension_numbers<[1], [0], [0], [1], [0, 0, 1, 1], [], []>, transpose_lhs_hint = false} : vector<10000x128xf32>, vector<128x128xf32>, vector<10000x128xf32> -> vector<10000x128xf32>
    %swap3A = arith.constant 0 : index
    %swap3A_9 = arith.constant 0 : index
    %swap3A_10 = vector.load %arg8[%swap3A, %swap3A_9] : memref<10000x128xf32, #tpu.memory_space<vmem>>, vector<10000x128xf32>
    tpu.vector_store %arg8[%swap3A, %swap3A_9], %dot_general3A_8 {strides = array<i32>} : memref<10000x128xf32, #tpu.memory_space<vmem>>, vector<10000x128xf32>,
    %reduce_sum3A = arith.constant dense<0.000000e+00> : vector<128xf32>
    %reduce_sum3A_11 = vector.multi_reduction <add>, %dot_general3A_8, %reduce_sum3A [0] : vector<10000x128xf32> to vector<128xf32>
    %broadcast_in_dim3A = vector.shape_cast %reduce_sum3A_11 : vector<128xf32> to vector<1x128xf32>
    %div3A = arith.constant 1.000000e+04 : f32
    %div3A_12 = vector.broadcast %div3A : f32 to vector<1x128xf32>
    %div3A_13 = arith.divf %broadcast_in_dim3A, %div3A_12 : vector<1x128xf32>
    %get3A_14 = arith.constant 0 : index
    %get3A_15 = arith.constant 0 : index
    %get3A_16 = vector.load %arg4[%get3A_14, %get3A_15] : memref<128x64xf32, #tpu.memory_space<vmem>>, vector<128x64xf32>
    %dot_general3A_17 = arith.constant dense<0.000000e+00> : vector<1x64xf32>
    %dot_general3A_18 = tpu.matmul %div3A_13, %get3A_16, %dot_general3A_17 {dimension_numbers = #tpu.dot_dimension_numbers<[1], [0], [0], [1], [0, 0, 1, 1], [], []>, transpose_lhs_hint = false} : vector<1x128xf32>, vector<128x64xf32>, vector<1x64xf32> -> vector<1x64xf32>
    %get3A_19 = arith.constant 0 : index
    %get3A_20 = arith.constant 0 : index
    %get3A_21 = vector.load %arg5[%get3A_19, %get3A_20] : memref<1x64xf32, #tpu.memory_space<vmem>>, vector<1x64xf32>
    %add3A_22 = arith.addf %dot_general3A_18, %get3A_21 : vector<1x64xf32>
    %max3A = arith.constant 0.000000e+00 : f32
    %max3A_23 = vector.broadcast %max3A : f32 to vector<1x64xf32>
    %max3A_24 = arith.maximumf %add3A_22, %max3A_23 : vector<1x64xf32>
    %get3A_25 = arith.constant 0 : index
    %get3A_26 = arith.constant 0 : index
    %get3A_27 = vector.load %arg6[%get3A_25, %get3A_26] : memref<64x10xf32, #tpu.memory_space<vmem>>, vector<64x10xf32>
    %dot_general3A_28 = arith.constant dense<0.000000e+00> : vector<1x10xf32>
    %dot_general3A_29 = tpu.matmul %max3A_24, %get3A_27, %dot_general3A_28 {dimension_numbers = #tpu.dot_dimension_numbers<[1], [0], [0], [1], [0, 0, 1, 1], [], []>, transpose_lhs_hint = false} : vector<1x64xf32>, vector<64x10xf32>, vector<1x10xf32> -> vector<1x10xf32>
    %get3A_30 = arith.constant 0 : index
    %get3A_31 = arith.constant 0 : index
    %get3A_32 = vector.load %arg7[%get3A_30, %get3A_31] : memref<1x10xf32, #tpu.memory_space<vmem>>, vector<1x10xf32>
    %add3A_33 = arith.addf %dot_general3A_29, %get3A_32 : vector<1x10xf32>
    %logistic3A = arith.negf %add3A_33 : vector<1x10xf32>
    %logistic3A_34 = math.exp %logistic3A : vector<1x10xf32>
    %logistic3A_35 = arith.constant 1.000000e+00 : f32
    %logistic3A_36 = vector.broadcast %logistic3A_35 : f32 to vector<1x10xf32>
    %logistic3A_37 = arith.addf %logistic3A_36, %logistic3A_34 : vector<1x10xf32>
    %logistic3A_38 = arith.divf %logistic3A_36, %logistic3A_37 : vector<1x10xf32>
    %swap3A_39 = arith.constant 0 : index
    %swap3A_40 = arith.constant 0 : index
    %swap3A_41 = vector.load %arg9[%swap3A_39, %swap3A_40] : memref<1x10xf32, #tpu.memory_space<vmem>>, vector<1x10xf32>
    tpu.vector_store %arg9[%swap3A_39, %swap3A_40], %logistic3A_38 {strides = array<i32>} : memref<1x10xf32, #tpu.memory_space<vmem>>, vector<1x10xf32>,
    return
  }
  func.func @transform_0(%arg0: i32) -> (i32, i32) {
    %c0_i32 = arith.constant 0 : i32
    %c0_i32_0 = arith.constant 0 : i32
    %c0_i32_1 = arith.constant 0 : i32
    return %c0_i32, %c0_i32_0 : i32, i32
  }
  func.func @transform_1(%arg0: i32) -> (i32, i32) {
    %c0_i32 = arith.constant 0 : i32
    %c0_i32_0 = arith.constant 0 : i32
    %c0_i32_1 = arith.constant 0 : i32
    return %c0_i32, %c0_i32_0 : i32, i32
  }
  func.func @transform_2(%arg0: i32) -> (i32, i32) {
    %c0_i32 = arith.constant 0 : i32
    %c0_i32_0 = arith.constant 0 : i32
    %c0_i32_1 = arith.constant 0 : i32
    return %c0_i32, %c0_i32_0 : i32, i32
  }
  func.func @transform_3(%arg0: i32) -> (i32, i32) {
    %c0_i32 = arith.constant 0 : i32
    %c0_i32_0 = arith.constant 0 : i32
    %c0_i32_1 = arith.constant 0 : i32
    return %c0_i32, %c0_i32_0 : i32, i32
  }
  func.func @transform_4(%arg0: i32) -> (i32, i32) {
    %c0_i32 = arith.constant 0 : i32
    %c0_i32_0 = arith.constant 0 : i32
    %c0_i32_1 = arith.constant 0 : i32
    return %c0_i32, %c0_i32_0 : i32, i32
  }
  func.func @transform_5(%arg0: i32) -> (i32, i32) {
    %c0_i32 = arith.constant 0 : i32
    %c0_i32_0 = arith.constant 0 : i32
    %c0_i32_1 = arith.constant 0 : i32
    return %c0_i32, %c0_i32_0 : i32, i32
  }
  func.func @transform_6(%arg0: i32) -> (i32, i32) {
    %c0_i32 = arith.constant 0 : i32
    %c0_i32_0 = arith.constant 0 : i32
    %c0_i32_1 = arith.constant 0 : i32
    return %c0_i32, %c0_i32_0 : i32, i32
  }
  func.func @transform_7(%arg0: i32) -> (i32, i32) {
    %c0_i32 = arith.constant 0 : i32
    %c0_i32_0 = arith.constant 0 : i32
    %c0_i32_1 = arith.constant 0 : i32
    return %c0_i32, %c0_i32_0 : i32, i32
  }
  func.func @transform_8(%arg0: i32) -> (i32, i32) {
    %c0_i32 = arith.constant 0 : i32
    %c0_i32_0 = arith.constant 0 : i32
    %c0_i32_1 = arith.constant 0 : i32
    return %c0_i32, %c0_i32_0 : i32, i32
  }
}

</mosaic_0001>

<sc_bundles>
// kernel: kernel.11.cloned.1.call-start
scs
__scs_entry_jumppad:
0x0: {  	(pc) =	sbr.rel $0x88, $3  }
0x1: {  	(tag) =	ssettag $0x0;
	lr =	simm.s32 $0x1  }
0x2: {  	[smem:$0x3F98] =	sst lr;
	_ =	strace $0xD0000000  }
0x3: {  	_ = 	snop  }
0x4: {  	_ = 	snop  }
0x5: {  	_ = 	snop  }
0x6: {  	_ = 	snop  }
0x7: {  	_ = 	snop  }
__scs_overlays_trampoline_lowered:
0x8: {  	[smem:$0x3FA7] =	sst s0  }
0x9: {  	[smem:$0x3FA8] =	sst s1  }
0xa: {  	[smem:$0x3FA9] =	sst s2  }
0xb: {  	[smem:$0x3FAA] =	sst s3  }
0xc: {  	[smem:$0x3FAB] =	sst s4  }
0xd: {  	[smem:$0x3FAC] =	sst s5  }
0xe: {  	[smem:$0x3FAD] =	sst s6  }
0xf: {  	[smem:$0x3FAE] =	sst s7  }
0x10: {  	[smem:$0x3FAF] =	sst s8  }
0x11: {  	[smem:$0x3FB0] =	sst s9;
	s0 =	simm.s32 @!p0 $0x0  }
0x12: {  	s1 =	sld [smem:$0x3F96];
	s0 =	simm.s32 @p0 $0x1  }
0x13: {  	[smem:$0x3FB1] =	sst s0;
	s0 =	simm.s32 @!p1 $0x0  }
0x14: {  	s2 =	sld [smem:$0x3F95];
	s0 =	simm.s32 @p1 $0x1  }
0x15: {  	[smem:$0x3FB2] =	sst s0;
	s0 =	simm.s32 @!p2 $0x0  }
0x16: {  	s3 =	sld [smem:$0x3FDB];
	s0 =	simm.s32 @p2 $0x1  }
0x17: {  	s4 =	simm.s32 $0x1BF5;
	[smem:$0x3FB4] =	sst s0  }
0x18: {  	s0 =	sld [smem:$0x3F97];
	_ =	swait.ge [sflag:s4], $0x0  }
0x19: {  	s7 =	sld [smem:$0x3F98]  }
0x1a: {  	s8 =	sadd.s32 $0xFFFFE003, lr  }
0x1b: {  	s9 =	sadd.s32 $0xFFFFFEF7, lr;
	s5 =	simm.s32 $0xFFFFFFFF;
	p2 =	slt.u32 s8, $0xFFFFF086  }
0x1c: {  	p1 =	slt.u32 s9, $0xF7A;
	s5 =	simm.s32 @!p2 $0x0  }
0x1d: {  	s5 =	simm.s32 @p1 $0x1;
	p0 =	seq.s32 s7, s2  }
0x1e: {  	s7 =	smul.u32 @!p0 $0xF7A, s2;
	p2 =	seq.s32 @!p0 s5, $0x0  }
0x1f: {  	s9 =	smul.u32 $0xF7A, s1;
	s8 =	simm.s32 @!p0 $0x1BF5;
	p2 =	por !p2, p0  }
0x20: {  	[sflag:s8] =	ssyncset.s32 @!p0 $0xFFFFF086;
	s6 =	sadd.s32 @!p0 s3, s7;
	s7 =	simm.s32 @!p0 $0x108  }
0x21: {  	s3 =	sadd.s32 s3, s9;
	s6 =	sadd.s32 @!p0 $0x88, s6;
	s7 =	simm.s32 @p2 $0x1082  }
0x22: {  	[simem:s7], [sflag:s8] =	dma.local @!p0 [hbm:s6], $0xF7A  }
0x23: {  	s9 =	sor.u32 $0xD0000000, s2;
	s6 =	simm.s32 $0x108;
	_ =	swait.ge @!p0 [sflag:s8], $0x0  }
0x24: {  	s3 =	sadd.s32 $0x88, s3;
	s6 =	simm.s32 @!p1 $0x1082;
	[sflag:s4] =	ssyncset.s32 $0xFFFFF086  }
0x25: {  	[simem:s6], [sflag:s4] =	dma.local [hbm:s3], $0xF7A  }
0x26: {  	[smem:$0x3F98] =	sst s1;
	(tag) =	ssettag s2;
	_ =	strace s9  }
0x27: {  	s1 =	sld [smem:$0x3FA8]  }
0x28: {  	s2 =	sld [smem:$0x3FA9]  }
0x29: {  	s4 =	sld [smem:$0x3FAB]  }
0x2a: {  	p0 =	seq.s32 s5, $0x0;
	s5 =	sld [smem:$0x3FAC]  }
0x2b: {  	s6 =	sld [smem:$0x3FAD]  }
0x2c: {  	s7 =	sld [smem:$0x3FAE]  }
0x2d: {  	s3 =	simm.s32 $0x108;
	s8 =	sld [smem:$0x3FAF]  }
0x2e: {  	s3 =	simm.s32 @!p0 $0x1082;
	s9 =	sld [smem:$0x3FB0]  }
0x2f: {  	lr =	sadd.s32 s0, s3;
	s0 =	sld [smem:$0x3FA7]  }
0x30: {  	s3 =	sld [smem:$0x3FAA]  }
0x31: {  	[smem:$0x3FB3] =	sst s10  }
0x32: {  	s10 =	sld [smem:$0x3FB1];
	_ =	sdelay $0x3  }
0x33: {  	p0 =	seq.s32 s10, $0x1;
	s10 =	sld [smem:$0x3FB3];
	_ =	sdelay $0x3  }
0x34: {  	[smem:$0x3FB3] =	sst s10  }
0x35: {  	s10 =	sld [smem:$0x3FB2];
	_ =	sdelay $0x3  }
0x36: {  	p1 =	seq.s32 s10, $0x1;
	s10 =	sld [smem:$0x3FB3];
	_ =	sdelay $0x3  }
0x37: {  	[smem:$0x3FB3] =	sst s10  }
0x38: {  	s10 =	sld [smem:$0x3FB4]  }
0x39: {  	_ = 	snop;
	(pc) =	sbr.ind lr, $3  }
0x3a: {  	_ = 	snop  }
0x3b: {  	_ = 	snop  }
0x3c: {  	p2 =	seq.s32 s10, $0x1;
	s10 =	sld [smem:$0x3FB3]  }
0x3d: {  	_ =	shalt  }
0x3e: {  	_ =	shalt  }
0x3f: {  	_ =	shalt  }
0x40: {  	_ =	shalt  }
0x41: {  	_ =	shalt  }
0x42: {  	_ =	shalt  }
0x43: {  	_ =	shalt  }
0x44: {  	_ =	shalt  }
0x45: {  	_ =	shalt  }
0x46: {  	_ =	shalt  }
0x47: {  	_ =	shalt  }
0x48: {  	_ =	shalt  }
0x49: {  	_ =	shalt  }
0x4a: {  	_ =	shalt  }
0x4b: {  	_ =	shalt  }
0x4c: {  	_ =	shalt  }
0x4d: {  	_ =	shalt  }
0x4e: {  	_ =	shalt  }
0x4f: {  	_ =	shalt  }
0x50: {  	_ =	shalt  }
0x51: {  	_ =	shalt  }
0x52: {  	_ =	shalt  }
0x53: {  	_ =	shalt  }
0x54: {  	_ =	shalt  }
0x55: {  	_ =	shalt  }
0x56: {  	_ =	shalt  }
0x57: {  	_ =	shalt  }
0x58: {  	_ =	shalt  }
0x59: {  	_ =	shalt  }
0x5a: {  	_ =	shalt  }
0x5b: {  	_ =	shalt  }
0x5c: {  	_ =	shalt  }
0x5d: {  	_ =	shalt  }
0x5e: {  	_ =	shalt  }
0x5f: {  	_ =	shalt  }
0x60: {  	_ =	shalt  }
0x61: {  	_ =	shalt  }
0x62: {  	_ =	shalt  }
0x63: {  	_ =	shalt  }
0x64: {  	_ =	shalt  }
0x65: {  	_ =	shalt  }
0x66: {  	_ =	shalt  }
0x67: {  	_ =	shalt  }
0x68: {  	_ =	shalt  }
0x69: {  	_ =	shalt  }
0x6a: {  	_ =	shalt  }
0x6b: {  	_ =	shalt  }
0x6c: {  	_ =	shalt  }
0x6d: {  	_ =	shalt  }
0x6e: {  	_ =	shalt  }
0x6f: {  	_ =	shalt  }
0x70: {  	_ =	shalt  }
0x71: {  	_ =	shalt  }
0x72: {  	_ =	shalt  }
0x73: {  	_ =	shalt  }
0x74: {  	_ =	shalt  }
0x75: {  	_ =	shalt  }
0x76: {  	_ =	shalt  }
0x77: {  	_ =	shalt  }
0x78: {  	_ =	shalt  }
0x79: {  	_ =	shalt  }
0x7a: {  	_ =	shalt  }
0x7b: {  	_ =	shalt  }
0x7c: {  	_ =	shalt  }
0x7d: {  	_ =	shalt  }
0x7e: {  	_ =	shalt  }
0x7f: {  	_ =	shalt  }
0x80: {  	_ =	shalt  }
0x81: {  	_ =	shalt  }
0x82: {  	_ =	shalt  }
0x83: {  	_ =	shalt  }
0x84: {  	_ =	shalt  }
0x85: {  	_ =	shalt  }
0x86: {  	_ =	shalt  }
0x87: {  	_ =	shalt  }
.Lfunc_end0:
.L_simem_size_0:
called_computation.1_lowered:
.L_overlay_start_0:
0x88: {  	s2 =	sld [smem:$0x3FD9]  }
0x89: {  	s3 =	sld [smem:$0x3FFE];
	_ =	sdelay $0x1  }
0x8a: {  	s1 =	srdreg.scid  }
0x8b: {  	s0 =	sand.u32 $0x1, s1  }
0x8c: {  	s14 =	sshll.u32 s0, $0xA;
	s2 =	sadd.s32 s3, s2  }
0x8d: {  	s2 =	sadd.s32 s2, s14  }
0x8e: {  	[smem:$0x3FBF] =	sst s2  }
0x8f: {  	_ = 	snop  }
0x90: {  	s2 =	sld [smem:$0x3FD0];
	_ =	sdelay $0x2  }
0x91: {  	s15 =	simm.s32 $0xA;
	s4 =	simm.s32 $0x10  }
0x92: {  	[smem:s4], [sflag:s15] =	dma.local [hbm:s2], $0x1  }
0x93: {  	_ =	swait.eq [sflag:s15], $0x1  }
0x94: {  	[sflag:s15] =	ssyncset.done $0x0  }
0x95: {  	[sflag:s15] =	ssyncadd.s32 $0xFFFFFFFF  }
0x96: {  	s16 =	sld [smem:$0x10];
	(tm) =	ssettm $0x1  }
0x97: {  	s17 =	sld [smem:$0x3FFB];
	_ =	sdelay $0x3  }
0x98: {  	_ =	strace s17  }
0x99: {  	s3 =	sld [smem:$0x3FFC];
	_ =	sdelay $0x3  }
0x9a: {  	_ =	strace s3  }
0x9b: {  	s3 =	sld [smem:$0x3FFD];
	_ =	sdelay $0x3  }
0x9c: {  	_ =	strace s3  }
0x9d: {  	_ =	strace $0x8FFFFFFF  }
0x9e: {  	s18 =	sld [smem:$0x3FDB];
	_ =	sdelay $0x1  }
0x9f: {  	s19 =	simm.s32 $_scs_section_size  }
0xa0: {  	s5 =	simm.s32 $_size__tile_overlayer_lowered;
	s6 =	simm.s32 $_tile_overlayer_lowered  }
0xa1: {  	s22 =	simm.s32 $0x1BFF;
	s21 =	sshll.u32 s6, $0x1;
	s3 =	sadd.s32 s19, s18  }
0xa2: {  	s7 =	simm.s32 $0x0;
	s20 =	sshll.u32 s5, $0x1;
	s5 =	sadd.s32 s21, s3  }
0xa3: {  	[timem:s7], [sflag:s22] =	dma.local [hbm:s5], s20  }
0xa4: {  	_ =	swait.ge [sflag:s22], s20  }
0xa5: {  	s4 =	ssub.s32 $0x0, s20;
	[sflag:s22] =	ssyncset.done $0x0  }
0xa6: {  	[sflag:s22] =	ssyncadd.s32 s4;
	_ =	sdelay $0x1  }
0xa7: {  	s23 =	simm.s32 $0x1B8B  }
0xa8: {  	_ =	swait.ge [sflag:s23], $0x1  }
0xa9: {  	[sflag:s23] =	ssyncset.done $0x0  }
0xaa: {  	s25 =	simm.s32 $0x1B8E;
	s24 =	sld [smem:$0x3FFE];
	[sflag:s23] =	ssyncadd.s32 $0xFFFFFFFF  }
0xab: {  	s26 =	simm.s32 $execute0_lowered;
	[smem:$0x3FD2] =	sst s25  }
0xac: {  	s5 =	sshll.u32 s26, $0x1;
	_ =	strace $0x80000049;
	[dreg:$0x1] =	wrdreg $0xFFFFFFFF  }
0xad: {  	s28 =	simm.s32 $_size_execute0_lowered;
	s3 =	sadd.s32 s3, s5;
	[dreg:$0x0] =	wrdreg $0x0  }
0xae: {  	s5 =	sshll.u32 s28, $0x1;
	[dreg:$0x2] =	wrdreg s3  }
0xaf: {  	[dreg:$0x3] =	wrdreg s5  }
0xb0: {  	[dreg:$0x4] =	wrdreg $0xC0  }
0xb1: {  	_ =	task [dreg:s7], $0x5FFFF  }
0xb2: {  	[dreg:$0x1] =	wrdreg $0xFFFFFFFF  }
0xb3: {  	[dreg:$0x0] =	wrdreg $0x60  }
0xb4: {  	[dreg:$0x2] =	wrdreg s24  }
0xb5: {  	[dreg:$0x3] =	wrdreg s16  }
0xb6: {  	[dreg:$0x4] =	wrdreg $0xB0000  }
0xb7: {  	[dreg:$0x5] =	wrdreg $0x9  }
0xb8: {  	_ =	task.clear_ibuf [dreg:s7], $0x6FFFF;
	_ =	strace $0x90000049  }
0xb9: {  	s29 =	simm.s32 $0x9;
	_ =	strace $0x8000004B  }
0xba: {  	_ =	swait.ge [sflag:s29], $0x1  }
0xbb: {  	[sflag:s29] =	ssyncadd.s32 $0xFFFFFFFF  }
0xbc: {  	_ =	strace $0x9000004B  }
0xbd: {  	_ =	sfence  }
0xbe: {  	s30 =	sld [smem:$0x0];
	_ =	sdelay $0x2  }
0xbf: {  	s31 =	sshll.u32 s1, $0xD;
	s1 =	sshrl.u32 s1, $0x2  }
0xc0: {  	s3 =	sand.u32 $0x4000, s31;
	s1 =	sadd.s32 s1, s30  }
0xc1: {  	s0 =	sor.u32 s3, s0;
	s1 =	sshll.u32 s1, $0x11  }
0xc2: {  	s0 =	sor.u32 s1, s0  }
0xc3: {  	s0 =	sadd.s32 $0x8F2B, s0  }
0xc4: {  	[sflag:s0] =	ssyncadd.remote.s32 $0x1  }
0xc5: {  	_ =	sfence.sel $0xFFFF  }
0xc6: {  	[dreg:$0x0] =	wrdreg $0xFFFFFFFF;
	(pc) =	sbr.abs _section_cstart, $3  }
0xc7: {  	[dreg:$0x1] =	wrdreg $0xFFFFFFFF  }
0xc8: {  	_ =	task.clear_ibuf [dreg:s7], $0x2FFFF;
	_ =	strace $0x9FFFFFFF  }
0xc9: {  	(tm) =	ssettm $0x7FFFFFFF  }
tec
execute0_lowered:
.L_overlay_start_1:
0x0: {  	(tag) =	ssettag $0x1  }
0x1: {  	s0 =	rddreg [dreg:$0x0]  }
0x2: {  	s1 =	rddreg [dreg:$0x1];
	s3 =	srdreg.scid  }
0x3: {  	s13 =	stileid.u32;
	s2 =	rddreg [dreg:$0x2];
	s14 =	simm.s32 $0x2800  }
0x4: {  	s15 =	simm.s32 $0x40;
	s16 =	simm.s32 $0x5000;
	s17 =	simm.s32 $0x6000  }
0x5: {  	s18 =	simm.s32 $0x1;
	s19 =	simm.s32 $0x7000;
	s21 =	simm.s32 $0x2  }
0x6: {  	s23 =	simm.s32 $0x9000;
	s24 =	simm.s32 $0xC0;
	s25 =	simm.s32 $0x3  }
0x7: {  	s28 =	simm.s32 $0x4F80;
	s29 =	simm.s32 $0x4FC0;
	s30 =	simm.s32 $0x0  }
0x8: {  	s6 =	sand.u32 $0x1, s3;
	s4 =	sshll.u32 s13, $0x1;
	s3 =	simm.s32 $0x0  }
0x9: {  	s9 =	smul.u32 $0x14000, s13;
	s5 =	sadd.s32 $0x16A00, s0;
	s26 =	sshll.u32 s13, $0x6  }
0xa: {  	s13 =	simm.s32 $0x41200;
	s4 =	sor.u32 s6, s4;
	[smem:$0x7FF] =	sst s3  }
0xb: {  	s8 =	ssub.s32 $0x2, s6;
	p0 =	seq.s32 s6, $0x1;
	s6 =	sor.u32 $0x1C05, s26  }
0xc: {  	s26 =	simm.s32 $0x4;
	s7 =	smul.u32 $0x500, s4;
	_ =	strace $0x8000004A  }
0xd: {  	s4 =	sadd.s32 $0x151A00, s0;
	s11 =	sshrl.u32 s8, $0x1;
	s12 =	sadd.s32 s9, s2  }
0xe: {  	s13 =	simm.s32 @!p0 $0x19200;
	s31 =	sshrl.u32 s9, $0x3;
	s11 =	ssub.s32 s8, s11  }
0xf: {  	s12 =	sshrl.u32 s12, $0x3;
	s10 =	sadd.s32 s7, s0;
	s7 =	sadd.s32 s1, s7  }
0x10: {  	s0 =	sadd.s32 s13, s0;
	s13 =	simm.s32 $0x5;
	s8 =	sadd.s32 $0xCA00, s10  }
0x11: {  	s9 =	sadd.s32 $0x2A00, s10;
	s10 =	smax.u32 s11, $0x1;
	s11 =	sadd.s32 s0, s31  }
.LBB2_1:
0x12: {  	[spmem:s12], [sflag:s6] =	dma.local [hbm:s5], $0x2800  }
0x13: {  	_ =	swait.ge [sflag:s13], $0x2800  }
0x14: {  	[sflag:s13] =	ssyncset.done $0x0  }
0x15: {  	[sflag:s13] =	ssyncadd.s32 $0xFFFFD800  }
0x16: {  	[bflag:$0x0] =	sbarrier.arrive $0xFFFF  }
0x17: {  	[tilespmem:s3], [sflag:$0x5] =	stream.linear.gather [hbm4b:s7+s3], $0x2800, $0x38;
	[tilespmem:$0x1F000] =	vst v63  }
0x18: {  	_ =	swait.ge [sflag:s13], $0x2800  }
0x19: {  	[sflag:s13] =	ssyncset.done $0x0  }
0x1a: {  	[sflag:s13] =	ssyncadd.s32 $0xFFFFD800  }
0x1b: {  	[tilespmem:s14], [sflag:$0x5] =	stream.linear.gather [hbm4b:s8+s3], $0x2800, $0x38;
	[tilespmem:$0x1F000] =	vst v63  }
0x1c: {  	_ =	swait.ge [sflag:s13], $0x2800  }
0x1d: {  	[sflag:s13] =	ssyncset.done $0x0  }
0x1e: {  	s1 =	simm.s32 $0x0;
	[sflag:s13] =	ssyncadd.s32 $0xFFFFD800  }
0x1f: {  	v0 =	vld [tilespmem:s1+$0x2800]  }
0x20: {  	v1 =	vld [tilespmem:s1+$0x2810]  }
0x21: {  	v3 =	vld [tilespmem:s1+$0x2820]  }
0x22: {  	v4 =	vld [tilespmem:s1+$0x2830]  }
0x23: {  	v5 =	vld [tilespmem:s1+$0x0]  }
0x24: {  	v6 =	vld [tilespmem:s1+$0x10]  }
0x25: {  	v7 =	vld [tilespmem:s1+$0x20]  }
0x26: {  	s0 =	simm.s32 $0x40;
	v8 =	vld [tilespmem:s1+$0x30];
	v9 =	vmul.u32 $0x2710, v0  }
0x27: {  	v2 =	vld [tilespmem:s0+$0x2800]  }
0x28: {  	v0 =	vld [tilespmem:s0+$0x2810];
	v10 =	vmul.u32 $0x2710, v1;
	v5 =	vadd.s32 v5, v9  }
0x29: {  	v1 =	vld [tilespmem:s0+$0x2820];
	[tilespmem:s1+$0x0] =	vst v5;
	v5 =	vmul.u32 $0x2710, v3  }
0x2a: {  	v63 =	vmul.u32 $0x2710, v4;
	v6 =	vadd.s32 v6, v10  }
0x2b: {  	v3 =	vld [tilespmem:s0+$0x2830];
	[tilespmem:s1+$0x10] =	vst v6;
	v5 =	vadd.s32 v7, v5  }
0x2c: {  	s20 =	simm.s32 $0x200;
	v4 =	vld [tilespmem:s0+$0x0];
	[tilespmem:s1+$0x20] =	vst v5;
	v5 =	vadd.s32 v8, v63  }
.LBB2_2:
0x2d: {  	p0 =	sne.s32 s20, $0x9F00;
	v6 =	vld [tilespmem:s0+$0x10];
	[tilespmem:s1+$0x30] =	vst v5;
	s1 =	smov.u32 s0  }
0x2e: {  	v5 =	vld [tilespmem:s1+$0x20]  }
0x2f: {  	s0 =	sshra.s32 s20, $0x2;
	v7 =	vmul.u32 $0x2710, v2;
	v8 =	vld [tilespmem:s1+$0x30]  }
.Ltmp0:
0x30: {  	v9 =	vmul.u32 $0x2710, v0;
	v2 =	vld [tilespmem:s0+$0x2800];
	(pc) =	sbr.rel @p0 .LBB2_2-.Ltmp0, $4  }
0x31: {  	v0 =	vld [tilespmem:s0+$0x2810];
	v4 =	vadd.s32 v4, v7;
	v7 =	vmul.u32 $0x2710, v1  }
0x32: {  	v1 =	vld [tilespmem:s0+$0x2820];
	[tilespmem:s1+$0x0] =	vst v4;
	v4 =	vadd.s32 v6, v9;
	v6 =	vmul.u32 $0x2710, v3  }
0x33: {  	v3 =	vld [tilespmem:s0+$0x2830];
	[tilespmem:s1+$0x10] =	vst v4;
	v5 =	vadd.s32 v5, v7  }
0x34: {  	s20 =	sadd.s32 $0x100, s20;
	v4 =	vld [tilespmem:s0+$0x0];
	[tilespmem:s1+$0x20] =	vst v5;
	v5 =	vadd.s32 v8, v6  }
0x35: {  	v6 =	vld [tilespmem:s0+$0x10];
	[tilespmem:s1+$0x30] =	vst v5  }
0x36: {  	v5 =	vld [tilespmem:s0+$0x20]  }
0x37: {  	v2 =	vmul.u32 $0x2710, v2;
	v7 =	vld [tilespmem:s0+$0x30]  }
0x38: {  	v0 =	vmul.u32 $0x2710, v0  }
0x39: {  	v1 =	vmul.u32 $0x2710, v1;
	v2 =	vadd.s32 v4, v2  }
0x3a: {  	[tilespmem:s0+$0x0] =	vst v2;
	v0 =	vadd.s32 v6, v0;
	v2 =	vmul.u32 $0x2710, v3  }
0x3b: {  	[tilespmem:s0+$0x10] =	vst v0;
	v0 =	vadd.s32 v5, v1  }
0x3c: {  	[tilespmem:s0+$0x20] =	vst v0;
	v0 =	vadd.s32 v7, v2  }
0x3d: {  	s22 =	simm.s32 $0x0;
	[tilespmem:s0+$0x30] =	vst v0  }
0x3e: {  	[tilespmem:s14], [sflag:$0x5] =	stream.linear.gather [hbm4b:s9+s22], $0x2800, $0x38;
	[tilespmem:$0x1F000] =	vst v63  }
0x3f: {  	_ =	swait.ge [sflag:s13], $0x2800  }
0x40: {  	[sflag:s13] =	ssyncset.done $0x0  }
0x41: {  	[sflag:s13] =	ssyncadd.s32 $0xFFFFD800  }
0x42: {  	[tilespmem:s16], [sflag:$0x1] =	stream.indirect.gather [hbm4b:s4+s15], $0x40, s22, s15, $0xb8;
	[tilespmem:$0x1F000] =	vst v63  }
0x43: {  	_ = 	snop  }
0x44: {  	[tilespmem:s17], [sflag:$0x2] =	stream.indirect.gather [hbm4b:s4+s15], $0x40, s15, s15, $0xb8;
	[tilespmem:$0x1F000] =	vst v63  }
0x45: {  	_ =	swait.ge [sflag:s18], $0x1000  }
0x46: {  	[sflag:s18] =	ssyncset.done $0x0  }
0x47: {  	s31 =	simm.s32 $0x0;
	[sflag:s18] =	ssyncadd.s32 $0xFFFFF000  }
0x48: {  	v0 =	vld [tilespmem:s31+$0x5000];
	_ =	sdelay $0x4  }
0x49: {  	s1 =	simm.s32 $0x7040;
	v1 =	vunpack.i.l.bf16.f32 v0  }
0x4a: {  	v0 =	vunpack.i.u.bf16.f32 v0;
	[tilespmem:s1+$0xFFFFFFC0] =	vst v1  }
0x4b: {  	[tilespmem:s1+$0xFFFFFFD0] =	vst v0  }
0x4c: {  	v0 =	vld [tilespmem:s31+$0x5010];
	_ =	sdelay $0x4  }
0x4d: {  	v1 =	vunpack.i.l.bf16.f32 v0  }
0x4e: {  	v0 =	vunpack.i.u.bf16.f32 v0;
	[tilespmem:s1+$0xFFFFFFE0] =	vst v1  }
0x4f: {  	[tilespmem:s1+$0xFFFFFFF0] =	vst v0  }
0x50: {  	v0 =	vld [tilespmem:s31+$0x5020];
	_ =	sdelay $0x4  }
0x51: {  	v1 =	vunpack.i.u.bf16.f32 v0  }
0x52: {  	v0 =	vunpack.i.l.bf16.f32 v0;
	[tilespmem:s1+$0x10] =	vst v1  }
0x53: {  	[tilespmem:s1+$0x0] =	vst v0  }
0x54: {  	v0 =	vld [tilespmem:s31+$0x5030];
	_ =	sdelay $0x4  }
0x55: {  	v1 =	vunpack.i.l.bf16.f32 v0  }
0x56: {  	v0 =	vunpack.i.u.bf16.f32 v0;
	[tilespmem:s1+$0x20] =	vst v1  }
0x57: {  	s0 =	simm.s32 $0x40;
	[tilespmem:s1+$0x30] =	vst v0  }
0x58: {  	v0 =	vld [tilespmem:s0+$0x5000]  }
0x59: {  	s20 =	simm.s32 $0x200  }
.LBB2_4:
0x5a: {  	p0 =	sne.s32 s20, $0x3F00;
	_ =	sdelay $0x2  }
0x5b: {  	s1 =	sadd.s32 $0x80, s1;
	v1 =	vunpack.i.l.bf16.f32 v0  }
0x5c: {  	v0 =	vunpack.i.u.bf16.f32 v0;
	[tilespmem:s1+$0xFFFFFFC0] =	vst v1  }
0x5d: {  	[tilespmem:s1+$0xFFFFFFD0] =	vst v0  }
0x5e: {  	v0 =	vld [tilespmem:s0+$0x5010];
	_ =	sdelay $0x4  }
0x5f: {  	v1 =	vunpack.i.l.bf16.f32 v0  }
0x60: {  	v0 =	vunpack.i.u.bf16.f32 v0;
	[tilespmem:s1+$0xFFFFFFE0] =	vst v1  }
0x61: {  	[tilespmem:s1+$0xFFFFFFF0] =	vst v0  }
0x62: {  	v0 =	vld [tilespmem:s0+$0x5020];
	_ =	sdelay $0x4  }
0x63: {  	v1 =	vunpack.i.u.bf16.f32 v0;
	v0 =	vunpack.i.l.bf16.f32 v0  }
0x64: {  	[tilespmem:s1+$0x10] =	vst v1  }
0x65: {  	[tilespmem:s1+$0x0] =	vst v0  }
0x66: {  	v0 =	vld [tilespmem:s0+$0x5030];
	_ =	sdelay $0x4  }
.Ltmp1:
0x67: {  	v1 =	vunpack.i.u.bf16.f32 v0;
	v0 =	vunpack.i.l.bf16.f32 v0;
	(pc) =	sbr.rel @p0 .LBB2_4-.Ltmp1, $4  }
0x68: {  	[tilespmem:s1+$0x20] =	vst v0  }
0x69: {  	s0 =	sshra.s32 s20, $0x2;
	[tilespmem:s1+$0x30] =	vst v1  }
0x6a: {  	v0 =	vld [tilespmem:s0+$0x5000]  }
0x6b: {  	s20 =	sadd.s32 $0x100, s20  }
0x6c: {  	_ =	sdelay $0x2  }
0x6d: {  	s1 =	sadd.s32 $0x80, s1;
	v1 =	vunpack.i.l.bf16.f32 v0  }
0x6e: {  	v0 =	vunpack.i.u.bf16.f32 v0;
	[tilespmem:s1+$0xFFFFFFC0] =	vst v1  }
0x6f: {  	[tilespmem:s1+$0xFFFFFFD0] =	vst v0  }
0x70: {  	v0 =	vld [tilespmem:s0+$0x5010];
	_ =	sdelay $0x4  }
0x71: {  	v1 =	vunpack.i.l.bf16.f32 v0  }
0x72: {  	v0 =	vunpack.i.u.bf16.f32 v0;
	[tilespmem:s1+$0xFFFFFFE0] =	vst v1  }
0x73: {  	[tilespmem:s1+$0xFFFFFFF0] =	vst v0  }
0x74: {  	v0 =	vld [tilespmem:s0+$0x5020];
	_ =	sdelay $0x4  }
0x75: {  	v1 =	vunpack.i.u.bf16.f32 v0  }
0x76: {  	v0 =	vunpack.i.l.bf16.f32 v0;
	[tilespmem:s1+$0x10] =	vst v1  }
0x77: {  	[tilespmem:s1+$0x0] =	vst v0  }
0x78: {  	v0 =	vld [tilespmem:s0+$0x5030];
	_ =	sdelay $0x4  }
0x79: {  	v1 =	vunpack.i.l.bf16.f32 v0  }
0x7a: {  	v0 =	vunpack.i.u.bf16.f32 v0;
	[tilespmem:s1+$0x20] =	vst v1  }
0x7b: {  	[tilespmem:s1+$0x30] =	vst v0  }
0x7c: {  	[spmem:s2] =	stream.indirect.scatter.add.f32 [tilespmem:s19], [sflag:$0x3], $0x80, s14, s15, $0xb8;
	[tilespmem:$0x1F000] =	vst v63  }
0x7d: {  	s22 =	simm.s32 $0x80  }
0x7e: {  	[tilespmem:s16], [sflag:$0x1] =	stream.indirect.gather [hbm4b:s4+s15], $0x40, s22, s15, $0xb8;
	[tilespmem:$0x1F000] =	vst v63  }
0x7f: {  	_ =	swait.ge [sflag:s21], $0x1000  }
0x80: {  	[sflag:s21] =	ssyncset.done $0x0  }
0x81: {  	s31 =	simm.s32 $0x0;
	[sflag:s21] =	ssyncadd.s32 $0xFFFFF000  }
0x82: {  	v0 =	vld [tilespmem:s31+$0x6000];
	_ =	sdelay $0x4  }
0x83: {  	s1 =	simm.s32 $0x9040;
	v1 =	vunpack.i.l.bf16.f32 v0  }
0x84: {  	v0 =	vunpack.i.u.bf16.f32 v0;
	[tilespmem:s1+$0xFFFFFFC0] =	vst v1  }
0x85: {  	[tilespmem:s1+$0xFFFFFFD0] =	vst v0  }
0x86: {  	v0 =	vld [tilespmem:s31+$0x6010];
	_ =	sdelay $0x4  }
0x87: {  	v1 =	vunpack.i.l.bf16.f32 v0  }
0x88: {  	v0 =	vunpack.i.u.bf16.f32 v0;
	[tilespmem:s1+$0xFFFFFFE0] =	vst v1  }
0x89: {  	[tilespmem:s1+$0xFFFFFFF0] =	vst v0  }
0x8a: {  	v0 =	vld [tilespmem:s31+$0x6020];
	_ =	sdelay $0x4  }
0x8b: {  	v1 =	vunpack.i.u.bf16.f32 v0  }
0x8c: {  	v0 =	vunpack.i.l.bf16.f32 v0;
	[tilespmem:s1+$0x10] =	vst v1  }
0x8d: {  	[tilespmem:s1+$0x0] =	vst v0  }
0x8e: {  	v0 =	vld [tilespmem:s31+$0x6030];
	_ =	sdelay $0x4  }
0x8f: {  	v1 =	vunpack.i.l.bf16.f32 v0  }
0x90: {  	v0 =	vunpack.i.u.bf16.f32 v0;
	[tilespmem:s1+$0x20] =	vst v1  }
0x91: {  	s0 =	simm.s32 $0x40;
	[tilespmem:s1+$0x30] =	vst v0  }
0x92: {  	v0 =	vld [tilespmem:s0+$0x6000]  }
0x93: {  	s20 =	simm.s32 $0x200  }
.LBB2_6:
0x94: {  	p0 =	sne.s32 s20, $0x3F00;
	_ =	sdelay $0x2  }
0x95: {  	s1 =	sadd.s32 $0x80, s1;
	v1 =	vunpack.i.l.bf16.f32 v0  }
0x96: {  	v0 =	vunpack.i.u.bf16.f32 v0;
	[tilespmem:s1+$0xFFFFFFC0] =	vst v1  }
0x97: {  	[tilespmem:s1+$0xFFFFFFD0] =	vst v0  }
0x98: {  	v0 =	vld [tilespmem:s0+$0x6010];
	_ =	sdelay $0x4  }
0x99: {  	v1 =	vunpack.i.l.bf16.f32 v0  }
0x9a: {  	v0 =	vunpack.i.u.bf16.f32 v0;
	[tilespmem:s1+$0xFFFFFFE0] =	vst v1  }
0x9b: {  	[tilespmem:s1+$0xFFFFFFF0] =	vst v0  }
0x9c: {  	v0 =	vld [tilespmem:s0+$0x6020];
	_ =	sdelay $0x4  }
0x9d: {  	v1 =	vunpack.i.u.bf16.f32 v0;
	v0 =	vunpack.i.l.bf16.f32 v0  }
0x9e: {  	[tilespmem:s1+$0x10] =	vst v1  }
0x9f: {  	[tilespmem:s1+$0x0] =	vst v0  }
0xa0: {  	v0 =	vld [tilespmem:s0+$0x6030];
	_ =	sdelay $0x4  }
.Ltmp2:
0xa1: {  	v1 =	vunpack.i.u.bf16.f32 v0;
	v0 =	vunpack.i.l.bf16.f32 v0;
	(pc) =	sbr.rel @p0 .LBB2_6-.Ltmp2, $4  }
0xa2: {  	[tilespmem:s1+$0x20] =	vst v0  }
0xa3: {  	s0 =	sshra.s32 s20, $0x2;
	[tilespmem:s1+$0x30] =	vst v1  }
0xa4: {  	v0 =	vld [tilespmem:s0+$0x6000]  }
0xa5: {  	s20 =	sadd.s32 $0x100, s20  }
0xa6: {  	_ =	sdelay $0x2  }
0xa7: {  	s1 =	sadd.s32 $0x80, s1;
	v1 =	vunpack.i.l.bf16.f32 v0  }
0xa8: {  	v60 =	vunpack.i.u.bf16.f32 v0;
	[tilespmem:s1+$0xFFFFFFC0] =	vst v1  }
0xa9: {  	[tilespmem:s1+$0xFFFFFFD0] =	vst v60  }
0xaa: {  	v0 =	vld [tilespmem:s0+$0x6010];
	_ =	sdelay $0x4  }
0xab: {  	v61 =	vunpack.i.l.bf16.f32 v0  }
0xac: {  	v0 =	vunpack.i.u.bf16.f32 v0;
	[tilespmem:s1+$0xFFFFFFE0] =	vst v61  }
0xad: {  	[tilespmem:s1+$0xFFFFFFF0] =	vst v0  }
0xae: {  	v0 =	vld [tilespmem:s0+$0x6020];
	_ =	sdelay $0x4  }
0xaf: {  	v62 =	vunpack.i.u.bf16.f32 v0  }
0xb0: {  	v0 =	vunpack.i.l.bf16.f32 v0;
	[tilespmem:s1+$0x10] =	vst v62  }
0xb1: {  	[tilespmem:s1+$0x0] =	vst v0  }
0xb2: {  	v0 =	vld [tilespmem:s0+$0x6030];
	_ =	sdelay $0x4  }
0xb3: {  	v63 =	vunpack.i.l.bf16.f32 v0  }
0xb4: {  	v0 =	vunpack.i.u.bf16.f32 v0;
	[tilespmem:s1+$0x20] =	vst v63  }
0xb5: {  	s22 =	simm.s32 $0x2840;
	[tilespmem:s1+$0x30] =	vst v0  }
0xb6: {  	[spmem:s2] =	stream.indirect.scatter.add.f32 [tilespmem:s23], [sflag:$0x4], $0x80, s22, s15, $0xb8;
	[tilespmem:$0x1F000] =	vst v63  }
0xb7: {  	s31 =	simm.s32 $0x0  }
0xb8: {  	[tilespmem:s17], [sflag:$0x2] =	stream.indirect.gather [hbm4b:s4+s15], $0x40, s24, s15, $0xb8;
	[tilespmem:$0x1F000] =	vst v63  }
.LBB2_8:
0xb9: {  	_ =	swait.ge [sflag:s18], $0x1000  }
0xba: {  	[sflag:s18] =	ssyncset.done $0x0  }
0xbb: {  	[sflag:s18] =	ssyncadd.s32 $0xFFFFF000  }
0xbc: {  	_ =	swait.ge [sflag:s25], $0x2000  }
0xbd: {  	[sflag:s25] =	ssyncset.done $0x0  }
0xbe: {  	s0 =	simm.s32 $0x0;
	[sflag:s25] =	ssyncadd.s32 $0xFFFFE000  }
0xbf: {  	v0 =	vld [tilespmem:s0+$0x5000];
	_ =	sdelay $0x4  }
0xc0: {  	s1 =	simm.s32 $0x7040;
	v1 =	vunpack.i.l.bf16.f32 v0  }
0xc1: {  	v0 =	vunpack.i.u.bf16.f32 v0;
	[tilespmem:s1+$0xFFFFFFC0] =	vst v1  }
0xc2: {  	[tilespmem:s1+$0xFFFFFFD0] =	vst v0  }
0xc3: {  	v0 =	vld [tilespmem:s0+$0x5010];
	_ =	sdelay $0x4  }
0xc4: {  	v1 =	vunpack.i.l.bf16.f32 v0  }
0xc5: {  	v0 =	vunpack.i.u.bf16.f32 v0;
	[tilespmem:s1+$0xFFFFFFE0] =	vst v1  }
0xc6: {  	[tilespmem:s1+$0xFFFFFFF0] =	vst v0  }
0xc7: {  	v0 =	vld [tilespmem:s0+$0x5020];
	_ =	sdelay $0x4  }
0xc8: {  	v1 =	vunpack.i.u.bf16.f32 v0  }
0xc9: {  	v0 =	vunpack.i.l.bf16.f32 v0;
	[tilespmem:s1+$0x10] =	vst v1  }
0xca: {  	[tilespmem:s1+$0x0] =	vst v0  }
0xcb: {  	v0 =	vld [tilespmem:s0+$0x5030];
	_ =	sdelay $0x4  }
0xcc: {  	v1 =	vunpack.i.l.bf16.f32 v0  }
0xcd: {  	v0 =	vunpack.i.u.bf16.f32 v0;
	[tilespmem:s1+$0x20] =	vst v1  }
0xce: {  	s0 =	simm.s32 $0x40;
	[tilespmem:s1+$0x30] =	vst v0  }
0xcf: {  	v0 =	vld [tilespmem:s0+$0x5000]  }
0xd0: {  	s20 =	simm.s32 $0x200  }
.LBB2_9:
0xd1: {  	p0 =	sne.s32 s20, $0x3F00;
	_ =	sdelay $0x2  }
0xd2: {  	s1 =	sadd.s32 $0x80, s1;
	v1 =	vunpack.i.l.bf16.f32 v0  }
0xd3: {  	v0 =	vunpack.i.u.bf16.f32 v0;
	[tilespmem:s1+$0xFFFFFFC0] =	vst v1  }
0xd4: {  	[tilespmem:s1+$0xFFFFFFD0] =	vst v0  }
0xd5: {  	v0 =	vld [tilespmem:s0+$0x5010];
	_ =	sdelay $0x4  }
0xd6: {  	v1 =	vunpack.i.l.bf16.f32 v0  }
0xd7: {  	v0 =	vunpack.i.u.bf16.f32 v0;
	[tilespmem:s1+$0xFFFFFFE0] =	vst v1  }
0xd8: {  	[tilespmem:s1+$0xFFFFFFF0] =	vst v0  }
0xd9: {  	v0 =	vld [tilespmem:s0+$0x5020];
	_ =	sdelay $0x4  }
0xda: {  	v1 =	vunpack.i.u.bf16.f32 v0;
	v0 =	vunpack.i.l.bf16.f32 v0  }
0xdb: {  	[tilespmem:s1+$0x10] =	vst v1  }
0xdc: {  	[tilespmem:s1+$0x0] =	vst v0  }
0xdd: {  	v0 =	vld [tilespmem:s0+$0x5030];
	_ =	sdelay $0x4  }
.Ltmp3:
0xde: {  	v1 =	vunpack.i.u.bf16.f32 v0;
	v0 =	vunpack.i.l.bf16.f32 v0;
	(pc) =	sbr.rel @p0 .LBB2_9-.Ltmp3, $4  }
0xdf: {  	[tilespmem:s1+$0x20] =	vst v0  }
0xe0: {  	s0 =	sshra.s32 s20, $0x2;
	[tilespmem:s1+$0x30] =	vst v1  }
0xe1: {  	v0 =	vld [tilespmem:s0+$0x5000]  }
0xe2: {  	s20 =	sadd.s32 $0x100, s20  }
0xe3: {  	_ =	sdelay $0x2  }
0xe4: {  	s20 =	sadd.s32 $0x80, s1;
	v1 =	vunpack.i.l.bf16.f32 v0  }
0xe5: {  	v0 =	vunpack.i.u.bf16.f32 v0;
	[tilespmem:s20+$0xFFFFFFC0] =	vst v1  }
0xe6: {  	[tilespmem:s20+$0xFFFFFFD0] =	vst v0  }
0xe7: {  	v0 =	vld [tilespmem:s0+$0x5010];
	_ =	sdelay $0x4  }
0xe8: {  	v1 =	vunpack.i.l.bf16.f32 v0  }
0xe9: {  	v0 =	vunpack.i.u.bf16.f32 v0;
	[tilespmem:s20+$0xFFFFFFE0] =	vst v1  }
0xea: {  	[tilespmem:s20+$0xFFFFFFF0] =	vst v0  }
0xeb: {  	v0 =	vld [tilespmem:s0+$0x5020];
	_ =	sdelay $0x4  }
0xec: {  	v1 =	vunpack.i.u.bf16.f32 v0  }
0xed: {  	v0 =	vunpack.i.l.bf16.f32 v0;
	[tilespmem:s20+$0x10] =	vst v1  }
0xee: {  	[tilespmem:s20+$0x0] =	vst v0  }
0xef: {  	v0 =	vld [tilespmem:s0+$0x5030];
	_ =	sdelay $0x4  }
0xf0: {  	s1 =	sshll.u32 s31, $0x7;
	v1 =	vunpack.i.l.bf16.f32 v0  }
0xf1: {  	s1 =	sand.u32 $0x3FFFFF80, s1;
	v0 =	vunpack.i.u.bf16.f32 v0;
	[tilespmem:s20+$0x20] =	vst v1  }
0xf2: {  	s0 =	sadd.s32 $0x2880, s1;
	[tilespmem:s20+$0x30] =	vst v0  }
0xf3: {  	[spmem:s2] =	stream.indirect.scatter.add.f32 [tilespmem:s19], [sflag:$0x3], $0x80, s0, s15, $0xb8;
	[tilespmem:$0x1F000] =	vst v63  }
0xf4: {  	s20 =	sadd.s32 $0x100, s1  }
0xf5: {  	[tilespmem:s16], [sflag:$0x1] =	stream.indirect.gather [hbm4b:s4+s15], $0x40, s20, s15, $0xb8;
	[tilespmem:$0x1F000] =	vst v63  }
0xf6: {  	_ =	swait.ge [sflag:s21], $0x1000  }
0xf7: {  	[sflag:s21] =	ssyncset.done $0x0  }
0xf8: {  	[sflag:s21] =	ssyncadd.s32 $0xFFFFF000  }
0xf9: {  	_ =	swait.ge [sflag:s26], $0x2000  }
0xfa: {  	[sflag:s26] =	ssyncset.done $0x0  }
0xfb: {  	s22 =	simm.s32 $0x0;
	[sflag:s26] =	ssyncadd.s32 $0xFFFFE000  }
0xfc: {  	v0 =	vld [tilespmem:s22+$0x6000];
	_ =	sdelay $0x4  }
0xfd: {  	s0 =	simm.s32 $0x9040;
	v1 =	vunpack.i.l.bf16.f32 v0  }
0xfe: {  	v0 =	vunpack.i.u.bf16.f32 v0;
	[tilespmem:s0+$0xFFFFFFC0] =	vst v1  }
0xff: {  	[tilespmem:s0+$0xFFFFFFD0] =	vst v0  }
0x100: {  	v0 =	vld [tilespmem:s22+$0x6010];
	_ =	sdelay $0x4  }
0x101: {  	v1 =	vunpack.i.l.bf16.f32 v0  }
0x102: {  	v0 =	vunpack.i.u.bf16.f32 v0;
	[tilespmem:s0+$0xFFFFFFE0] =	vst v1  }
0x103: {  	[tilespmem:s0+$0xFFFFFFF0] =	vst v0  }
0x104: {  	v0 =	vld [tilespmem:s22+$0x6020];
	_ =	sdelay $0x4  }
0x105: {  	v1 =	vunpack.i.u.bf16.f32 v0  }
0x106: {  	v0 =	vunpack.i.l.bf16.f32 v0;
	[tilespmem:s0+$0x10] =	vst v1  }
0x107: {  	[tilespmem:s0+$0x0] =	vst v0  }
0x108: {  	v0 =	vld [tilespmem:s22+$0x6030];
	_ =	sdelay $0x4  }
0x109: {  	v1 =	vunpack.i.l.bf16.f32 v0  }
0x10a: {  	v0 =	vunpack.i.u.bf16.f32 v0;
	[tilespmem:s0+$0x20] =	vst v1  }
0x10b: {  	s20 =	simm.s32 $0x40;
	[tilespmem:s0+$0x30] =	vst v0  }
0x10c: {  	v0 =	vld [tilespmem:s20+$0x6000]  }
0x10d: {  	s22 =	simm.s32 $0x200  }
.LBB2_11:
0x10e: {  	p0 =	sne.s32 s22, $0x3F00;
	_ =	sdelay $0x2  }
0x10f: {  	s0 =	sadd.s32 $0x80, s0;
	v1 =	vunpack.i.l.bf16.f32 v0  }
0x110: {  	v0 =	vunpack.i.u.bf16.f32 v0;
	[tilespmem:s0+$0xFFFFFFC0] =	vst v1  }
0x111: {  	[tilespmem:s0+$0xFFFFFFD0] =	vst v0  }
0x112: {  	v0 =	vld [tilespmem:s20+$0x6010];
	_ =	sdelay $0x4  }
0x113: {  	v1 =	vunpack.i.l.bf16.f32 v0  }
0x114: {  	v0 =	vunpack.i.u.bf16.f32 v0;
	[tilespmem:s0+$0xFFFFFFE0] =	vst v1  }
0x115: {  	[tilespmem:s0+$0xFFFFFFF0] =	vst v0  }
0x116: {  	v0 =	vld [tilespmem:s20+$0x6020];
	_ =	sdelay $0x4  }
0x117: {  	v1 =	vunpack.i.u.bf16.f32 v0;
	v0 =	vunpack.i.l.bf16.f32 v0  }
0x118: {  	[tilespmem:s0+$0x10] =	vst v1  }
0x119: {  	[tilespmem:s0+$0x0] =	vst v0  }
0x11a: {  	v0 =	vld [tilespmem:s20+$0x6030];
	_ =	sdelay $0x4  }
.Ltmp4:
0x11b: {  	v1 =	vunpack.i.u.bf16.f32 v0;
	v0 =	vunpack.i.l.bf16.f32 v0;
	(pc) =	sbr.rel @p0 .LBB2_11-.Ltmp4, $4  }
0x11c: {  	[tilespmem:s0+$0x20] =	vst v0  }
0x11d: {  	s20 =	sshra.s32 s22, $0x2;
	[tilespmem:s0+$0x30] =	vst v1  }
0x11e: {  	v0 =	vld [tilespmem:s20+$0x6000]  }
0x11f: {  	s22 =	sadd.s32 $0x100, s22  }
0x120: {  	_ =	sdelay $0x2  }
0x121: {  	s0 =	sadd.s32 $0x80, s0;
	v1 =	vunpack.i.l.bf16.f32 v0  }
0x122: {  	v60 =	vunpack.i.u.bf16.f32 v0;
	[tilespmem:s0+$0xFFFFFFC0] =	vst v1  }
0x123: {  	[tilespmem:s0+$0xFFFFFFD0] =	vst v60  }
0x124: {  	v0 =	vld [tilespmem:s20+$0x6010];
	_ =	sdelay $0x4  }
0x125: {  	v61 =	vunpack.i.l.bf16.f32 v0  }
0x126: {  	v0 =	vunpack.i.u.bf16.f32 v0;
	[tilespmem:s0+$0xFFFFFFE0] =	vst v61  }
0x127: {  	[tilespmem:s0+$0xFFFFFFF0] =	vst v0  }
0x128: {  	v0 =	vld [tilespmem:s20+$0x6020];
	_ =	sdelay $0x4  }
0x129: {  	v62 =	vunpack.i.u.bf16.f32 v0  }
0x12a: {  	v0 =	vunpack.i.l.bf16.f32 v0;
	[tilespmem:s0+$0x10] =	vst v62  }
0x12b: {  	[tilespmem:s0+$0x0] =	vst v0  }
0x12c: {  	v0 =	vld [tilespmem:s20+$0x6030];
	_ =	sdelay $0x3  }
0x12d: {  	s31 =	sadd.s32 $0x1, s31  }
0x12e: {  	p0 =	sne.s32 s31, $0x4E;
	v63 =	vunpack.i.l.bf16.f32 v0  }
.Ltmp5:
0x12f: {  	v0 =	vunpack.i.u.bf16.f32 v0;
	[tilespmem:s0+$0x20] =	vst v63;
	(pc) =	sbr.rel @p0 .LBB2_8-.Ltmp5, $4  }
0x130: {  	s20 =	sadd.s32 $0x28C0, s1;
	[tilespmem:s0+$0x30] =	vst v0  }
0x131: {  	[spmem:s2] =	stream.indirect.scatter.add.f32 [tilespmem:s23], [sflag:$0x4], $0x80, s20, s15, $0xb8;
	[tilespmem:$0x1F000] =	vst v63  }
0x132: {  	s22 =	sadd.s32 $0x140, s1  }
0x133: {  	[tilespmem:s17], [sflag:$0x2] =	stream.indirect.gather [hbm4b:s4+s15], $0x40, s22, s15, $0xb8;
	[tilespmem:$0x1F000] =	vst v63  }
0x134: {  	_ =	swait.ge [sflag:s18], $0x1000  }
0x135: {  	[sflag:s18] =	ssyncset.done $0x0  }
0x136: {  	[sflag:s18] =	ssyncadd.s32 $0xFFFFF000  }
0x137: {  	_ =	swait.ge [sflag:s25], $0x2000  }
0x138: {  	[sflag:s25] =	ssyncset.done $0x0  }
0x139: {  	s1 =	simm.s32 $0x0;
	[sflag:s25] =	ssyncadd.s32 $0xFFFFE000  }
0x13a: {  	v0 =	vld [tilespmem:s1+$0x5000];
	_ =	sdelay $0x4  }
0x13b: {  	s0 =	simm.s32 $0x7040;
	v1 =	vunpack.i.l.bf16.f32 v0  }
0x13c: {  	v0 =	vunpack.i.u.bf16.f32 v0;
	[tilespmem:s0+$0xFFFFFFC0] =	vst v1  }
0x13d: {  	[tilespmem:s0+$0xFFFFFFD0] =	vst v0  }
0x13e: {  	v0 =	vld [tilespmem:s1+$0x5010];
	_ =	sdelay $0x4  }
0x13f: {  	v1 =	vunpack.i.l.bf16.f32 v0  }
0x140: {  	v0 =	vunpack.i.u.bf16.f32 v0;
	[tilespmem:s0+$0xFFFFFFE0] =	vst v1  }
0x141: {  	[tilespmem:s0+$0xFFFFFFF0] =	vst v0  }
0x142: {  	v0 =	vld [tilespmem:s1+$0x5020];
	_ =	sdelay $0x4  }
0x143: {  	v1 =	vunpack.i.u.bf16.f32 v0  }
0x144: {  	v0 =	vunpack.i.l.bf16.f32 v0;
	[tilespmem:s0+$0x10] =	vst v1  }
0x145: {  	[tilespmem:s0+$0x0] =	vst v0  }
0x146: {  	v0 =	vld [tilespmem:s1+$0x5030];
	_ =	sdelay $0x4  }
0x147: {  	v1 =	vunpack.i.l.bf16.f32 v0  }
0x148: {  	v0 =	vunpack.i.u.bf16.f32 v0;
	[tilespmem:s0+$0x20] =	vst v1  }
0x149: {  	s1 =	simm.s32 $0x40;
	[tilespmem:s0+$0x30] =	vst v0  }
0x14a: {  	v0 =	vld [tilespmem:s1+$0x5000]  }
0x14b: {  	s20 =	simm.s32 $0x200  }
.LBB2_14:
0x14c: {  	p0 =	sne.s32 s20, $0x3F00;
	_ =	sdelay $0x2  }
0x14d: {  	s0 =	sadd.s32 $0x80, s0;
	v1 =	vunpack.i.l.bf16.f32 v0  }
0x14e: {  	v0 =	vunpack.i.u.bf16.f32 v0;
	[tilespmem:s0+$0xFFFFFFC0] =	vst v1  }
0x14f: {  	[tilespmem:s0+$0xFFFFFFD0] =	vst v0  }
0x150: {  	v0 =	vld [tilespmem:s1+$0x5010];
	_ =	sdelay $0x4  }
0x151: {  	v1 =	vunpack.i.l.bf16.f32 v0  }
0x152: {  	v0 =	vunpack.i.u.bf16.f32 v0;
	[tilespmem:s0+$0xFFFFFFE0] =	vst v1  }
0x153: {  	[tilespmem:s0+$0xFFFFFFF0] =	vst v0  }
0x154: {  	v0 =	vld [tilespmem:s1+$0x5020];
	_ =	sdelay $0x4  }
0x155: {  	v1 =	vunpack.i.u.bf16.f32 v0;
	v0 =	vunpack.i.l.bf16.f32 v0  }
0x156: {  	[tilespmem:s0+$0x10] =	vst v1  }
0x157: {  	[tilespmem:s0+$0x0] =	vst v0  }
0x158: {  	v0 =	vld [tilespmem:s1+$0x5030];
	_ =	sdelay $0x4  }
.Ltmp6:
0x159: {  	v1 =	vunpack.i.u.bf16.f32 v0;
	v0 =	vunpack.i.l.bf16.f32 v0;
	(pc) =	sbr.rel @p0 .LBB2_14-.Ltmp6, $4  }
0x15a: {  	[tilespmem:s0+$0x20] =	vst v0  }
0x15b: {  	s1 =	sshra.s32 s20, $0x2;
	[tilespmem:s0+$0x30] =	vst v1  }
0x15c: {  	v0 =	vld [tilespmem:s1+$0x5000]  }
0x15d: {  	s20 =	sadd.s32 $0x100, s20  }
0x15e: {  	_ =	sdelay $0x2  }
0x15f: {  	s0 =	sadd.s32 $0x80, s0;
	v1 =	vunpack.i.l.bf16.f32 v0  }
0x160: {  	v0 =	vunpack.i.u.bf16.f32 v0;
	[tilespmem:s0+$0xFFFFFFC0] =	vst v1  }
0x161: {  	[tilespmem:s0+$0xFFFFFFD0] =	vst v0  }
0x162: {  	v0 =	vld [tilespmem:s1+$0x5010];
	_ =	sdelay $0x4  }
0x163: {  	v1 =	vunpack.i.l.bf16.f32 v0  }
0x164: {  	v0 =	vunpack.i.u.bf16.f32 v0;
	[tilespmem:s0+$0xFFFFFFE0] =	vst v1  }
0x165: {  	[tilespmem:s0+$0xFFFFFFF0] =	vst v0  }
0x166: {  	v0 =	vld [tilespmem:s1+$0x5020];
	_ =	sdelay $0x4  }
0x167: {  	v1 =	vunpack.i.u.bf16.f32 v0  }
0x168: {  	v0 =	vunpack.i.l.bf16.f32 v0;
	[tilespmem:s0+$0x10] =	vst v1  }
0x169: {  	[tilespmem:s0+$0x0] =	vst v0  }
0x16a: {  	v0 =	vld [tilespmem:s1+$0x5030];
	_ =	sdelay $0x4  }
0x16b: {  	v1 =	vunpack.i.l.bf16.f32 v0  }
0x16c: {  	v0 =	vunpack.i.u.bf16.f32 v0;
	[tilespmem:s0+$0x20] =	vst v1  }
0x16d: {  	[tilespmem:s0+$0x30] =	vst v0  }
0x16e: {  	[spmem:s2] =	stream.indirect.scatter.add.f32 [tilespmem:s19], [sflag:$0x3], $0x80, s28, s15, $0xb8;
	[tilespmem:$0x1F000] =	vst v63  }
0x16f: {  	_ =	swait.ge [sflag:s21], $0x1000  }
0x170: {  	[sflag:s21] =	ssyncset.done $0x0  }
0x171: {  	[sflag:s21] =	ssyncadd.s32 $0xFFFFF000  }
0x172: {  	_ =	swait.ge [sflag:s26], $0x2000  }
0x173: {  	[sflag:s26] =	ssyncset.done $0x0  }
0x174: {  	s31 =	simm.s32 $0x0;
	[sflag:s26] =	ssyncadd.s32 $0xFFFFE000  }
0x175: {  	v0 =	vld [tilespmem:s31+$0x6000];
	_ =	sdelay $0x4  }
0x176: {  	s0 =	simm.s32 $0x9040;
	v1 =	vunpack.i.l.bf16.f32 v0  }
0x177: {  	v0 =	vunpack.i.u.bf16.f32 v0;
	[tilespmem:s0+$0xFFFFFFC0] =	vst v1  }
0x178: {  	[tilespmem:s0+$0xFFFFFFD0] =	vst v0  }
0x179: {  	v0 =	vld [tilespmem:s31+$0x6010];
	_ =	sdelay $0x4  }
0x17a: {  	v1 =	vunpack.i.l.bf16.f32 v0  }
0x17b: {  	v0 =	vunpack.i.u.bf16.f32 v0;
	[tilespmem:s0+$0xFFFFFFE0] =	vst v1  }
0x17c: {  	[tilespmem:s0+$0xFFFFFFF0] =	vst v0  }
0x17d: {  	v0 =	vld [tilespmem:s31+$0x6020];
	_ =	sdelay $0x4  }
0x17e: {  	v1 =	vunpack.i.u.bf16.f32 v0  }
0x17f: {  	v0 =	vunpack.i.l.bf16.f32 v0;
	[tilespmem:s0+$0x10] =	vst v1  }
0x180: {  	[tilespmem:s0+$0x0] =	vst v0  }
0x181: {  	v0 =	vld [tilespmem:s31+$0x6030];
	_ =	sdelay $0x4  }
0x182: {  	v1 =	vunpack.i.l.bf16.f32 v0  }
0x183: {  	v0 =	vunpack.i.u.bf16.f32 v0;
	[tilespmem:s0+$0x20] =	vst v1  }
0x184: {  	s1 =	simm.s32 $0x40;
	[tilespmem:s0+$0x30] =	vst v0  }
0x185: {  	v0 =	vld [tilespmem:s1+$0x6000]  }
0x186: {  	s20 =	simm.s32 $0x200  }
.LBB2_16:
0x187: {  	p0 =	sne.s32 s20, $0x3F00;
	_ =	sdelay $0x2  }
0x188: {  	s0 =	sadd.s32 $0x80, s0;
	v1 =	vunpack.i.l.bf16.f32 v0  }
0x189: {  	v0 =	vunpack.i.u.bf16.f32 v0;
	[tilespmem:s0+$0xFFFFFFC0] =	vst v1  }
0x18a: {  	[tilespmem:s0+$0xFFFFFFD0] =	vst v0  }
0x18b: {  	v0 =	vld [tilespmem:s1+$0x6010];
	_ =	sdelay $0x4  }
0x18c: {  	v1 =	vunpack.i.l.bf16.f32 v0  }
0x18d: {  	v0 =	vunpack.i.u.bf16.f32 v0;
	[tilespmem:s0+$0xFFFFFFE0] =	vst v1  }
0x18e: {  	[tilespmem:s0+$0xFFFFFFF0] =	vst v0  }
0x18f: {  	v0 =	vld [tilespmem:s1+$0x6020];
	_ =	sdelay $0x4  }
0x190: {  	v1 =	vunpack.i.u.bf16.f32 v0;
	v0 =	vunpack.i.l.bf16.f32 v0  }
0x191: {  	[tilespmem:s0+$0x10] =	vst v1  }
0x192: {  	[tilespmem:s0+$0x0] =	vst v0  }
0x193: {  	v0 =	vld [tilespmem:s1+$0x6030];
	_ =	sdelay $0x4  }
.Ltmp7:
0x194: {  	v1 =	vunpack.i.u.bf16.f32 v0;
	v0 =	vunpack.i.l.bf16.f32 v0;
	(pc) =	sbr.rel @p0 .LBB2_16-.Ltmp7, $4  }
0x195: {  	[tilespmem:s0+$0x20] =	vst v0  }
0x196: {  	s1 =	sshra.s32 s20, $0x2;
	[tilespmem:s0+$0x30] =	vst v1  }
0x197: {  	v0 =	vld [tilespmem:s1+$0x6000]  }
0x198: {  	s20 =	sadd.s32 $0x100, s20  }
0x199: {  	_ =	sdelay $0x2  }
0x19a: {  	s0 =	sadd.s32 $0x80, s0;
	v1 =	vunpack.i.l.bf16.f32 v0  }
0x19b: {  	v60 =	vunpack.i.u.bf16.f32 v0;
	[tilespmem:s0+$0xFFFFFFC0] =	vst v1  }
0x19c: {  	[tilespmem:s0+$0xFFFFFFD0] =	vst v60  }
0x19d: {  	v0 =	vld [tilespmem:s1+$0x6010];
	_ =	sdelay $0x4  }
0x19e: {  	v61 =	vunpack.i.l.bf16.f32 v0  }
0x19f: {  	v0 =	vunpack.i.u.bf16.f32 v0;
	[tilespmem:s0+$0xFFFFFFE0] =	vst v61  }
0x1a0: {  	[tilespmem:s0+$0xFFFFFFF0] =	vst v0  }
0x1a1: {  	v0 =	vld [tilespmem:s1+$0x6020];
	_ =	sdelay $0x4  }
0x1a2: {  	v62 =	vunpack.i.u.bf16.f32 v0  }
0x1a3: {  	v0 =	vunpack.i.l.bf16.f32 v0;
	[tilespmem:s0+$0x10] =	vst v62  }
0x1a4: {  	[tilespmem:s0+$0x0] =	vst v0  }
0x1a5: {  	v0 =	vld [tilespmem:s1+$0x6030];
	_ =	sdelay $0x4  }
0x1a6: {  	v63 =	vunpack.i.l.bf16.f32 v0  }
0x1a7: {  	v0 =	vunpack.i.u.bf16.f32 v0;
	[tilespmem:s0+$0x20] =	vst v63  }
0x1a8: {  	[tilespmem:s0+$0x30] =	vst v0  }
0x1a9: {  	[spmem:s2] =	stream.indirect.scatter.add.f32 [tilespmem:s23], [sflag:$0x4], $0x80, s29, s15, $0xb8;
	[tilespmem:$0x1F000] =	vst v63  }
0x1aa: {  	_ =	swait.ge [sflag:s25], $0x2000  }
0x1ab: {  	[sflag:s25] =	ssyncset.done $0x0  }
0x1ac: {  	[sflag:s25] =	ssyncadd.s32 $0xFFFFE000  }
0x1ad: {  	_ =	swait.ge [sflag:s26], $0x2000  }
0x1ae: {  	s30 =	sadd.s32 $0x1, s30;
	[sflag:s26] =	ssyncset.done $0x0  }
0x1af: {  	p0 =	sne.s32 s30, s10;
	[sflag:s26] =	ssyncadd.s32 $0xFFFFE000  }
.Ltmp8:
0x1b0: {  	[bflag:$0x0] =	sbarrier.arrive $0xFFFF;
	(pc) =	sbr.rel @p0 .LBB2_1-.Ltmp8, $4  }
0x1b1: {  	[hbm:s11], [sflag:s6] =	dma.local [spmem:s12], $0x2800  }
0x1b2: {  	_ =	swait.ge [sflag:s13], $0x2800  }
0x1b3: {  	[sflag:s13] =	ssyncset.done $0x0  }
0x1b4: {  	[sflag:s13] =	ssyncadd.s32 $0xFFFFD800  }
0x1b5: {  	_ =	sfence.sel $0x180000  }
0x1b6: {  	[bflag:$0x0] =	sbarrier.arrive $0xFFFF  }
0x1b7: {  	_ =	strace $0x9000004A  }
0x1b8: {  	s0 =	stileid.u32;
	[bflag:$0x2] =	sbarrier.arrive $0xFFFF  }
0x1b9: {  	p0 =	sne.s32 s0, $0x0;
	s0 =	rddreg [dreg:$0x3]  }
0x1ba: {  	s0 =	sadd.s32 @!p0 $0x100000, s0  }
0x1bb: {  	[sflag:s0] =	ssyncadd.tile.s32 @!p0 $0x1;
	_ =	shalt  }
.Lfunc_end2:
_tile_overlayer_lowered:
.L_overlay_start_2:
0x1bc: {  	(tag) =	ssettag $0x2  }
0x1bd: {  	s0 =	rddreg [dreg:$0x0];
	s2 =	stileid.u32  }
0x1be: {  	s1 =	rddreg [dreg:$0x1];
	p0 =	sne.s32 s2, $0x0  }
0x1bf: {  	s3 =	rddreg [dreg:$0x2];
	[bflag:$0x3] =	sbarrier.arrive $0xFFFF;
	s2 =	simm.s32 @!p0 $0x1C05  }
0x1c0: {  	[timem:s3], [sflag:s2] =	dma.local @!p0 [hbm:s0], s1  }
0x1c1: {  	s0 =	simm.s32 @!p0 $0x5  }
0x1c2: {  	_ =	swait.ge @!p0 [sflag:s0], s1  }
0x1c3: {  	s1 =	ssub.s32 @!p0 $0x0, s1;
	[sflag:s0] =	ssyncset.done @!p0 $0x0  }
0x1c4: {  	[sflag:s0] =	ssyncadd.s32 @!p0 s1  }
0x1c5: {  	[bflag:$0x3] =	sbarrier.arrive $0xFFFF  }
0x1c6: {  	_ =	shalt  }

// kernel: kernel.8.cloned.1.call-start
scs
__scs_entry_jumppad:
0x0: {  	(pc) =	sbr.rel $0x88, $3  }
0x1: {  	(tag) =	ssettag $0x0;
	lr =	simm.s32 $0x1  }
0x2: {  	[smem:$0x3F98] =	sst lr;
	_ =	strace $0xD0000000  }
0x3: {  	_ = 	snop  }
0x4: {  	_ = 	snop  }
0x5: {  	_ = 	snop  }
0x6: {  	_ = 	snop  }
0x7: {  	_ = 	snop  }
__scs_overlays_trampoline_lowered:
0x8: {  	[smem:$0x3FA7] =	sst s0  }
0x9: {  	[smem:$0x3FA8] =	sst s1  }
0xa: {  	[smem:$0x3FA9] =	sst s2  }
0xb: {  	[smem:$0x3FAA] =	sst s3  }
0xc: {  	[smem:$0x3FAB] =	sst s4  }
0xd: {  	[smem:$0x3FAC] =	sst s5  }
0xe: {  	[smem:$0x3FAD] =	sst s6  }
0xf: {  	[smem:$0x3FAE] =	sst s7  }
0x10: {  	[smem:$0x3FAF] =	sst s8  }
0x11: {  	[smem:$0x3FB0] =	sst s9;
	s0 =	simm.s32 @!p0 $0x0  }
0x12: {  	s1 =	sld [smem:$0x3F96];
	s0 =	simm.s32 @p0 $0x1  }
0x13: {  	[smem:$0x3FB1] =	sst s0;
	s0 =	simm.s32 @!p1 $0x0  }
0x14: {  	s2 =	sld [smem:$0x3F95];
	s0 =	simm.s32 @p1 $0x1  }
0x15: {  	[smem:$0x3FB2] =	sst s0;
	s0 =	simm.s32 @!p2 $0x0  }
0x16: {  	s3 =	sld [smem:$0x3FDB];
	s0 =	simm.s32 @p2 $0x1  }
0x17: {  	s4 =	simm.s32 $0x1BF5;
	[smem:$0x3FB4] =	sst s0  }
0x18: {  	s0 =	sld [smem:$0x3F97];
	_ =	swait.ge [sflag:s4], $0x0  }
0x19: {  	s7 =	sld [smem:$0x3F98]  }
0x1a: {  	s8 =	sadd.s32 $0xFFFFE003, lr  }
0x1b: {  	s9 =	sadd.s32 $0xFFFFFEF7, lr;
	s5 =	simm.s32 $0xFFFFFFFF;
	p2 =	slt.u32 s8, $0xFFFFF086  }
0x1c: {  	p1 =	slt.u32 s9, $0xF7A;
	s5 =	simm.s32 @!p2 $0x0  }
0x1d: {  	s5 =	simm.s32 @p1 $0x1;
	p0 =	seq.s32 s7, s2  }
0x1e: {  	s7 =	smul.u32 @!p0 $0xF7A, s2;
	p2 =	seq.s32 @!p0 s5, $0x0  }
0x1f: {  	s9 =	smul.u32 $0xF7A, s1;
	s8 =	simm.s32 @!p0 $0x1BF5;
	p2 =	por !p2, p0  }
0x20: {  	[sflag:s8] =	ssyncset.s32 @!p0 $0xFFFFF086;
	s6 =	sadd.s32 @!p0 s3, s7;
	s7 =	simm.s32 @!p0 $0x108  }
0x21: {  	s3 =	sadd.s32 s3, s9;
	s6 =	sadd.s32 @!p0 $0x88, s6;
	s7 =	simm.s32 @p2 $0x1082  }
0x22: {  	[simem:s7], [sflag:s8] =	dma.local @!p0 [hbm:s6], $0xF7A  }
0x23: {  	s9 =	sor.u32 $0xD0000000, s2;
	s6 =	simm.s32 $0x108;
	_ =	swait.ge @!p0 [sflag:s8], $0x0  }
0x24: {  	s3 =	sadd.s32 $0x88, s3;
	s6 =	simm.s32 @!p1 $0x1082;
	[sflag:s4] =	ssyncset.s32 $0xFFFFF086  }
0x25: {  	[simem:s6], [sflag:s4] =	dma.local [hbm:s3], $0xF7A  }
0x26: {  	[smem:$0x3F98] =	sst s1;
	(tag) =	ssettag s2;
	_ =	strace s9  }
0x27: {  	s1 =	sld [smem:$0x3FA8]  }
0x28: {  	s2 =	sld [smem:$0x3FA9]  }
0x29: {  	s4 =	sld [smem:$0x3FAB]  }
0x2a: {  	p0 =	seq.s32 s5, $0x0;
	s5 =	sld [smem:$0x3FAC]  }
0x2b: {  	s6 =	sld [smem:$0x3FAD]  }
0x2c: {  	s7 =	sld [smem:$0x3FAE]  }
0x2d: {  	s3 =	simm.s32 $0x108;
	s8 =	sld [smem:$0x3FAF]  }
0x2e: {  	s3 =	simm.s32 @!p0 $0x1082;
	s9 =	sld [smem:$0x3FB0]  }
0x2f: {  	lr =	sadd.s32 s0, s3;
	s0 =	sld [smem:$0x3FA7]  }
0x30: {  	s3 =	sld [smem:$0x3FAA]  }
0x31: {  	[smem:$0x3FB3] =	sst s10  }
0x32: {  	s10 =	sld [smem:$0x3FB1];
	_ =	sdelay $0x3  }
0x33: {  	p0 =	seq.s32 s10, $0x1;
	s10 =	sld [smem:$0x3FB3];
	_ =	sdelay $0x3  }
0x34: {  	[smem:$0x3FB3] =	sst s10  }
0x35: {  	s10 =	sld [smem:$0x3FB2];
	_ =	sdelay $0x3  }
0x36: {  	p1 =	seq.s32 s10, $0x1;
	s10 =	sld [smem:$0x3FB3];
	_ =	sdelay $0x3  }
0x37: {  	[smem:$0x3FB3] =	sst s10  }
0x38: {  	s10 =	sld [smem:$0x3FB4]  }
0x39: {  	_ = 	snop;
	(pc) =	sbr.ind lr, $3  }
0x3a: {  	_ = 	snop  }
0x3b: {  	_ = 	snop  }
0x3c: {  	p2 =	seq.s32 s10, $0x1;
	s10 =	sld [smem:$0x3FB3]  }
0x3d: {  	_ =	shalt  }
0x3e: {  	_ =	shalt  }
0x3f: {  	_ =	shalt  }
0x40: {  	_ =	shalt  }
0x41: {  	_ =	shalt  }
0x42: {  	_ =	shalt  }
0x43: {  	_ =	shalt  }
0x44: {  	_ =	shalt  }
0x45: {  	_ =	shalt  }
0x46: {  	_ =	shalt  }
0x47: {  	_ =	shalt  }
0x48: {  	_ =	shalt  }
0x49: {  	_ =	shalt  }
0x4a: {  	_ =	shalt  }
0x4b: {  	_ =	shalt  }
0x4c: {  	_ =	shalt  }
0x4d: {  	_ =	shalt  }
0x4e: {  	_ =	shalt  }
0x4f: {  	_ =	shalt  }
0x50: {  	_ =	shalt  }
0x51: {  	_ =	shalt  }
0x52: {  	_ =	shalt  }
0x53: {  	_ =	shalt  }
0x54: {  	_ =	shalt  }
0x55: {  	_ =	shalt  }
0x56: {  	_ =	shalt  }
0x57: {  	_ =	shalt  }
0x58: {  	_ =	shalt  }
0x59: {  	_ =	shalt  }
0x5a: {  	_ =	shalt  }
0x5b: {  	_ =	shalt  }
0x5c: {  	_ =	shalt  }
0x5d: {  	_ =	shalt  }
0x5e: {  	_ =	shalt  }
0x5f: {  	_ =	shalt  }
0x60: {  	_ =	shalt  }
0x61: {  	_ =	shalt  }
0x62: {  	_ =	shalt  }
0x63: {  	_ =	shalt  }
0x64: {  	_ =	shalt  }
0x65: {  	_ =	shalt  }
0x66: {  	_ =	shalt  }
0x67: {  	_ =	shalt  }
0x68: {  	_ =	shalt  }
0x69: {  	_ =	shalt  }
0x6a: {  	_ =	shalt  }
0x6b: {  	_ =	shalt  }
0x6c: {  	_ =	shalt  }
0x6d: {  	_ =	shalt  }
0x6e: {  	_ =	shalt  }
0x6f: {  	_ =	shalt  }
0x70: {  	_ =	shalt  }
0x71: {  	_ =	shalt  }
0x72: {  	_ =	shalt  }
0x73: {  	_ =	shalt  }
0x74: {  	_ =	shalt  }
0x75: {  	_ =	shalt  }
0x76: {  	_ =	shalt  }
0x77: {  	_ =	shalt  }
0x78: {  	_ =	shalt  }
0x79: {  	_ =	shalt  }
0x7a: {  	_ =	shalt  }
0x7b: {  	_ =	shalt  }
0x7c: {  	_ =	shalt  }
0x7d: {  	_ =	shalt  }
0x7e: {  	_ =	shalt  }
0x7f: {  	_ =	shalt  }
0x80: {  	_ =	shalt  }
0x81: {  	_ =	shalt  }
0x82: {  	_ =	shalt  }
0x83: {  	_ =	shalt  }
0x84: {  	_ =	shalt  }
0x85: {  	_ =	shalt  }
0x86: {  	_ =	shalt  }
0x87: {  	_ =	shalt  }
.Lfunc_end0:
.L_simem_size_0:
called_computation_lowered:
.L_overlay_start_0:
0x88: {  	s2 =	sld [smem:$0x3FD9]  }
0x89: {  	s3 =	sld [smem:$0x3FFE];
	_ =	sdelay $0x1  }
0x8a: {  	s1 =	srdreg.scid  }
0x8b: {  	s0 =	sand.u32 $0x1, s1  }
0x8c: {  	s14 =	sshll.u32 s0, $0xA;
	s2 =	sadd.s32 s3, s2  }
0x8d: {  	s2 =	sadd.s32 s2, s14  }
0x8e: {  	[smem:$0x3FBF] =	sst s2  }
0x8f: {  	_ = 	snop  }
0x90: {  	s2 =	sld [smem:$0x3FD0];
	_ =	sdelay $0x2  }
0x91: {  	s15 =	simm.s32 $0xA;
	s4 =	simm.s32 $0x10  }
0x92: {  	[smem:s4], [sflag:s15] =	dma.local [hbm:s2], $0x1  }
0x93: {  	_ =	swait.eq [sflag:s15], $0x1  }
0x94: {  	[sflag:s15] =	ssyncset.done $0x0  }
0x95: {  	[sflag:s15] =	ssyncadd.s32 $0xFFFFFFFF  }
0x96: {  	s16 =	sld [smem:$0x10];
	(tm) =	ssettm $0x1  }
0x97: {  	s17 =	sld [smem:$0x3FFB];
	_ =	sdelay $0x3  }
0x98: {  	_ =	strace s17  }
0x99: {  	s3 =	sld [smem:$0x3FFC];
	_ =	sdelay $0x3  }
0x9a: {  	_ =	strace s3  }
0x9b: {  	s3 =	sld [smem:$0x3FFD];
	_ =	sdelay $0x3  }
0x9c: {  	_ =	strace s3  }
0x9d: {  	_ =	strace $0x8FFFFFFF  }
0x9e: {  	s18 =	sld [smem:$0x3FDB];
	_ =	sdelay $0x1  }
0x9f: {  	s19 =	simm.s32 $_scs_section_size  }
0xa0: {  	s5 =	simm.s32 $_size__tile_overlayer_lowered;
	s6 =	simm.s32 $_tile_overlayer_lowered  }
0xa1: {  	s22 =	simm.s32 $0x1BFF;
	s21 =	sshll.u32 s6, $0x1;
	s3 =	sadd.s32 s19, s18  }
0xa2: {  	s7 =	simm.s32 $0x0;
	s20 =	sshll.u32 s5, $0x1;
	s5 =	sadd.s32 s21, s3  }
0xa3: {  	[timem:s7], [sflag:s22] =	dma.local [hbm:s5], s20  }
0xa4: {  	_ =	swait.ge [sflag:s22], s20  }
0xa5: {  	s4 =	ssub.s32 $0x0, s20;
	[sflag:s22] =	ssyncset.done $0x0  }
0xa6: {  	[sflag:s22] =	ssyncadd.s32 s4;
	_ =	sdelay $0x1  }
0xa7: {  	s23 =	simm.s32 $0x1B8B  }
0xa8: {  	_ =	swait.ge [sflag:s23], $0x1  }
0xa9: {  	[sflag:s23] =	ssyncset.done $0x0  }
0xaa: {  	s25 =	simm.s32 $0x1B8E;
	s24 =	sld [smem:$0x3FFE];
	[sflag:s23] =	ssyncadd.s32 $0xFFFFFFFF  }
0xab: {  	s26 =	simm.s32 $execute0_lowered;
	[smem:$0x3FD2] =	sst s25  }
0xac: {  	s5 =	sshll.u32 s26, $0x1;
	_ =	strace $0x80000046;
	[dreg:$0x1] =	wrdreg $0xFFFFFFFF  }
0xad: {  	s28 =	simm.s32 $_size_execute0_lowered;
	s3 =	sadd.s32 s3, s5;
	[dreg:$0x0] =	wrdreg $0x0  }
0xae: {  	s5 =	sshll.u32 s28, $0x1;
	[dreg:$0x2] =	wrdreg s3  }
0xaf: {  	[dreg:$0x3] =	wrdreg s5  }
0xb0: {  	[dreg:$0x4] =	wrdreg $0xC0  }
0xb1: {  	_ =	task [dreg:s7], $0x5FFFF  }
0xb2: {  	[dreg:$0x1] =	wrdreg $0xFFFFFFFF  }
0xb3: {  	[dreg:$0x0] =	wrdreg $0x60  }
0xb4: {  	[dreg:$0x2] =	wrdreg s24  }
0xb5: {  	[dreg:$0x3] =	wrdreg s16  }
0xb6: {  	[dreg:$0x4] =	wrdreg $0xB0000  }
0xb7: {  	[dreg:$0x5] =	wrdreg $0x9  }
0xb8: {  	_ =	task.clear_ibuf [dreg:s7], $0x6FFFF;
	_ =	strace $0x90000046  }
0xb9: {  	s29 =	simm.s32 $0x9;
	_ =	strace $0x80000048  }
0xba: {  	_ =	swait.ge [sflag:s29], $0x1  }
0xbb: {  	[sflag:s29] =	ssyncadd.s32 $0xFFFFFFFF  }
0xbc: {  	_ =	strace $0x90000048  }
0xbd: {  	_ =	sfence  }
0xbe: {  	s30 =	sld [smem:$0x0];
	_ =	sdelay $0x2  }
0xbf: {  	s31 =	sshll.u32 s1, $0xD;
	s1 =	sshrl.u32 s1, $0x2  }
0xc0: {  	s3 =	sand.u32 $0x4000, s31;
	s1 =	sadd.s32 s1, s30  }
0xc1: {  	s0 =	sor.u32 s3, s0;
	s1 =	sshll.u32 s1, $0x11  }
0xc2: {  	s0 =	sor.u32 s1, s0  }
0xc3: {  	s0 =	sadd.s32 $0x8F2B, s0  }
0xc4: {  	[sflag:s0] =	ssyncadd.remote.s32 $0x1  }
0xc5: {  	_ =	sfence.sel $0xFFFF  }
0xc6: {  	[dreg:$0x0] =	wrdreg $0xFFFFFFFF;
	(pc) =	sbr.abs _section_cstart, $3  }
0xc7: {  	[dreg:$0x1] =	wrdreg $0xFFFFFFFF  }
0xc8: {  	_ =	task.clear_ibuf [dreg:s7], $0x2FFFF;
	_ =	strace $0x9FFFFFFF  }
0xc9: {  	(tm) =	ssettm $0x7FFFFFFF  }
tec
execute0_lowered:
.L_overlay_start_1:
0x0: {  	(tag) =	ssettag $0x1  }
0x1: {  	s0 =	rddreg [dreg:$0x0]  }
0x2: {  	s1 =	rddreg [dreg:$0x1];
	s3 =	srdreg.scid  }
0x3: {  	s13 =	stileid.u32;
	s2 =	rddreg [dreg:$0x2];
	s14 =	simm.s32 $0x2800  }
0x4: {  	s15 =	simm.s32 $0x40;
	s16 =	simm.s32 $0x5000;
	s17 =	simm.s32 $0x6000  }
0x5: {  	s18 =	simm.s32 $0x1;
	s19 =	simm.s32 $0x7000;
	s21 =	simm.s32 $0x2  }
0x6: {  	s23 =	simm.s32 $0x9000;
	s24 =	simm.s32 $0xC0;
	s25 =	simm.s32 $0x3  }
0x7: {  	s28 =	simm.s32 $0x4F80;
	s29 =	simm.s32 $0x4FC0;
	s30 =	simm.s32 $0x0  }
0x8: {  	s6 =	sand.u32 $0x1, s3;
	s4 =	sshll.u32 s13, $0x1;
	s3 =	simm.s32 $0x0  }
0x9: {  	s9 =	smul.u32 $0x14000, s13;
	s5 =	sadd.s32 $0x16A00, s0;
	s26 =	sshll.u32 s13, $0x6  }
0xa: {  	s13 =	simm.s32 $0x41200;
	s4 =	sor.u32 s6, s4;
	[smem:$0x7FF] =	sst s3  }
0xb: {  	s8 =	ssub.s32 $0x2, s6;
	p0 =	seq.s32 s6, $0x1;
	s6 =	sor.u32 $0x1C05, s26  }
0xc: {  	s26 =	simm.s32 $0x4;
	s7 =	smul.u32 $0x500, s4;
	_ =	strace $0x80000047  }
0xd: {  	s4 =	sadd.s32 $0x14F200, s0;
	s11 =	sshrl.u32 s8, $0x1;
	s12 =	sadd.s32 s9, s2  }
0xe: {  	s13 =	simm.s32 @!p0 $0x19200;
	s31 =	sshrl.u32 s9, $0x3;
	s11 =	ssub.s32 s8, s11  }
0xf: {  	s12 =	sshrl.u32 s12, $0x3;
	s10 =	sadd.s32 s7, s0;
	s7 =	sadd.s32 s1, s7  }
0x10: {  	s0 =	sadd.s32 s13, s0;
	s13 =	simm.s32 $0x5;
	s8 =	sadd.s32 $0xCA00, s10  }
0x11: {  	s9 =	sadd.s32 $0x2A00, s10;
	s10 =	smax.u32 s11, $0x1;
	s11 =	sadd.s32 s0, s31  }
.LBB2_1:
0x12: {  	[spmem:s12], [sflag:s6] =	dma.local [hbm:s5], $0x2800  }
0x13: {  	_ =	swait.ge [sflag:s13], $0x2800  }
0x14: {  	[sflag:s13] =	ssyncset.done $0x0  }
0x15: {  	[sflag:s13] =	ssyncadd.s32 $0xFFFFD800  }
0x16: {  	[bflag:$0x0] =	sbarrier.arrive $0xFFFF  }
0x17: {  	[tilespmem:s3], [sflag:$0x5] =	stream.linear.gather [hbm4b:s7+s3], $0x2800, $0x38;
	[tilespmem:$0x1F000] =	vst v63  }
0x18: {  	_ =	swait.ge [sflag:s13], $0x2800  }
0x19: {  	[sflag:s13] =	ssyncset.done $0x0  }
0x1a: {  	[sflag:s13] =	ssyncadd.s32 $0xFFFFD800  }
0x1b: {  	[tilespmem:s14], [sflag:$0x5] =	stream.linear.gather [hbm4b:s8+s3], $0x2800, $0x38;
	[tilespmem:$0x1F000] =	vst v63  }
0x1c: {  	_ =	swait.ge [sflag:s13], $0x2800  }
0x1d: {  	[sflag:s13] =	ssyncset.done $0x0  }
0x1e: {  	s1 =	simm.s32 $0x0;
	[sflag:s13] =	ssyncadd.s32 $0xFFFFD800  }
0x1f: {  	v0 =	vld [tilespmem:s1+$0x2800]  }
0x20: {  	v1 =	vld [tilespmem:s1+$0x2810]  }
0x21: {  	v3 =	vld [tilespmem:s1+$0x2820]  }
0x22: {  	v4 =	vld [tilespmem:s1+$0x2830]  }
0x23: {  	v5 =	vld [tilespmem:s1+$0x0]  }
0x24: {  	v6 =	vld [tilespmem:s1+$0x10]  }
0x25: {  	v7 =	vld [tilespmem:s1+$0x20]  }
0x26: {  	s0 =	simm.s32 $0x40;
	v8 =	vld [tilespmem:s1+$0x30];
	v9 =	vmul.u32 $0x2710, v0  }
0x27: {  	v2 =	vld [tilespmem:s0+$0x2800]  }
0x28: {  	v0 =	vld [tilespmem:s0+$0x2810];
	v10 =	vmul.u32 $0x2710, v1;
	v5 =	vadd.s32 v5, v9  }
0x29: {  	v1 =	vld [tilespmem:s0+$0x2820];
	[tilespmem:s1+$0x0] =	vst v5;
	v5 =	vmul.u32 $0x2710, v3  }
0x2a: {  	v63 =	vmul.u32 $0x2710, v4;
	v6 =	vadd.s32 v6, v10  }
0x2b: {  	v3 =	vld [tilespmem:s0+$0x2830];
	[tilespmem:s1+$0x10] =	vst v6;
	v5 =	vadd.s32 v7, v5  }
0x2c: {  	s20 =	simm.s32 $0x200;
	v4 =	vld [tilespmem:s0+$0x0];
	[tilespmem:s1+$0x20] =	vst v5;
	v5 =	vadd.s32 v8, v63  }
.LBB2_2:
0x2d: {  	p0 =	sne.s32 s20, $0x9F00;
	v6 =	vld [tilespmem:s0+$0x10];
	[tilespmem:s1+$0x30] =	vst v5;
	s1 =	smov.u32 s0  }
0x2e: {  	v5 =	vld [tilespmem:s1+$0x20]  }
0x2f: {  	s0 =	sshra.s32 s20, $0x2;
	v7 =	vmul.u32 $0x2710, v2;
	v8 =	vld [tilespmem:s1+$0x30]  }
.Ltmp0:
0x30: {  	v9 =	vmul.u32 $0x2710, v0;
	v2 =	vld [tilespmem:s0+$0x2800];
	(pc) =	sbr.rel @p0 .LBB2_2-.Ltmp0, $4  }
0x31: {  	v0 =	vld [tilespmem:s0+$0x2810];
	v4 =	vadd.s32 v4, v7;
	v7 =	vmul.u32 $0x2710, v1  }
0x32: {  	v1 =	vld [tilespmem:s0+$0x2820];
	[tilespmem:s1+$0x0] =	vst v4;
	v4 =	vadd.s32 v6, v9;
	v6 =	vmul.u32 $0x2710, v3  }
0x33: {  	v3 =	vld [tilespmem:s0+$0x2830];
	[tilespmem:s1+$0x10] =	vst v4;
	v5 =	vadd.s32 v5, v7  }
0x34: {  	s20 =	sadd.s32 $0x100, s20;
	v4 =	vld [tilespmem:s0+$0x0];
	[tilespmem:s1+$0x20] =	vst v5;
	v5 =	vadd.s32 v8, v6  }
0x35: {  	v6 =	vld [tilespmem:s0+$0x10];
	[tilespmem:s1+$0x30] =	vst v5  }
0x36: {  	v5 =	vld [tilespmem:s0+$0x20]  }
0x37: {  	v2 =	vmul.u32 $0x2710, v2;
	v7 =	vld [tilespmem:s0+$0x30]  }
0x38: {  	v0 =	vmul.u32 $0x2710, v0  }
0x39: {  	v1 =	vmul.u32 $0x2710, v1;
	v2 =	vadd.s32 v4, v2  }
0x3a: {  	[tilespmem:s0+$0x0] =	vst v2;
	v0 =	vadd.s32 v6, v0;
	v2 =	vmul.u32 $0x2710, v3  }
0x3b: {  	[tilespmem:s0+$0x10] =	vst v0;
	v0 =	vadd.s32 v5, v1  }
0x3c: {  	[tilespmem:s0+$0x20] =	vst v0;
	v0 =	vadd.s32 v7, v2  }
0x3d: {  	s22 =	simm.s32 $0x0;
	[tilespmem:s0+$0x30] =	vst v0  }
0x3e: {  	[tilespmem:s14], [sflag:$0x5] =	stream.linear.gather [hbm4b:s9+s22], $0x2800, $0x38;
	[tilespmem:$0x1F000] =	vst v63  }
0x3f: {  	_ =	swait.ge [sflag:s13], $0x2800  }
0x40: {  	[sflag:s13] =	ssyncset.done $0x0  }
0x41: {  	[sflag:s13] =	ssyncadd.s32 $0xFFFFD800  }
0x42: {  	[tilespmem:s16], [sflag:$0x1] =	stream.indirect.gather [hbm4b:s4+s15], $0x40, s22, s15, $0xb8;
	[tilespmem:$0x1F000] =	vst v63  }
0x43: {  	_ = 	snop  }
0x44: {  	[tilespmem:s17], [sflag:$0x2] =	stream.indirect.gather [hbm4b:s4+s15], $0x40, s15, s15, $0xb8;
	[tilespmem:$0x1F000] =	vst v63  }
0x45: {  	_ =	swait.ge [sflag:s18], $0x1000  }
0x46: {  	[sflag:s18] =	ssyncset.done $0x0  }
0x47: {  	s31 =	simm.s32 $0x0;
	[sflag:s18] =	ssyncadd.s32 $0xFFFFF000  }
0x48: {  	v0 =	vld [tilespmem:s31+$0x5000];
	_ =	sdelay $0x4  }
0x49: {  	s1 =	simm.s32 $0x7040;
	v1 =	vunpack.i.l.bf16.f32 v0  }
0x4a: {  	v0 =	vunpack.i.u.bf16.f32 v0;
	[tilespmem:s1+$0xFFFFFFC0] =	vst v1  }
0x4b: {  	[tilespmem:s1+$0xFFFFFFD0] =	vst v0  }
0x4c: {  	v0 =	vld [tilespmem:s31+$0x5010];
	_ =	sdelay $0x4  }
0x4d: {  	v1 =	vunpack.i.l.bf16.f32 v0  }
0x4e: {  	v0 =	vunpack.i.u.bf16.f32 v0;
	[tilespmem:s1+$0xFFFFFFE0] =	vst v1  }
0x4f: {  	[tilespmem:s1+$0xFFFFFFF0] =	vst v0  }
0x50: {  	v0 =	vld [tilespmem:s31+$0x5020];
	_ =	sdelay $0x4  }
0x51: {  	v1 =	vunpack.i.u.bf16.f32 v0  }
0x52: {  	v0 =	vunpack.i.l.bf16.f32 v0;
	[tilespmem:s1+$0x10] =	vst v1  }
0x53: {  	[tilespmem:s1+$0x0] =	vst v0  }
0x54: {  	v0 =	vld [tilespmem:s31+$0x5030];
	_ =	sdelay $0x4  }
0x55: {  	v1 =	vunpack.i.l.bf16.f32 v0  }
0x56: {  	v0 =	vunpack.i.u.bf16.f32 v0;
	[tilespmem:s1+$0x20] =	vst v1  }
0x57: {  	s0 =	simm.s32 $0x40;
	[tilespmem:s1+$0x30] =	vst v0  }
0x58: {  	v0 =	vld [tilespmem:s0+$0x5000]  }
0x59: {  	s20 =	simm.s32 $0x200  }
.LBB2_4:
0x5a: {  	p0 =	sne.s32 s20, $0x3F00;
	_ =	sdelay $0x2  }
0x5b: {  	s1 =	sadd.s32 $0x80, s1;
	v1 =	vunpack.i.l.bf16.f32 v0  }
0x5c: {  	v0 =	vunpack.i.u.bf16.f32 v0;
	[tilespmem:s1+$0xFFFFFFC0] =	vst v1  }
0x5d: {  	[tilespmem:s1+$0xFFFFFFD0] =	vst v0  }
0x5e: {  	v0 =	vld [tilespmem:s0+$0x5010];
	_ =	sdelay $0x4  }
0x5f: {  	v1 =	vunpack.i.l.bf16.f32 v0  }
0x60: {  	v0 =	vunpack.i.u.bf16.f32 v0;
	[tilespmem:s1+$0xFFFFFFE0] =	vst v1  }
0x61: {  	[tilespmem:s1+$0xFFFFFFF0] =	vst v0  }
0x62: {  	v0 =	vld [tilespmem:s0+$0x5020];
	_ =	sdelay $0x4  }
0x63: {  	v1 =	vunpack.i.u.bf16.f32 v0;
	v0 =	vunpack.i.l.bf16.f32 v0  }
0x64: {  	[tilespmem:s1+$0x10] =	vst v1  }
0x65: {  	[tilespmem:s1+$0x0] =	vst v0  }
0x66: {  	v0 =	vld [tilespmem:s0+$0x5030];
	_ =	sdelay $0x4  }
.Ltmp1:
0x67: {  	v1 =	vunpack.i.u.bf16.f32 v0;
	v0 =	vunpack.i.l.bf16.f32 v0;
	(pc) =	sbr.rel @p0 .LBB2_4-.Ltmp1, $4  }
0x68: {  	[tilespmem:s1+$0x20] =	vst v0  }
0x69: {  	s0 =	sshra.s32 s20, $0x2;
	[tilespmem:s1+$0x30] =	vst v1  }
0x6a: {  	v0 =	vld [tilespmem:s0+$0x5000]  }
0x6b: {  	s20 =	sadd.s32 $0x100, s20  }
0x6c: {  	_ =	sdelay $0x2  }
0x6d: {  	s1 =	sadd.s32 $0x80, s1;
	v1 =	vunpack.i.l.bf16.f32 v0  }
0x6e: {  	v0 =	vunpack.i.u.bf16.f32 v0;
	[tilespmem:s1+$0xFFFFFFC0] =	vst v1  }
0x6f: {  	[tilespmem:s1+$0xFFFFFFD0] =	vst v0  }
0x70: {  	v0 =	vld [tilespmem:s0+$0x5010];
	_ =	sdelay $0x4  }
0x71: {  	v1 =	vunpack.i.l.bf16.f32 v0  }
0x72: {  	v0 =	vunpack.i.u.bf16.f32 v0;
	[tilespmem:s1+$0xFFFFFFE0] =	vst v1  }
0x73: {  	[tilespmem:s1+$0xFFFFFFF0] =	vst v0  }
0x74: {  	v0 =	vld [tilespmem:s0+$0x5020];
	_ =	sdelay $0x4  }
0x75: {  	v1 =	vunpack.i.u.bf16.f32 v0  }
0x76: {  	v0 =	vunpack.i.l.bf16.f32 v0;
	[tilespmem:s1+$0x10] =	vst v1  }
0x77: {  	[tilespmem:s1+$0x0] =	vst v0  }
0x78: {  	v0 =	vld [tilespmem:s0+$0x5030];
	_ =	sdelay $0x4  }
0x79: {  	v1 =	vunpack.i.l.bf16.f32 v0  }
0x7a: {  	v0 =	vunpack.i.u.bf16.f32 v0;
	[tilespmem:s1+$0x20] =	vst v1  }
0x7b: {  	[tilespmem:s1+$0x30] =	vst v0  }
0x7c: {  	[spmem:s2] =	stream.indirect.scatter.add.f32 [tilespmem:s19], [sflag:$0x3], $0x80, s14, s15, $0xb8;
	[tilespmem:$0x1F000] =	vst v63  }
0x7d: {  	s22 =	simm.s32 $0x80  }
0x7e: {  	[tilespmem:s16], [sflag:$0x1] =	stream.indirect.gather [hbm4b:s4+s15], $0x40, s22, s15, $0xb8;
	[tilespmem:$0x1F000] =	vst v63  }
0x7f: {  	_ =	swait.ge [sflag:s21], $0x1000  }
0x80: {  	[sflag:s21] =	ssyncset.done $0x0  }
0x81: {  	s31 =	simm.s32 $0x0;
	[sflag:s21] =	ssyncadd.s32 $0xFFFFF000  }
0x82: {  	v0 =	vld [tilespmem:s31+$0x6000];
	_ =	sdelay $0x4  }
0x83: {  	s1 =	simm.s32 $0x9040;
	v1 =	vunpack.i.l.bf16.f32 v0  }
0x84: {  	v0 =	vunpack.i.u.bf16.f32 v0;
	[tilespmem:s1+$0xFFFFFFC0] =	vst v1  }
0x85: {  	[tilespmem:s1+$0xFFFFFFD0] =	vst v0  }
0x86: {  	v0 =	vld [tilespmem:s31+$0x6010];
	_ =	sdelay $0x4  }
0x87: {  	v1 =	vunpack.i.l.bf16.f32 v0  }
0x88: {  	v0 =	vunpack.i.u.bf16.f32 v0;
	[tilespmem:s1+$0xFFFFFFE0] =	vst v1  }
0x89: {  	[tilespmem:s1+$0xFFFFFFF0] =	vst v0  }
0x8a: {  	v0 =	vld [tilespmem:s31+$0x6020];
	_ =	sdelay $0x4  }
0x8b: {  	v1 =	vunpack.i.u.bf16.f32 v0  }
0x8c: {  	v0 =	vunpack.i.l.bf16.f32 v0;
	[tilespmem:s1+$0x10] =	vst v1  }
0x8d: {  	[tilespmem:s1+$0x0] =	vst v0  }
0x8e: {  	v0 =	vld [tilespmem:s31+$0x6030];
	_ =	sdelay $0x4  }
0x8f: {  	v1 =	vunpack.i.l.bf16.f32 v0  }
0x90: {  	v0 =	vunpack.i.u.bf16.f32 v0;
	[tilespmem:s1+$0x20] =	vst v1  }
0x91: {  	s0 =	simm.s32 $0x40;
	[tilespmem:s1+$0x30] =	vst v0  }
0x92: {  	v0 =	vld [tilespmem:s0+$0x6000]  }
0x93: {  	s20 =	simm.s32 $0x200  }
.LBB2_6:
0x94: {  	p0 =	sne.s32 s20, $0x3F00;
	_ =	sdelay $0x2  }
0x95: {  	s1 =	sadd.s32 $0x80, s1;
	v1 =	vunpack.i.l.bf16.f32 v0  }
0x96: {  	v0 =	vunpack.i.u.bf16.f32 v0;
	[tilespmem:s1+$0xFFFFFFC0] =	vst v1  }
0x97: {  	[tilespmem:s1+$0xFFFFFFD0] =	vst v0  }
0x98: {  	v0 =	vld [tilespmem:s0+$0x6010];
	_ =	sdelay $0x4  }
0x99: {  	v1 =	vunpack.i.l.bf16.f32 v0  }
0x9a: {  	v0 =	vunpack.i.u.bf16.f32 v0;
	[tilespmem:s1+$0xFFFFFFE0] =	vst v1  }
0x9b: {  	[tilespmem:s1+$0xFFFFFFF0] =	vst v0  }
0x9c: {  	v0 =	vld [tilespmem:s0+$0x6020];
	_ =	sdelay $0x4  }
0x9d: {  	v1 =	vunpack.i.u.bf16.f32 v0;
	v0 =	vunpack.i.l.bf16.f32 v0  }
0x9e: {  	[tilespmem:s1+$0x10] =	vst v1  }
0x9f: {  	[tilespmem:s1+$0x0] =	vst v0  }
0xa0: {  	v0 =	vld [tilespmem:s0+$0x6030];
	_ =	sdelay $0x4  }
.Ltmp2:
0xa1: {  	v1 =	vunpack.i.u.bf16.f32 v0;
	v0 =	vunpack.i.l.bf16.f32 v0;
	(pc) =	sbr.rel @p0 .LBB2_6-.Ltmp2, $4  }
0xa2: {  	[tilespmem:s1+$0x20] =	vst v0  }
0xa3: {  	s0 =	sshra.s32 s20, $0x2;
	[tilespmem:s1+$0x30] =	vst v1  }
0xa4: {  	v0 =	vld [tilespmem:s0+$0x6000]  }
0xa5: {  	s20 =	sadd.s32 $0x100, s20  }
0xa6: {  	_ =	sdelay $0x2  }
0xa7: {  	s1 =	sadd.s32 $0x80, s1;
	v1 =	vunpack.i.l.bf16.f32 v0  }
0xa8: {  	v60 =	vunpack.i.u.bf16.f32 v0;
	[tilespmem:s1+$0xFFFFFFC0] =	vst v1  }
0xa9: {  	[tilespmem:s1+$0xFFFFFFD0] =	vst v60  }
0xaa: {  	v0 =	vld [tilespmem:s0+$0x6010];
	_ =	sdelay $0x4  }
0xab: {  	v61 =	vunpack.i.l.bf16.f32 v0  }
0xac: {  	v0 =	vunpack.i.u.bf16.f32 v0;
	[tilespmem:s1+$0xFFFFFFE0] =	vst v61  }
0xad: {  	[tilespmem:s1+$0xFFFFFFF0] =	vst v0  }
0xae: {  	v0 =	vld [tilespmem:s0+$0x6020];
	_ =	sdelay $0x4  }
0xaf: {  	v62 =	vunpack.i.u.bf16.f32 v0  }
0xb0: {  	v0 =	vunpack.i.l.bf16.f32 v0;
	[tilespmem:s1+$0x10] =	vst v62  }
0xb1: {  	[tilespmem:s1+$0x0] =	vst v0  }
0xb2: {  	v0 =	vld [tilespmem:s0+$0x6030];
	_ =	sdelay $0x4  }
0xb3: {  	v63 =	vunpack.i.l.bf16.f32 v0  }
0xb4: {  	v0 =	vunpack.i.u.bf16.f32 v0;
	[tilespmem:s1+$0x20] =	vst v63  }
0xb5: {  	s22 =	simm.s32 $0x2840;
	[tilespmem:s1+$0x30] =	vst v0  }
0xb6: {  	[spmem:s2] =	stream.indirect.scatter.add.f32 [tilespmem:s23], [sflag:$0x4], $0x80, s22, s15, $0xb8;
	[tilespmem:$0x1F000] =	vst v63  }
0xb7: {  	s31 =	simm.s32 $0x0  }
0xb8: {  	[tilespmem:s17], [sflag:$0x2] =	stream.indirect.gather [hbm4b:s4+s15], $0x40, s24, s15, $0xb8;
	[tilespmem:$0x1F000] =	vst v63  }
.LBB2_8:
0xb9: {  	_ =	swait.ge [sflag:s18], $0x1000  }
0xba: {  	[sflag:s18] =	ssyncset.done $0x0  }
0xbb: {  	[sflag:s18] =	ssyncadd.s32 $0xFFFFF000  }
0xbc: {  	_ =	swait.ge [sflag:s25], $0x2000  }
0xbd: {  	[sflag:s25] =	ssyncset.done $0x0  }
0xbe: {  	s0 =	simm.s32 $0x0;
	[sflag:s25] =	ssyncadd.s32 $0xFFFFE000  }
0xbf: {  	v0 =	vld [tilespmem:s0+$0x5000];
	_ =	sdelay $0x4  }
0xc0: {  	s1 =	simm.s32 $0x7040;
	v1 =	vunpack.i.l.bf16.f32 v0  }
0xc1: {  	v0 =	vunpack.i.u.bf16.f32 v0;
	[tilespmem:s1+$0xFFFFFFC0] =	vst v1  }
0xc2: {  	[tilespmem:s1+$0xFFFFFFD0] =	vst v0  }
0xc3: {  	v0 =	vld [tilespmem:s0+$0x5010];
	_ =	sdelay $0x4  }
0xc4: {  	v1 =	vunpack.i.l.bf16.f32 v0  }
0xc5: {  	v0 =	vunpack.i.u.bf16.f32 v0;
	[tilespmem:s1+$0xFFFFFFE0] =	vst v1  }
0xc6: {  	[tilespmem:s1+$0xFFFFFFF0] =	vst v0  }
0xc7: {  	v0 =	vld [tilespmem:s0+$0x5020];
	_ =	sdelay $0x4  }
0xc8: {  	v1 =	vunpack.i.u.bf16.f32 v0  }
0xc9: {  	v0 =	vunpack.i.l.bf16.f32 v0;
	[tilespmem:s1+$0x10] =	vst v1  }
0xca: {  	[tilespmem:s1+$0x0] =	vst v0  }
0xcb: {  	v0 =	vld [tilespmem:s0+$0x5030];
	_ =	sdelay $0x4  }
0xcc: {  	v1 =	vunpack.i.l.bf16.f32 v0  }
0xcd: {  	v0 =	vunpack.i.u.bf16.f32 v0;
	[tilespmem:s1+$0x20] =	vst v1  }
0xce: {  	s0 =	simm.s32 $0x40;
	[tilespmem:s1+$0x30] =	vst v0  }
0xcf: {  	v0 =	vld [tilespmem:s0+$0x5000]  }
0xd0: {  	s20 =	simm.s32 $0x200  }
.LBB2_9:
0xd1: {  	p0 =	sne.s32 s20, $0x3F00;
	_ =	sdelay $0x2  }
0xd2: {  	s1 =	sadd.s32 $0x80, s1;
	v1 =	vunpack.i.l.bf16.f32 v0  }
0xd3: {  	v0 =	vunpack.i.u.bf16.f32 v0;
	[tilespmem:s1+$0xFFFFFFC0] =	vst v1  }
0xd4: {  	[tilespmem:s1+$0xFFFFFFD0] =	vst v0  }
0xd5: {  	v0 =	vld [tilespmem:s0+$0x5010];
	_ =	sdelay $0x4  }
0xd6: {  	v1 =	vunpack.i.l.bf16.f32 v0  }
0xd7: {  	v0 =	vunpack.i.u.bf16.f32 v0;
	[tilespmem:s1+$0xFFFFFFE0] =	vst v1  }
0xd8: {  	[tilespmem:s1+$0xFFFFFFF0] =	vst v0  }
0xd9: {  	v0 =	vld [tilespmem:s0+$0x5020];
	_ =	sdelay $0x4  }
0xda: {  	v1 =	vunpack.i.u.bf16.f32 v0;
	v0 =	vunpack.i.l.bf16.f32 v0  }
0xdb: {  	[tilespmem:s1+$0x10] =	vst v1  }
0xdc: {  	[tilespmem:s1+$0x0] =	vst v0  }
0xdd: {  	v0 =	vld [tilespmem:s0+$0x5030];
	_ =	sdelay $0x4  }
.Ltmp3:
0xde: {  	v1 =	vunpack.i.u.bf16.f32 v0;
	v0 =	vunpack.i.l.bf16.f32 v0;
	(pc) =	sbr.rel @p0 .LBB2_9-.Ltmp3, $4  }
0xdf: {  	[tilespmem:s1+$0x20] =	vst v0  }
0xe0: {  	s0 =	sshra.s32 s20, $0x2;
	[tilespmem:s1+$0x30] =	vst v1  }
0xe1: {  	v0 =	vld [tilespmem:s0+$0x5000]  }
0xe2: {  	s20 =	sadd.s32 $0x100, s20  }
0xe3: {  	_ =	sdelay $0x2  }
0xe4: {  	s20 =	sadd.s32 $0x80, s1;
	v1 =	vunpack.i.l.bf16.f32 v0  }
0xe5: {  	v0 =	vunpack.i.u.bf16.f32 v0;
	[tilespmem:s20+$0xFFFFFFC0] =	vst v1  }
0xe6: {  	[tilespmem:s20+$0xFFFFFFD0] =	vst v0  }
0xe7: {  	v0 =	vld [tilespmem:s0+$0x5010];
	_ =	sdelay $0x4  }
0xe8: {  	v1 =	vunpack.i.l.bf16.f32 v0  }
0xe9: {  	v0 =	vunpack.i.u.bf16.f32 v0;
	[tilespmem:s20+$0xFFFFFFE0] =	vst v1  }
0xea: {  	[tilespmem:s20+$0xFFFFFFF0] =	vst v0  }
0xeb: {  	v0 =	vld [tilespmem:s0+$0x5020];
	_ =	sdelay $0x4  }
0xec: {  	v1 =	vunpack.i.u.bf16.f32 v0  }
0xed: {  	v0 =	vunpack.i.l.bf16.f32 v0;
	[tilespmem:s20+$0x10] =	vst v1  }
0xee: {  	[tilespmem:s20+$0x0] =	vst v0  }
0xef: {  	v0 =	vld [tilespmem:s0+$0x5030];
	_ =	sdelay $0x4  }
0xf0: {  	s1 =	sshll.u32 s31, $0x7;
	v1 =	vunpack.i.l.bf16.f32 v0  }
0xf1: {  	s1 =	sand.u32 $0x3FFFFF80, s1;
	v0 =	vunpack.i.u.bf16.f32 v0;
	[tilespmem:s20+$0x20] =	vst v1  }
0xf2: {  	s0 =	sadd.s32 $0x2880, s1;
	[tilespmem:s20+$0x30] =	vst v0  }
0xf3: {  	[spmem:s2] =	stream.indirect.scatter.add.f32 [tilespmem:s19], [sflag:$0x3], $0x80, s0, s15, $0xb8;
	[tilespmem:$0x1F000] =	vst v63  }
0xf4: {  	s20 =	sadd.s32 $0x100, s1  }
0xf5: {  	[tilespmem:s16], [sflag:$0x1] =	stream.indirect.gather [hbm4b:s4+s15], $0x40, s20, s15, $0xb8;
	[tilespmem:$0x1F000] =	vst v63  }
0xf6: {  	_ =	swait.ge [sflag:s21], $0x1000  }
0xf7: {  	[sflag:s21] =	ssyncset.done $0x0  }
0xf8: {  	[sflag:s21] =	ssyncadd.s32 $0xFFFFF000  }
0xf9: {  	_ =	swait.ge [sflag:s26], $0x2000  }
0xfa: {  	[sflag:s26] =	ssyncset.done $0x0  }
0xfb: {  	s22 =	simm.s32 $0x0;
	[sflag:s26] =	ssyncadd.s32 $0xFFFFE000  }
0xfc: {  	v0 =	vld [tilespmem:s22+$0x6000];
	_ =	sdelay $0x4  }
0xfd: {  	s0 =	simm.s32 $0x9040;
	v1 =	vunpack.i.l.bf16.f32 v0  }
0xfe: {  	v0 =	vunpack.i.u.bf16.f32 v0;
	[tilespmem:s0+$0xFFFFFFC0] =	vst v1  }
0xff: {  	[tilespmem:s0+$0xFFFFFFD0] =	vst v0  }
0x100: {  	v0 =	vld [tilespmem:s22+$0x6010];
	_ =	sdelay $0x4  }
0x101: {  	v1 =	vunpack.i.l.bf16.f32 v0  }
0x102: {  	v0 =	vunpack.i.u.bf16.f32 v0;
	[tilespmem:s0+$0xFFFFFFE0] =	vst v1  }
0x103: {  	[tilespmem:s0+$0xFFFFFFF0] =	vst v0  }
0x104: {  	v0 =	vld [tilespmem:s22+$0x6020];
	_ =	sdelay $0x4  }
0x105: {  	v1 =	vunpack.i.u.bf16.f32 v0  }
0x106: {  	v0 =	vunpack.i.l.bf16.f32 v0;
	[tilespmem:s0+$0x10] =	vst v1  }
0x107: {  	[tilespmem:s0+$0x0] =	vst v0  }
0x108: {  	v0 =	vld [tilespmem:s22+$0x6030];
	_ =	sdelay $0x4  }
0x109: {  	v1 =	vunpack.i.l.bf16.f32 v0  }
0x10a: {  	v0 =	vunpack.i.u.bf16.f32 v0;
	[tilespmem:s0+$0x20] =	vst v1  }
0x10b: {  	s20 =	simm.s32 $0x40;
	[tilespmem:s0+$0x30] =	vst v0  }
0x10c: {  	v0 =	vld [tilespmem:s20+$0x6000]  }
0x10d: {  	s22 =	simm.s32 $0x200  }
.LBB2_11:
0x10e: {  	p0 =	sne.s32 s22, $0x3F00;
	_ =	sdelay $0x2  }
0x10f: {  	s0 =	sadd.s32 $0x80, s0;
	v1 =	vunpack.i.l.bf16.f32 v0  }
0x110: {  	v0 =	vunpack.i.u.bf16.f32 v0;
	[tilespmem:s0+$0xFFFFFFC0] =	vst v1  }
0x111: {  	[tilespmem:s0+$0xFFFFFFD0] =	vst v0  }
0x112: {  	v0 =	vld [tilespmem:s20+$0x6010];
	_ =	sdelay $0x4  }
0x113: {  	v1 =	vunpack.i.l.bf16.f32 v0  }
0x114: {  	v0 =	vunpack.i.u.bf16.f32 v0;
	[tilespmem:s0+$0xFFFFFFE0] =	vst v1  }
0x115: {  	[tilespmem:s0+$0xFFFFFFF0] =	vst v0  }
0x116: {  	v0 =	vld [tilespmem:s20+$0x6020];
	_ =	sdelay $0x4  }
0x117: {  	v1 =	vunpack.i.u.bf16.f32 v0;
	v0 =	vunpack.i.l.bf16.f32 v0  }
0x118: {  	[tilespmem:s0+$0x10] =	vst v1  }
0x119: {  	[tilespmem:s0+$0x0] =	vst v0  }
0x11a: {  	v0 =	vld [tilespmem:s20+$0x6030];
	_ =	sdelay $0x4  }
.Ltmp4:
0x11b: {  	v1 =	vunpack.i.u.bf16.f32 v0;
	v0 =	vunpack.i.l.bf16.f32 v0;
	(pc) =	sbr.rel @p0 .LBB2_11-.Ltmp4, $4  }
0x11c: {  	[tilespmem:s0+$0x20] =	vst v0  }
0x11d: {  	s20 =	sshra.s32 s22, $0x2;
	[tilespmem:s0+$0x30] =	vst v1  }
0x11e: {  	v0 =	vld [tilespmem:s20+$0x6000]  }
0x11f: {  	s22 =	sadd.s32 $0x100, s22  }
0x120: {  	_ =	sdelay $0x2  }
0x121: {  	s0 =	sadd.s32 $0x80, s0;
	v1 =	vunpack.i.l.bf16.f32 v0  }
0x122: {  	v60 =	vunpack.i.u.bf16.f32 v0;
	[tilespmem:s0+$0xFFFFFFC0] =	vst v1  }
0x123: {  	[tilespmem:s0+$0xFFFFFFD0] =	vst v60  }
0x124: {  	v0 =	vld [tilespmem:s20+$0x6010];
	_ =	sdelay $0x4  }
0x125: {  	v61 =	vunpack.i.l.bf16.f32 v0  }
0x126: {  	v0 =	vunpack.i.u.bf16.f32 v0;
	[tilespmem:s0+$0xFFFFFFE0] =	vst v61  }
0x127: {  	[tilespmem:s0+$0xFFFFFFF0] =	vst v0  }
0x128: {  	v0 =	vld [tilespmem:s20+$0x6020];
	_ =	sdelay $0x4  }
0x129: {  	v62 =	vunpack.i.u.bf16.f32 v0  }
0x12a: {  	v0 =	vunpack.i.l.bf16.f32 v0;
	[tilespmem:s0+$0x10] =	vst v62  }
0x12b: {  	[tilespmem:s0+$0x0] =	vst v0  }
0x12c: {  	v0 =	vld [tilespmem:s20+$0x6030];
	_ =	sdelay $0x3  }
0x12d: {  	s31 =	sadd.s32 $0x1, s31  }
0x12e: {  	p0 =	sne.s32 s31, $0x4E;
	v63 =	vunpack.i.l.bf16.f32 v0  }
.Ltmp5:
0x12f: {  	v0 =	vunpack.i.u.bf16.f32 v0;
	[tilespmem:s0+$0x20] =	vst v63;
	(pc) =	sbr.rel @p0 .LBB2_8-.Ltmp5, $4  }
0x130: {  	s20 =	sadd.s32 $0x28C0, s1;
	[tilespmem:s0+$0x30] =	vst v0  }
0x131: {  	[spmem:s2] =	stream.indirect.scatter.add.f32 [tilespmem:s23], [sflag:$0x4], $0x80, s20, s15, $0xb8;
	[tilespmem:$0x1F000] =	vst v63  }
0x132: {  	s22 =	sadd.s32 $0x140, s1  }
0x133: {  	[tilespmem:s17], [sflag:$0x2] =	stream.indirect.gather [hbm4b:s4+s15], $0x40, s22, s15, $0xb8;
	[tilespmem:$0x1F000] =	vst v63  }
0x134: {  	_ =	swait.ge [sflag:s18], $0x1000  }
0x135: {  	[sflag:s18] =	ssyncset.done $0x0  }
0x136: {  	[sflag:s18] =	ssyncadd.s32 $0xFFFFF000  }
0x137: {  	_ =	swait.ge [sflag:s25], $0x2000  }
0x138: {  	[sflag:s25] =	ssyncset.done $0x0  }
0x139: {  	s1 =	simm.s32 $0x0;
	[sflag:s25] =	ssyncadd.s32 $0xFFFFE000  }
0x13a: {  	v0 =	vld [tilespmem:s1+$0x5000];
	_ =	sdelay $0x4  }
0x13b: {  	s0 =	simm.s32 $0x7040;
	v1 =	vunpack.i.l.bf16.f32 v0  }
0x13c: {  	v0 =	vunpack.i.u.bf16.f32 v0;
	[tilespmem:s0+$0xFFFFFFC0] =	vst v1  }
0x13d: {  	[tilespmem:s0+$0xFFFFFFD0] =	vst v0  }
0x13e: {  	v0 =	vld [tilespmem:s1+$0x5010];
	_ =	sdelay $0x4  }
0x13f: {  	v1 =	vunpack.i.l.bf16.f32 v0  }
0x140: {  	v0 =	vunpack.i.u.bf16.f32 v0;
	[tilespmem:s0+$0xFFFFFFE0] =	vst v1  }
0x141: {  	[tilespmem:s0+$0xFFFFFFF0] =	vst v0  }
0x142: {  	v0 =	vld [tilespmem:s1+$0x5020];
	_ =	sdelay $0x4  }
0x143: {  	v1 =	vunpack.i.u.bf16.f32 v0  }
0x144: {  	v0 =	vunpack.i.l.bf16.f32 v0;
	[tilespmem:s0+$0x10] =	vst v1  }
0x145: {  	[tilespmem:s0+$0x0] =	vst v0  }
0x146: {  	v0 =	vld [tilespmem:s1+$0x5030];
	_ =	sdelay $0x4  }
0x147: {  	v1 =	vunpack.i.l.bf16.f32 v0  }
0x148: {  	v0 =	vunpack.i.u.bf16.f32 v0;
	[tilespmem:s0+$0x20] =	vst v1  }
0x149: {  	s1 =	simm.s32 $0x40;
	[tilespmem:s0+$0x30] =	vst v0  }
0x14a: {  	v0 =	vld [tilespmem:s1+$0x5000]  }
0x14b: {  	s20 =	simm.s32 $0x200  }
.LBB2_14:
0x14c: {  	p0 =	sne.s32 s20, $0x3F00;
	_ =	sdelay $0x2  }
0x14d: {  	s0 =	sadd.s32 $0x80, s0;
	v1 =	vunpack.i.l.bf16.f32 v0  }
0x14e: {  	v0 =	vunpack.i.u.bf16.f32 v0;
	[tilespmem:s0+$0xFFFFFFC0] =	vst v1  }
0x14f: {  	[tilespmem:s0+$0xFFFFFFD0] =	vst v0  }
0x150: {  	v0 =	vld [tilespmem:s1+$0x5010];
	_ =	sdelay $0x4  }
0x151: {  	v1 =	vunpack.i.l.bf16.f32 v0  }
0x152: {  	v0 =	vunpack.i.u.bf16.f32 v0;
	[tilespmem:s0+$0xFFFFFFE0] =	vst v1  }
0x153: {  	[tilespmem:s0+$0xFFFFFFF0] =	vst v0  }
0x154: {  	v0 =	vld [tilespmem:s1+$0x5020];
	_ =	sdelay $0x4  }
0x155: {  	v1 =	vunpack.i.u.bf16.f32 v0;
	v0 =	vunpack.i.l.bf16.f32 v0  }
0x156: {  	[tilespmem:s0+$0x10] =	vst v1  }
0x157: {  	[tilespmem:s0+$0x0] =	vst v0  }
0x158: {  	v0 =	vld [tilespmem:s1+$0x5030];
	_ =	sdelay $0x4  }
.Ltmp6:
0x159: {  	v1 =	vunpack.i.u.bf16.f32 v0;
	v0 =	vunpack.i.l.bf16.f32 v0;
	(pc) =	sbr.rel @p0 .LBB2_14-.Ltmp6, $4  }
0x15a: {  	[tilespmem:s0+$0x20] =	vst v0  }
0x15b: {  	s1 =	sshra.s32 s20, $0x2;
	[tilespmem:s0+$0x30] =	vst v1  }
0x15c: {  	v0 =	vld [tilespmem:s1+$0x5000]  }
0x15d: {  	s20 =	sadd.s32 $0x100, s20  }
0x15e: {  	_ =	sdelay $0x2  }
0x15f: {  	s0 =	sadd.s32 $0x80, s0;
	v1 =	vunpack.i.l.bf16.f32 v0  }
0x160: {  	v0 =	vunpack.i.u.bf16.f32 v0;
	[tilespmem:s0+$0xFFFFFFC0] =	vst v1  }
0x161: {  	[tilespmem:s0+$0xFFFFFFD0] =	vst v0  }
0x162: {  	v0 =	vld [tilespmem:s1+$0x5010];
	_ =	sdelay $0x4  }
0x163: {  	v1 =	vunpack.i.l.bf16.f32 v0  }
0x164: {  	v0 =	vunpack.i.u.bf16.f32 v0;
	[tilespmem:s0+$0xFFFFFFE0] =	vst v1  }
0x165: {  	[tilespmem:s0+$0xFFFFFFF0] =	vst v0  }
0x166: {  	v0 =	vld [tilespmem:s1+$0x5020];
	_ =	sdelay $0x4  }
0x167: {  	v1 =	vunpack.i.u.bf16.f32 v0  }
0x168: {  	v0 =	vunpack.i.l.bf16.f32 v0;
	[tilespmem:s0+$0x10] =	vst v1  }
0x169: {  	[tilespmem:s0+$0x0] =	vst v0  }
0x16a: {  	v0 =	vld [tilespmem:s1+$0x5030];
	_ =	sdelay $0x4  }
0x16b: {  	v1 =	vunpack.i.l.bf16.f32 v0  }
0x16c: {  	v0 =	vunpack.i.u.bf16.f32 v0;
	[tilespmem:s0+$0x20] =	vst v1  }
0x16d: {  	[tilespmem:s0+$0x30] =	vst v0  }
0x16e: {  	[spmem:s2] =	stream.indirect.scatter.add.f32 [tilespmem:s19], [sflag:$0x3], $0x80, s28, s15, $0xb8;
	[tilespmem:$0x1F000] =	vst v63  }
0x16f: {  	_ =	swait.ge [sflag:s21], $0x1000  }
0x170: {  	[sflag:s21] =	ssyncset.done $0x0  }
0x171: {  	[sflag:s21] =	ssyncadd.s32 $0xFFFFF000  }
0x172: {  	_ =	swait.ge [sflag:s26], $0x2000  }
0x173: {  	[sflag:s26] =	ssyncset.done $0x0  }
0x174: {  	s31 =	simm.s32 $0x0;
	[sflag:s26] =	ssyncadd.s32 $0xFFFFE000  }
0x175: {  	v0 =	vld [tilespmem:s31+$0x6000];
	_ =	sdelay $0x4  }
0x176: {  	s0 =	simm.s32 $0x9040;
	v1 =	vunpack.i.l.bf16.f32 v0  }
0x177: {  	v0 =	vunpack.i.u.bf16.f32 v0;
	[tilespmem:s0+$0xFFFFFFC0] =	vst v1  }
0x178: {  	[tilespmem:s0+$0xFFFFFFD0] =	vst v0  }
0x179: {  	v0 =	vld [tilespmem:s31+$0x6010];
	_ =	sdelay $0x4  }
0x17a: {  	v1 =	vunpack.i.l.bf16.f32 v0  }
0x17b: {  	v0 =	vunpack.i.u.bf16.f32 v0;
	[tilespmem:s0+$0xFFFFFFE0] =	vst v1  }
0x17c: {  	[tilespmem:s0+$0xFFFFFFF0] =	vst v0  }
0x17d: {  	v0 =	vld [tilespmem:s31+$0x6020];
	_ =	sdelay $0x4  }
0x17e: {  	v1 =	vunpack.i.u.bf16.f32 v0  }
0x17f: {  	v0 =	vunpack.i.l.bf16.f32 v0;
	[tilespmem:s0+$0x10] =	vst v1  }
0x180: {  	[tilespmem:s0+$0x0] =	vst v0  }
0x181: {  	v0 =	vld [tilespmem:s31+$0x6030];
	_ =	sdelay $0x4  }
0x182: {  	v1 =	vunpack.i.l.bf16.f32 v0  }
0x183: {  	v0 =	vunpack.i.u.bf16.f32 v0;
	[tilespmem:s0+$0x20] =	vst v1  }
0x184: {  	s1 =	simm.s32 $0x40;
	[tilespmem:s0+$0x30] =	vst v0  }
0x185: {  	v0 =	vld [tilespmem:s1+$0x6000]  }
0x186: {  	s20 =	simm.s32 $0x200  }
.LBB2_16:
0x187: {  	p0 =	sne.s32 s20, $0x3F00;
	_ =	sdelay $0x2  }
0x188: {  	s0 =	sadd.s32 $0x80, s0;
	v1 =	vunpack.i.l.bf16.f32 v0  }
0x189: {  	v0 =	vunpack.i.u.bf16.f32 v0;
	[tilespmem:s0+$0xFFFFFFC0] =	vst v1  }
0x18a: {  	[tilespmem:s0+$0xFFFFFFD0] =	vst v0  }
0x18b: {  	v0 =	vld [tilespmem:s1+$0x6010];
	_ =	sdelay $0x4  }
0x18c: {  	v1 =	vunpack.i.l.bf16.f32 v0  }
0x18d: {  	v0 =	vunpack.i.u.bf16.f32 v0;
	[tilespmem:s0+$0xFFFFFFE0] =	vst v1  }
0x18e: {  	[tilespmem:s0+$0xFFFFFFF0] =	vst v0  }
0x18f: {  	v0 =	vld [tilespmem:s1+$0x6020];
	_ =	sdelay $0x4  }
0x190: {  	v1 =	vunpack.i.u.bf16.f32 v0;
	v0 =	vunpack.i.l.bf16.f32 v0  }
0x191: {  	[tilespmem:s0+$0x10] =	vst v1  }
0x192: {  	[tilespmem:s0+$0x0] =	vst v0  }
0x193: {  	v0 =	vld [tilespmem:s1+$0x6030];
	_ =	sdelay $0x4  }
.Ltmp7:
0x194: {  	v1 =	vunpack.i.u.bf16.f32 v0;
	v0 =	vunpack.i.l.bf16.f32 v0;
	(pc) =	sbr.rel @p0 .LBB2_16-.Ltmp7, $4  }
0x195: {  	[tilespmem:s0+$0x20] =	vst v0  }
0x196: {  	s1 =	sshra.s32 s20, $0x2;
	[tilespmem:s0+$0x30] =	vst v1  }
0x197: {  	v0 =	vld [tilespmem:s1+$0x6000]  }
0x198: {  	s20 =	sadd.s32 $0x100, s20  }
0x199: {  	_ =	sdelay $0x2  }
0x19a: {  	s0 =	sadd.s32 $0x80, s0;
	v1 =	vunpack.i.l.bf16.f32 v0  }
0x19b: {  	v60 =	vunpack.i.u.bf16.f32 v0;
	[tilespmem:s0+$0xFFFFFFC0] =	vst v1  }
0x19c: {  	[tilespmem:s0+$0xFFFFFFD0] =	vst v60  }
0x19d: {  	v0 =	vld [tilespmem:s1+$0x6010];
	_ =	sdelay $0x4  }
0x19e: {  	v61 =	vunpack.i.l.bf16.f32 v0  }
0x19f: {  	v0 =	vunpack.i.u.bf16.f32 v0;
	[tilespmem:s0+$0xFFFFFFE0] =	vst v61  }
0x1a0: {  	[tilespmem:s0+$0xFFFFFFF0] =	vst v0  }
0x1a1: {  	v0 =	vld [tilespmem:s1+$0x6020];
	_ =	sdelay $0x4  }
0x1a2: {  	v62 =	vunpack.i.u.bf16.f32 v0  }
0x1a3: {  	v0 =	vunpack.i.l.bf16.f32 v0;
	[tilespmem:s0+$0x10] =	vst v62  }
0x1a4: {  	[tilespmem:s0+$0x0] =	vst v0  }
0x1a5: {  	v0 =	vld [tilespmem:s1+$0x6030];
	_ =	sdelay $0x4  }
0x1a6: {  	v63 =	vunpack.i.l.bf16.f32 v0  }
0x1a7: {  	v0 =	vunpack.i.u.bf16.f32 v0;
	[tilespmem:s0+$0x20] =	vst v63  }
0x1a8: {  	[tilespmem:s0+$0x30] =	vst v0  }
0x1a9: {  	[spmem:s2] =	stream.indirect.scatter.add.f32 [tilespmem:s23], [sflag:$0x4], $0x80, s29, s15, $0xb8;
	[tilespmem:$0x1F000] =	vst v63  }
0x1aa: {  	_ =	swait.ge [sflag:s25], $0x2000  }
0x1ab: {  	[sflag:s25] =	ssyncset.done $0x0  }
0x1ac: {  	[sflag:s25] =	ssyncadd.s32 $0xFFFFE000  }
0x1ad: {  	_ =	swait.ge [sflag:s26], $0x2000  }
0x1ae: {  	s30 =	sadd.s32 $0x1, s30;
	[sflag:s26] =	ssyncset.done $0x0  }
0x1af: {  	p0 =	sne.s32 s30, s10;
	[sflag:s26] =	ssyncadd.s32 $0xFFFFE000  }
.Ltmp8:
0x1b0: {  	[bflag:$0x0] =	sbarrier.arrive $0xFFFF;
	(pc) =	sbr.rel @p0 .LBB2_1-.Ltmp8, $4  }
0x1b1: {  	[hbm:s11], [sflag:s6] =	dma.local [spmem:s12], $0x2800  }
0x1b2: {  	_ =	swait.ge [sflag:s13], $0x2800  }
0x1b3: {  	[sflag:s13] =	ssyncset.done $0x0  }
0x1b4: {  	[sflag:s13] =	ssyncadd.s32 $0xFFFFD800  }
0x1b5: {  	_ =	sfence.sel $0x180000  }
0x1b6: {  	[bflag:$0x0] =	sbarrier.arrive $0xFFFF  }
0x1b7: {  	_ =	strace $0x90000047  }
0x1b8: {  	s0 =	stileid.u32;
	[bflag:$0x2] =	sbarrier.arrive $0xFFFF  }
0x1b9: {  	p0 =	sne.s32 s0, $0x0;
	s0 =	rddreg [dreg:$0x3]  }
0x1ba: {  	s0 =	sadd.s32 @!p0 $0x100000, s0  }
0x1bb: {  	[sflag:s0] =	ssyncadd.tile.s32 @!p0 $0x1;
	_ =	shalt  }
.Lfunc_end2:
_tile_overlayer_lowered:
.L_overlay_start_2:
0x1bc: {  	(tag) =	ssettag $0x2  }
0x1bd: {  	s0 =	rddreg [dreg:$0x0];
	s2 =	stileid.u32  }
0x1be: {  	s1 =	rddreg [dreg:$0x1];
	p0 =	sne.s32 s2, $0x0  }
0x1bf: {  	s3 =	rddreg [dreg:$0x2];
	[bflag:$0x3] =	sbarrier.arrive $0xFFFF;
	s2 =	simm.s32 @!p0 $0x1C05  }
0x1c0: {  	[timem:s3], [sflag:s2] =	dma.local @!p0 [hbm:s0], s1  }
0x1c1: {  	s0 =	simm.s32 @!p0 $0x5  }
0x1c2: {  	_ =	swait.ge @!p0 [sflag:s0], s1  }
0x1c3: {  	s1 =	ssub.s32 @!p0 $0x0, s1;
	[sflag:s0] =	ssyncset.done @!p0 $0x0  }
0x1c4: {  	[sflag:s0] =	ssyncadd.s32 @!p0 s1  }
0x1c5: {  	[bflag:$0x3] =	sbarrier.arrive $0xFFFF  }
0x1c6: {  	_ =	shalt  }

</sc_bundles>
